<compile_context>
chip_gen: v7x
topology: tpu7x:2x2x1
jax: 0.10.2.dev20260603
libtpu: 0.0.44.dev20260713+nightly
codegen_flags: <defaults>
</compile_context>

<pallas_src>
import functools

import jax
import jax.numpy as jnp
import numpy as np
from jax import lax
from jax.experimental import pallas as pl
from jax.experimental.pallas import tpu as pltpu
from jax.experimental.pallas import tpu_sc as plsc

N_NODES = 10000
N_PAD = 10240
D_IN = 128
D_H = 64
D_OUT = 16

NC = 2
NS = 16
NW = NC * NS
CHUNK = 128
RPT = N_PAD // NS

_f32 = jnp.float32
_mesh = plsc.VectorSubcoreMesh(core_axis_name="c", subcore_axis_name="s")
_sc_params = pltpu.CompilerParams(use_tc_tiling_on_sc=False)


def _worker_split(wid, base, extra):
    start = base * wid + jnp.minimum(wid, extra)
    limit = base + jnp.where(wid < extra, 1, 0)
    return start, limit


def _load_chunks(src, start, extra_pred, base, idx_v):
    pltpu.sync_copy(src.at[pl.ds(start, base)], idx_v.at[pl.ds(0, base)])

    @pl.when(extra_pred)
    def _():
        pltpu.sync_copy(src.at[pl.ds(start + base, 1)],
                        idx_v.at[pl.ds(base, 1)])



def _deg_body(base, extra, dst_hbm, ones_hbm, zero_hbm, out_hbm,
              dst_v, ones_v, acc, sem):
    c = lax.axis_index("c")
    s = lax.axis_index("s")
    wid = c * NS + s
    start, limit = _worker_split(wid, base, extra)
    rows = pl.ds(s * RPT, RPT)
    pltpu.sync_copy(zero_hbm.at[rows], acc.at[rows])
    pltpu.sync_copy(ones_hbm, ones_v)
    _load_chunks(dst_hbm, start, wid < extra, base, dst_v)
    plsc.subcore_barrier()

    def fire(j, carry):
        @pl.when(j < limit)
        def _():
            pltpu.async_copy(ones_v, acc.at[dst_v.at[j]], sem, add=True)
        return carry

    lax.fori_loop(0, base + 1, fire, 0)

    def drain(j, carry):
        @pl.when(j < limit)
        def _():
            pltpu.make_async_copy(ones_v, acc.at[dst_v.at[0]], sem).wait()
        return carry

    lax.fori_loop(0, base + 1, drain, 0)
    plsc.subcore_barrier()
    pltpu.sync_copy(acc.at[rows], out_hbm.at[c].at[rows])


def _sc_degree(dst_rows, base, extra):
    kern = functools.partial(
        pl.kernel,
        out_type=jax.ShapeDtypeStruct((NC, N_PAD, 16), _f32),
        mesh=_mesh,
        scratch_types=[
            pltpu.VMEM((base + 1, CHUNK), jnp.int32),
            pltpu.VMEM((CHUNK, 16), _f32),
            pltpu.VMEM_SHARED((N_PAD, 16), _f32),
            pltpu.SemaphoreType.DMA,
        ],
        compiler_params=_sc_params,
    )(functools.partial(_deg_body, base, extra))
    ones = jnp.ones((CHUNK, 16), _f32)
    zeros = jnp.zeros((N_PAD, 16), _f32)
    return kern(dst_rows, ones, zeros)


def _agg_body(base, extra, d, g_hbm, src_hbm, dst_hbm, zero_hbm, out_hbm,
              src_v, dst_v, b0, b1, b2, b3,
              acc, sg0, sg1, sg2, sg3, ss0, ss1, ss2, ss3):
    bufs = (b0, b1, b2, b3)
    sgs = (sg0, sg1, sg2, sg3)
    sss = (ss0, ss1, ss2, ss3)
    c = lax.axis_index("c")
    s = lax.axis_index("s")
    wid = c * NS + s
    start, limit = _worker_split(wid, base, extra)
    rows = pl.ds(s * RPT, RPT)
    pltpu.sync_copy(zero_hbm.at[rows], acc.at[rows])
    _load_chunks(src_hbm, start, wid < extra, base, src_v)
    _load_chunks(dst_hbm, start, wid < extra, base, dst_v)
    plsc.subcore_barrier()

    mi = max(0, -(-(base - 3) // 4))
    main = 4 * mi

    for b in range(4):
        pltpu.async_copy(g_hbm.at[src_v.at[b]], bufs[b], sgs[b])

    def body(i, carry):
        for b in range(4):
            cb = 4 * i + b
            pltpu.make_async_copy(g_hbm.at[src_v.at[cb]], bufs[b],
                                  sgs[b]).wait()
            pltpu.async_copy(bufs[b], acc.at[dst_v.at[cb]], sss[b], add=True)
        for b in range(4):
            nb = 4 * i + 4 + b
            pltpu.make_async_copy(bufs[b], acc.at[dst_v.at[0]], sss[b]).wait()

            @pl.when(nb < limit)
            def _():
                pltpu.async_copy(g_hbm.at[src_v.at[nb]], bufs[b], sgs[b])
        return carry

    lax.fori_loop(0, mi, body, 0)

    for cb in range(main, base + 1):
        b = cb % 4

        @pl.when(cb < limit)
        def _(cb=cb, b=b):
            pltpu.make_async_copy(g_hbm.at[src_v.at[cb]], bufs[b],
                                  sgs[b]).wait()
            pltpu.sync_copy(bufs[b], acc.at[dst_v.at[cb]], add=True)
    plsc.subcore_barrier()
    pltpu.sync_copy(acc.at[rows], out_hbm.at[c].at[rows])


def _sc_aggregate(g, src_rows, dst_rows, base, extra, d):
    kern = functools.partial(
        pl.kernel,
        out_type=jax.ShapeDtypeStruct((NC, N_PAD, d), _f32),
        mesh=_mesh,
        scratch_types=[
            pltpu.VMEM((base + 1, CHUNK), jnp.int32),
            pltpu.VMEM((base + 1, CHUNK), jnp.int32),
            pltpu.VMEM((CHUNK, d), _f32),
            pltpu.VMEM((CHUNK, d), _f32),
            pltpu.VMEM((CHUNK, d), _f32),
            pltpu.VMEM((CHUNK, d), _f32),
            pltpu.VMEM_SHARED((N_PAD, d), _f32),
            pltpu.SemaphoreType.DMA,
            pltpu.SemaphoreType.DMA,
            pltpu.SemaphoreType.DMA,
            pltpu.SemaphoreType.DMA,
            pltpu.SemaphoreType.DMA,
            pltpu.SemaphoreType.DMA,
            pltpu.SemaphoreType.DMA,
            pltpu.SemaphoreType.DMA,
        ],
        compiler_params=_sc_params,
    )(functools.partial(_agg_body, base, extra, d))
    zeros = jnp.zeros((N_PAD, d), _f32)
    return kern(g, src_rows, dst_rows, zeros)



def _dinv_of(degp_ref):
    p = degp_ref[...]
    deg = p[0, :, 0:1] + p[1, :, 0:1] + 1.0
    return lax.rsqrt(deg)


def _matmul1_body(x_ref, w1_ref, h1_ref):
    h1_ref[...] = jnp.dot(x_ref[...], w1_ref[...],
                          preferred_element_type=_f32)


def _scale1_body(h1_ref, degp_ref, g1_ref):
    g1_ref[...] = h1_ref[...] * _dinv_of(degp_ref)


def _layer2_body(aggp_ref, g1_ref, degp_ref, b1_ref, w2_ref, g2_ref):
    dinv = _dinv_of(degp_ref)
    agg = aggp_ref[0] + aggp_ref[1] + g1_ref[...]
    out1 = agg * dinv + b1_ref[...]
    r = jnp.maximum(out1, 0.0)
    h2 = jnp.dot(r, w2_ref[...], preferred_element_type=_f32)
    g2_ref[...] = h2 * dinv


def _final_body(aggp_ref, g2_ref, degp_ref, b2_ref, out_ref):
    dinv = _dinv_of(degp_ref)
    agg = aggp_ref[0] + aggp_ref[1] + g2_ref[...]
    out_ref[...] = agg * dinv + b2_ref[...]


_TCG = 8
_TCB = N_PAD // _TCG


def _tc_matmul1(x_pad, W1):
    return pl.pallas_call(
        _matmul1_body,
        grid=(_TCG,),
        in_specs=[
            pl.BlockSpec((_TCB, D_IN), lambda i: (i, 0)),
            pl.BlockSpec((D_IN, D_H), lambda i: (0, 0)),
        ],
        out_specs=pl.BlockSpec((_TCB, D_H), lambda i: (i, 0)),
        out_shape=jax.ShapeDtypeStruct((N_PAD, D_H), _f32),
    )(x_pad, W1)


def _tc_scale1(h1, degp):
    return pl.pallas_call(
        _scale1_body,
        grid=(_TCG,),
        in_specs=[
            pl.BlockSpec((_TCB, D_H), lambda i: (i, 0)),
            pl.BlockSpec((NC, _TCB, 16), lambda i: (0, i, 0)),
        ],
        out_specs=pl.BlockSpec((_TCB, D_H), lambda i: (i, 0)),
        out_shape=jax.ShapeDtypeStruct((N_PAD, D_H), _f32),
    )(h1, degp)


def _tc_layer2(aggp1, g1, degp, b1, W2):
    return pl.pallas_call(
        _layer2_body,
        grid=(_TCG,),
        in_specs=[
            pl.BlockSpec((NC, _TCB, D_H), lambda i: (0, i, 0)),
            pl.BlockSpec((_TCB, D_H), lambda i: (i, 0)),
            pl.BlockSpec((NC, _TCB, 16), lambda i: (0, i, 0)),
            pl.BlockSpec((1, D_H), lambda i: (0, 0)),
            pl.BlockSpec((D_H, D_OUT), lambda i: (0, 0)),
        ],
        out_specs=pl.BlockSpec((_TCB, D_OUT), lambda i: (i, 0)),
        out_shape=jax.ShapeDtypeStruct((N_PAD, D_OUT), _f32),
    )(aggp1, g1, degp, b1, W2)


def _tc_final(aggp2, g2, degp, b2, n, blk):
    grid = n // blk
    return pl.pallas_call(
        _final_body,
        grid=(grid,),
        in_specs=[
            pl.BlockSpec((NC, blk, D_OUT), lambda i: (0, i, 0)),
            pl.BlockSpec((blk, D_OUT), lambda i: (i, 0)),
            pl.BlockSpec((NC, blk, 16), lambda i: (0, i, 0)),
            pl.BlockSpec((1, D_OUT), lambda i: (0, 0)),
        ],
        out_specs=pl.BlockSpec((blk, D_OUT), lambda i: (i, 0)),
        out_shape=jax.ShapeDtypeStruct((n, D_OUT), _f32),
    )(aggp2, g2, degp, b2)



def kernel(x, edge_index, W1, b1, W2, b2):
    n, e = x.shape[0], edge_index.shape[1]
    src_1d, dst_1d = edge_index[0], edge_index[1]
    if e % CHUNK or e // CHUNK < 4 * NW:
        e_pad = max(-(-e // CHUNK), 4 * NW) * CHUNK
        pad = jnp.asarray(N_NODES + (np.arange(e_pad - e, dtype=np.int32)
                                     % (N_PAD - N_NODES)))
        src_1d = jnp.concatenate([src_1d, pad])
        dst_1d = jnp.concatenate([dst_1d, pad])
        e = e_pad
    n_chunks = e // CHUNK
    base, extra = n_chunks // NW, n_chunks % NW
    dst_rows = dst_1d.reshape(n_chunks, CHUNK)
    (src_1d,) = lax.optimization_barrier((src_1d,))
    src_rows = src_1d.reshape(n_chunks, CHUNK)

    x_pad = jnp.zeros((N_PAD, D_IN), _f32).at[:n].set(x)

    degp = _sc_degree(dst_rows, base, extra)
    h1 = _tc_matmul1(x_pad, W1)
    g1 = _tc_scale1(h1, degp)
    aggp1 = _sc_aggregate(g1, src_rows, dst_rows, base, extra, D_H)
    g2 = _tc_layer2(aggp1, g1, degp, b1.reshape(1, D_H), W2)
    aggp2 = _sc_aggregate(g2, src_rows, dst_rows, base, extra, D_OUT)
    if n % 1000 == 0:
        return _tc_final(aggp2, g2, degp, b2.reshape(1, D_OUT), n, 1000)
    out = _tc_final(aggp2, g2, degp, b2.reshape(1, D_OUT), N_PAD, _TCB)
    return out[:n]

# --- scband reference (transcript-rebuilt; emitter-appended) ---
"""Pipeline reference for scband-gnn-65893388255397 (READ-ONLY COPY).

The authoritative reference and input builder live on the scoring server;
editing this copy changes nothing except your own understanding.
"""

import jax, jax.numpy as jnp
import numpy as np

N = 10000
E = 320000
D_IN = 128
D_H = 64
D_OUT = 16


def gcn_conv(x, edge_index, W, b):
    # GCNConv (PyG semantics): add self-loops, symmetric normalization,
    # x' = D^{-1/2} (A + I) D^{-1/2} X W + b
    num_nodes = x.shape[0]
    src = edge_index[0]
    dst = edge_index[1]
    loop = jnp.arange(num_nodes, dtype=src.dtype)
    src = jnp.concatenate([src, loop])
    dst = jnp.concatenate([dst, loop])
    h = x @ W
    deg = jnp.zeros((num_nodes,), dtype=x.dtype).at[dst].add(1.0)
    dinv = jnp.where(deg > 0, jax.lax.rsqrt(deg), 0.0)
    norm = dinv[src] * dinv[dst]
    msg = h[src] * norm[:, None]
    out = jax.ops.segment_sum(msg, dst, num_segments=num_nodes)
    return out + b


def setup_inputs(seed: int = 0) -> dict:
    key = jax.random.key(seed)
    ks = jax.random.split(key, 6)
    x = jax.random.normal(ks[0], (N, D_IN), dtype=jnp.float32)
    edge_index = jax.random.randint(ks[1], (2, E), 0, N, dtype=jnp.int32)
    W1 = jax.random.normal(ks[2], (D_IN, D_H), dtype=jnp.float32) * (1.0 / np.sqrt(D_IN))
    b1 = jnp.zeros((D_H,), dtype=jnp.float32)
    W2 = jax.random.normal(ks[3], (D_H, D_OUT), dtype=jnp.float32) * (1.0 / np.sqrt(D_H))
    b2 = jnp.zeros((D_OUT,), dtype=jnp.float32)
    return {"x": x, "edge_index": edge_index, "W1": W1, "b1": b1, "W2": W2, "b2": b2}


def reference(x, edge_index, W1, b1, W2, b2):
    h = gcn_conv(x, edge_index, W1, b1)
    h = jax.nn.relu(h)
    out = gcn_conv(h, edge_index, W2, b2)
    return out

if __name__ == "__main__":
    import jax
    _d = setup_inputs()
    print(jax.jit(kernel)(*tuple(_d.values())))

</pallas_src>

<mosaic_0001>
#map = affine_map<(d0, d1) -> (0, 0)>
#map1 = affine_map<(d0, d1) -> (0, 0, 0)>
module attributes {stable_mosaic.version = 14 : i64} {
  func.func @_deg_body(%arg0: i32, %arg1: i32, %arg2: memref<2500x128xi32, #tpu.memory_space<hbm>>, %arg3: memref<128x16xf32, #tpu.memory_space<hbm>>, %arg4: memref<10240x16xf32, #tpu.memory_space<hbm>>, %arg5: memref<2x10240x16xf32, #tpu.memory_space<hbm>>, %arg6: memref<79x128xi32, #tpu.memory_space<vmem>>, %arg7: memref<128x16xf32, #tpu.memory_space<vmem>>, %arg8: memref<10240x16xf32, #tpu.memory_space<vmem_shared>>, %arg9: memref<!tpu.dma_semaphore, #tpu.memory_space<semaphore_mem>>) attributes {dimension_semantics = [#tpu.dimension_semantics<core_parallel>, #tpu.dimension_semantics<subcore_parallel>], iteration_bounds = array<i64: 2, 16>, scalar_prefetch = 0 : i64, scratch_operands = 4 : i64, tpu.core_type = #tpu.core_type<sc_vector_subcore>, window_params = [{transform_indices = #map}, {transform_indices = #map}, {transform_indices = #map}, {transform_indices = #map1}]} {
    %mul3A = arith.constant 16 : i32
    %mul3A_0 = arith.muli %arg0, %mul3A : i32
    %add3A = arith.addi %mul3A_0, %arg1 : i32
    %mul3A_1 = arith.constant 78 : i32
    %mul3A_2 = arith.muli %mul3A_1, %add3A : i32
    %min3A = arith.constant 4 : i32
    %min3A_3 = arith.minsi %add3A, %min3A : i32
    %add3A_4 = arith.addi %mul3A_2, %min3A_3 : i32
    %lt3A = arith.constant 4 : i32
    %lt3A_5 = arith.cmpi slt, %add3A, %lt3A : i32
    %jit3A = arith.constant 1 : i32
    %jit3A_6 = arith.constant 0 : i32
    %select_n3A = arith.select %lt3A_5, %jit3A, %jit3A_6 : i32
    %add3A_7 = arith.constant 78 : i32
    %add3A_8 = arith.addi %add3A_7, %select_n3A : i32
    %mul3A_9 = arith.constant 640 : i32
    %mul3A_10 = arith.muli %arg1, %mul3A_9 : i32
    "tpu.region"() ({
      %run_scoped3A = tpu.sem_alloc : memref<!tpu.dma_semaphore, #tpu.memory_space<semaphore_mem>>
      %dma_start3A = arith.constant 0 : i32
      %dma_start3A_26 = tpu.memref_slice %arg8[%mul3A_10, %dma_start3A] : memref<10240x16xf32, #tpu.memory_space<vmem_shared>> -> memref<640x16xf32, #tpu.memory_space<vmem_shared>>
      %dma_start3A_27 = arith.constant 0 : i32
      %dma_start3A_28 = tpu.memref_slice %arg4[%mul3A_10, %dma_start3A_27] : memref<10240x16xf32, #tpu.memory_space<hbm>> -> memref<640x16xf32, #tpu.memory_space<hbm>>
      tpu.enqueue_dma source(%dma_start3A_28 : memref<640x16xf32, #tpu.memory_space<hbm>>) target(%dma_start3A_26 : memref<640x16xf32, #tpu.memory_space<vmem_shared>>) target_semaphore(%run_scoped3A : memref<!tpu.dma_semaphore, #tpu.memory_space<semaphore_mem>>)
      %dma_wait3A = arith.constant 0 : i32
      %dma_wait3A_29 = tpu.memref_slice %arg8[%mul3A_10, %dma_wait3A] : memref<10240x16xf32, #tpu.memory_space<vmem_shared>> -> memref<640x16xf32, #tpu.memory_space<vmem_shared>>
      %dma_wait3A_30 = arith.constant 0 : i32
      %dma_wait3A_31 = tpu.memref_slice %arg4[%mul3A_10, %dma_wait3A_30] : memref<10240x16xf32, #tpu.memory_space<hbm>> -> memref<640x16xf32, #tpu.memory_space<hbm>>
      tpu.wait_dma2 semaphore(%run_scoped3A : memref<!tpu.dma_semaphore, #tpu.memory_space<semaphore_mem>>) src(%dma_wait3A_31 : memref<640x16xf32, #tpu.memory_space<hbm>>) dst(%dma_wait3A_29 : memref<640x16xf32, #tpu.memory_space<vmem_shared>>)
      tpu.yield
    }) : () -> ()
    "tpu.region"() ({
      %run_scoped3A = tpu.sem_alloc : memref<!tpu.dma_semaphore, #tpu.memory_space<semaphore_mem>>
      tpu.enqueue_dma source(%arg3 : memref<128x16xf32, #tpu.memory_space<hbm>>) target(%arg7 : memref<128x16xf32, #tpu.memory_space<vmem>>) target_semaphore(%run_scoped3A : memref<!tpu.dma_semaphore, #tpu.memory_space<semaphore_mem>>)
      tpu.wait_dma2 semaphore(%run_scoped3A : memref<!tpu.dma_semaphore, #tpu.memory_space<semaphore_mem>>) src(%arg3 : memref<128x16xf32, #tpu.memory_space<hbm>>) dst(%arg7 : memref<128x16xf32, #tpu.memory_space<vmem>>)
      tpu.yield
    }) : () -> ()
    %lt3A_11 = arith.constant 4 : i32
    %lt3A_12 = arith.cmpi slt, %add3A, %lt3A_11 : i32
    "tpu.region"() ({
      %run_scoped3A = tpu.sem_alloc : memref<!tpu.dma_semaphore, #tpu.memory_space<semaphore_mem>>
      %dma_start3A = arith.constant 0 : i32
      %dma_start3A_26 = arith.constant 0 : i32
      %dma_start3A_27 = tpu.memref_slice %arg6[%dma_start3A, %dma_start3A_26] : memref<79x128xi32, #tpu.memory_space<vmem>> -> memref<78x128xi32, #tpu.memory_space<vmem>>
      %dma_start3A_28 = arith.constant 0 : i32
      %dma_start3A_29 = tpu.memref_slice %arg2[%add3A_4, %dma_start3A_28] : memref<2500x128xi32, #tpu.memory_space<hbm>> -> memref<78x128xi32, #tpu.memory_space<hbm>>
      %dma_start3A_30 = arith.constant 0 : i32
      %dma_start3A_31 = arith.constant 0 : i32
      %dma_start3A_32 = tpu.memref_slice %arg6[%dma_start3A_30, %dma_start3A_31] : memref<79x128xi32, #tpu.memory_space<vmem>> -> memref<78x128xi32, #tpu.memory_space<vmem>>
      %dma_start3A_33 = arith.constant 0 : i32
      %dma_start3A_34 = tpu.memref_slice %arg2[%add3A_4, %dma_start3A_33] : memref<2500x128xi32, #tpu.memory_space<hbm>> -> memref<78x128xi32, #tpu.memory_space<hbm>>
      tpu.enqueue_dma source(%dma_start3A_34 : memref<78x128xi32, #tpu.memory_space<hbm>>) target(%dma_start3A_32 : memref<78x128xi32, #tpu.memory_space<vmem>>) target_semaphore(%run_scoped3A : memref<!tpu.dma_semaphore, #tpu.memory_space<semaphore_mem>>)
      %dma_wait3A = arith.constant 0 : i32
      %dma_wait3A_35 = arith.constant 0 : i32
      %dma_wait3A_36 = tpu.memref_slice %arg6[%dma_wait3A, %dma_wait3A_35] : memref<79x128xi32, #tpu.memory_space<vmem>> -> memref<78x128xi32, #tpu.memory_space<vmem>>
      %dma_wait3A_37 = arith.constant 0 : i32
      %dma_wait3A_38 = tpu.memref_slice %arg2[%add3A_4, %dma_wait3A_37] : memref<2500x128xi32, #tpu.memory_space<hbm>> -> memref<78x128xi32, #tpu.memory_space<hbm>>
      %dma_wait3A_39 = arith.constant 0 : i32
      %dma_wait3A_40 = arith.constant 0 : i32
      %dma_wait3A_41 = tpu.memref_slice %arg6[%dma_wait3A_39, %dma_wait3A_40] : memref<79x128xi32, #tpu.memory_space<vmem>> -> memref<78x128xi32, #tpu.memory_space<vmem>>
      %dma_wait3A_42 = arith.constant 0 : i32
      %dma_wait3A_43 = tpu.memref_slice %arg2[%add3A_4, %dma_wait3A_42] : memref<2500x128xi32, #tpu.memory_space<hbm>> -> memref<78x128xi32, #tpu.memory_space<hbm>>
      tpu.wait_dma2 semaphore(%run_scoped3A : memref<!tpu.dma_semaphore, #tpu.memory_space<semaphore_mem>>) src(%dma_wait3A_43 : memref<78x128xi32, #tpu.memory_space<hbm>>) dst(%dma_wait3A_41 : memref<78x128xi32, #tpu.memory_space<vmem>>)
      tpu.yield
    }) : () -> ()
    %convert_element_type3A = arith.extui %lt3A_12 : i1 to i32
    %cond3A = arith.constant 0 : i32
    %cond3A_13 = arith.cmpi ne, %convert_element_type3A, %cond3A : i32
    scf.if %cond3A_13 {
      %add3A_26 = arith.constant 78 : i32
      %add3A_27 = arith.addi %add3A_4, %add3A_26 : i32
      "tpu.region"() ({
        %run_scoped3A = tpu.sem_alloc : memref<!tpu.dma_semaphore, #tpu.memory_space<semaphore_mem>>
        %dma_start3A = arith.constant 78 : i32
        %dma_start3A_28 = arith.constant 0 : i32
        %dma_start3A_29 = tpu.memref_slice %arg6[%dma_start3A, %dma_start3A_28] : memref<79x128xi32, #tpu.memory_space<vmem>> -> memref<1x128xi32, #tpu.memory_space<vmem>>
        %dma_start3A_30 = arith.constant 0 : i32
        %dma_start3A_31 = tpu.memref_slice %arg2[%add3A_27, %dma_start3A_30] : memref<2500x128xi32, #tpu.memory_space<hbm>> -> memref<1x128xi32, #tpu.memory_space<hbm>>
        %dma_start3A_32 = arith.constant 78 : i32
        %dma_start3A_33 = arith.constant 0 : i32
        %dma_start3A_34 = tpu.memref_slice %arg6[%dma_start3A_32, %dma_start3A_33] : memref<79x128xi32, #tpu.memory_space<vmem>> -> memref<1x128xi32, #tpu.memory_space<vmem>>
        %dma_start3A_35 = arith.constant 0 : i32
        %dma_start3A_36 = tpu.memref_slice %arg2[%add3A_27, %dma_start3A_35] : memref<2500x128xi32, #tpu.memory_space<hbm>> -> memref<1x128xi32, #tpu.memory_space<hbm>>
        tpu.enqueue_dma source(%dma_start3A_36 : memref<1x128xi32, #tpu.memory_space<hbm>>) target(%dma_start3A_34 : memref<1x128xi32, #tpu.memory_space<vmem>>) target_semaphore(%run_scoped3A : memref<!tpu.dma_semaphore, #tpu.memory_space<semaphore_mem>>)
        %dma_wait3A = arith.constant 78 : i32
        %dma_wait3A_37 = arith.constant 0 : i32
        %dma_wait3A_38 = tpu.memref_slice %arg6[%dma_wait3A, %dma_wait3A_37] : memref<79x128xi32, #tpu.memory_space<vmem>> -> memref<1x128xi32, #tpu.memory_space<vmem>>
        %dma_wait3A_39 = arith.constant 0 : i32
        %dma_wait3A_40 = tpu.memref_slice %arg2[%add3A_27, %dma_wait3A_39] : memref<2500x128xi32, #tpu.memory_space<hbm>> -> memref<1x128xi32, #tpu.memory_space<hbm>>
        %dma_wait3A_41 = arith.constant 78 : i32
        %dma_wait3A_42 = arith.constant 0 : i32
        %dma_wait3A_43 = tpu.memref_slice %arg6[%dma_wait3A_41, %dma_wait3A_42] : memref<79x128xi32, #tpu.memory_space<vmem>> -> memref<1x128xi32, #tpu.memory_space<vmem>>
        %dma_wait3A_44 = arith.constant 0 : i32
        %dma_wait3A_45 = tpu.memref_slice %arg2[%add3A_27, %dma_wait3A_44] : memref<2500x128xi32, #tpu.memory_space<hbm>> -> memref<1x128xi32, #tpu.memory_space<hbm>>
        tpu.wait_dma2 semaphore(%run_scoped3A : memref<!tpu.dma_semaphore, #tpu.memory_space<semaphore_mem>>) src(%dma_wait3A_45 : memref<1x128xi32, #tpu.memory_space<hbm>>) dst(%dma_wait3A_43 : memref<1x128xi32, #tpu.memory_space<vmem>>)
        tpu.yield
      }) : () -> ()
    } else {
    }
    %barrier3A = arith.constant 0 : index
    tpu.barrier barrier_id(%barrier3A)
    %scan3A = arith.constant 0 : i32
    %scan3A_14 = arith.constant 0 : i32
    %scan3A_15 = arith.constant 79 : i32
    %scan3A_16 = arith.addi %scan3A_14, %scan3A_15 : i32
    %scan3A_17 = arith.constant 1 : i32
    scf.for %scan3A_26 = %scan3A_14 to %scan3A_16 step %scan3A_17  : i32 {
      %lt3A_27 = arith.cmpi slt, %scan3A_26, %add3A_8 : i32
      %convert_element_type3A_28 = arith.extui %lt3A_27 : i1 to i32
      %cond3A_29 = arith.constant 0 : i32
      %cond3A_30 = arith.cmpi ne, %convert_element_type3A_28, %cond3A_29 : i32
      scf.if %cond3A_30 {
        %dma_start3A = arith.constant 0 : i32
        %dma_start3A_31 = tpu.memref_slice %arg6[%scan3A_26, %dma_start3A] : memref<79x128xi32, #tpu.memory_space<vmem>> -> memref<1x128xi32, #tpu.memory_space<vmem>>
        %dma_start3A_32 = tpu.memref_squeeze %dma_start3A_31 : memref<1x128xi32, #tpu.memory_space<vmem>> -> memref<128xi32, #tpu.memory_space<vmem>>
        %dma_start3A_33 = arith.constant 0 : i32
        %dma_start3A_34 = arith.constant 0 : i32
        %dma_start3A_35 = tpu.memref_slice %arg8[%dma_start3A_33, %dma_start3A_34] : memref<10240x16xf32, #tpu.memory_space<vmem_shared>> -> memref<10240x16xf32, #tpu.memory_space<vmem_shared>>
        tpu.enqueue_indirect_dma source(%arg7 : memref<128x16xf32, #tpu.memory_space<vmem>>) target(%dma_start3A_35 : memref<10240x16xf32, #tpu.memory_space<vmem_shared>>) offsets(%dma_start3A_32 : memref<128xi32, #tpu.memory_space<vmem>>) semaphore(%arg9 : memref<!tpu.dma_semaphore, #tpu.memory_space<semaphore_mem>>) {add = true}
      } else {
      }
    }
    %scan3A_18 = arith.constant 79 : i32
    %scan3A_19 = arith.constant 0 : i32
    %scan3A_20 = arith.constant 0 : i32
    %scan3A_21 = arith.constant 79 : i32
    %scan3A_22 = arith.addi %scan3A_20, %scan3A_21 : i32
    %scan3A_23 = arith.constant 1 : i32
    scf.for %scan3A_26 = %scan3A_20 to %scan3A_22 step %scan3A_23  : i32 {
      %lt3A_27 = arith.cmpi slt, %scan3A_26, %add3A_8 : i32
      %convert_element_type3A_28 = arith.extui %lt3A_27 : i1 to i32
      %cond3A_29 = arith.constant 0 : i32
      %cond3A_30 = arith.cmpi ne, %convert_element_type3A_28, %cond3A_29 : i32
      scf.if %cond3A_30 {
        %dma_wait3A = arith.constant 0 : i32
        %dma_wait3A_31 = arith.constant 0 : i32
        %dma_wait3A_32 = tpu.memref_slice %arg6[%dma_wait3A, %dma_wait3A_31] : memref<79x128xi32, #tpu.memory_space<vmem>> -> memref<1x128xi32, #tpu.memory_space<vmem>>
        %dma_wait3A_33 = tpu.memref_squeeze %dma_wait3A_32 : memref<1x128xi32, #tpu.memory_space<vmem>> -> memref<128xi32, #tpu.memory_space<vmem>>
        %dma_wait3A_34 = arith.constant 0 : i32
        %dma_wait3A_35 = arith.constant 0 : i32
        %dma_wait3A_36 = tpu.memref_slice %arg8[%dma_wait3A_34, %dma_wait3A_35] : memref<10240x16xf32, #tpu.memory_space<vmem_shared>> -> memref<10240x16xf32, #tpu.memory_space<vmem_shared>>
        tpu.wait_indirect_dma semaphore(%arg9 : memref<!tpu.dma_semaphore, #tpu.memory_space<semaphore_mem>>) src(%arg7 : memref<128x16xf32, #tpu.memory_space<vmem>>) dst(%dma_wait3A_36 : memref<10240x16xf32, #tpu.memory_space<vmem_shared>>)
      } else {
      }
    }
    %scan3A_24 = arith.constant 79 : i32
    %barrier3A_25 = arith.constant 0 : index
    tpu.barrier barrier_id(%barrier3A_25)
    "tpu.region"() ({
      %run_scoped3A = tpu.sem_alloc : memref<!tpu.dma_semaphore, #tpu.memory_space<semaphore_mem>>
      %dma_start3A = arith.constant 0 : i32
      %dma_start3A_26 = arith.constant 0 : i32
      %dma_start3A_27 = tpu.memref_slice %arg5[%arg0, %dma_start3A, %dma_start3A_26] : memref<2x10240x16xf32, #tpu.memory_space<hbm>> -> memref<1x10240x16xf32, #tpu.memory_space<hbm>>
      %dma_start3A_28 = tpu.memref_squeeze %dma_start3A_27 : memref<1x10240x16xf32, #tpu.memory_space<hbm>> -> memref<10240x16xf32, #tpu.memory_space<hbm>>
      %dma_start3A_29 = arith.constant 0 : i32
      %dma_start3A_30 = tpu.memref_slice %dma_start3A_28[%mul3A_10, %dma_start3A_29] : memref<10240x16xf32, #tpu.memory_space<hbm>> -> memref<640x16xf32, #tpu.memory_space<hbm>>
      %dma_start3A_31 = arith.constant 0 : i32
      %dma_start3A_32 = tpu.memref_slice %arg8[%mul3A_10, %dma_start3A_31] : memref<10240x16xf32, #tpu.memory_space<vmem_shared>> -> memref<640x16xf32, #tpu.memory_space<vmem_shared>>
      tpu.enqueue_dma source(%dma_start3A_32 : memref<640x16xf32, #tpu.memory_space<vmem_shared>>) target(%dma_start3A_30 : memref<640x16xf32, #tpu.memory_space<hbm>>) target_semaphore(%run_scoped3A : memref<!tpu.dma_semaphore, #tpu.memory_space<semaphore_mem>>)
      %dma_wait3A = arith.constant 0 : i32
      %dma_wait3A_33 = arith.constant 0 : i32
      %dma_wait3A_34 = tpu.memref_slice %arg5[%arg0, %dma_wait3A, %dma_wait3A_33] : memref<2x10240x16xf32, #tpu.memory_space<hbm>> -> memref<1x10240x16xf32, #tpu.memory_space<hbm>>
      %dma_wait3A_35 = tpu.memref_squeeze %dma_wait3A_34 : memref<1x10240x16xf32, #tpu.memory_space<hbm>> -> memref<10240x16xf32, #tpu.memory_space<hbm>>
      %dma_wait3A_36 = arith.constant 0 : i32
      %dma_wait3A_37 = tpu.memref_slice %dma_wait3A_35[%mul3A_10, %dma_wait3A_36] : memref<10240x16xf32, #tpu.memory_space<hbm>> -> memref<640x16xf32, #tpu.memory_space<hbm>>
      %dma_wait3A_38 = arith.constant 0 : i32
      %dma_wait3A_39 = tpu.memref_slice %arg8[%mul3A_10, %dma_wait3A_38] : memref<10240x16xf32, #tpu.memory_space<vmem_shared>> -> memref<640x16xf32, #tpu.memory_space<vmem_shared>>
      tpu.wait_dma2 semaphore(%run_scoped3A : memref<!tpu.dma_semaphore, #tpu.memory_space<semaphore_mem>>) src(%dma_wait3A_39 : memref<640x16xf32, #tpu.memory_space<vmem_shared>>) dst(%dma_wait3A_37 : memref<640x16xf32, #tpu.memory_space<hbm>>)
      tpu.yield
    }) : () -> ()
    return
  }
}

#map = affine_map<(d0, d1) -> (0, 0)>
#map1 = affine_map<(d0, d1) -> (0, 0, 0)>
module attributes {stable_mosaic.version = 14 : i64} {
  func.func @_agg_body(%arg0: i32, %arg1: i32, %arg2: memref<10240x16xf32, #tpu.memory_space<hbm>>, %arg3: memref<2500x128xi32, #tpu.memory_space<hbm>>, %arg4: memref<2500x128xi32, #tpu.memory_space<hbm>>, %arg5: memref<10240x16xf32, #tpu.memory_space<hbm>>, %arg6: memref<2x10240x16xf32, #tpu.memory_space<hbm>>, %arg7: memref<79x128xi32, #tpu.memory_space<vmem>>, %arg8: memref<79x128xi32, #tpu.memory_space<vmem>>, %arg9: memref<128x16xf32, #tpu.memory_space<vmem>>, %arg10: memref<128x16xf32, #tpu.memory_space<vmem>>, %arg11: memref<128x16xf32, #tpu.memory_space<vmem>>, %arg12: memref<128x16xf32, #tpu.memory_space<vmem>>, %arg13: memref<10240x16xf32, #tpu.memory_space<vmem_shared>>, %arg14: memref<!tpu.dma_semaphore, #tpu.memory_space<semaphore_mem>>, %arg15: memref<!tpu.dma_semaphore, #tpu.memory_space<semaphore_mem>>, %arg16: memref<!tpu.dma_semaphore, #tpu.memory_space<semaphore_mem>>, %arg17: memref<!tpu.dma_semaphore, #tpu.memory_space<semaphore_mem>>, %arg18: memref<!tpu.dma_semaphore, #tpu.memory_space<semaphore_mem>>, %arg19: memref<!tpu.dma_semaphore, #tpu.memory_space<semaphore_mem>>, %arg20: memref<!tpu.dma_semaphore, #tpu.memory_space<semaphore_mem>>, %arg21: memref<!tpu.dma_semaphore, #tpu.memory_space<semaphore_mem>>) attributes {dimension_semantics = [#tpu.dimension_semantics<core_parallel>, #tpu.dimension_semantics<subcore_parallel>], iteration_bounds = array<i64: 2, 16>, scalar_prefetch = 0 : i64, scratch_operands = 15 : i64, tpu.core_type = #tpu.core_type<sc_vector_subcore>, window_params = [{transform_indices = #map}, {transform_indices = #map}, {transform_indices = #map}, {transform_indices = #map}, {transform_indices = #map1}]} {
    %mul3A = arith.constant 16 : i32
    %mul3A_0 = arith.muli %arg0, %mul3A : i32
    %add3A = arith.addi %mul3A_0, %arg1 : i32
    %mul3A_1 = arith.constant 78 : i32
    %mul3A_2 = arith.muli %mul3A_1, %add3A : i32
    %min3A = arith.constant 4 : i32
    %min3A_3 = arith.minsi %add3A, %min3A : i32
    %add3A_4 = arith.addi %mul3A_2, %min3A_3 : i32
    %lt3A = arith.constant 4 : i32
    %lt3A_5 = arith.cmpi slt, %add3A, %lt3A : i32
    %jit3A = arith.constant 1 : i32
    %jit3A_6 = arith.constant 0 : i32
    %select_n3A = arith.select %lt3A_5, %jit3A, %jit3A_6 : i32
    %add3A_7 = arith.constant 78 : i32
    %add3A_8 = arith.addi %add3A_7, %select_n3A : i32
    %mul3A_9 = arith.constant 640 : i32
    %mul3A_10 = arith.muli %arg1, %mul3A_9 : i32
    "tpu.region"() ({
      %run_scoped3A = tpu.sem_alloc : memref<!tpu.dma_semaphore, #tpu.memory_space<semaphore_mem>>
      %dma_start3A_66 = arith.constant 0 : i32
      %dma_start3A_67 = tpu.memref_slice %arg13[%mul3A_10, %dma_start3A_66] : memref<10240x16xf32, #tpu.memory_space<vmem_shared>> -> memref<640x16xf32, #tpu.memory_space<vmem_shared>>
      %dma_start3A_68 = arith.constant 0 : i32
      %dma_start3A_69 = tpu.memref_slice %arg5[%mul3A_10, %dma_start3A_68] : memref<10240x16xf32, #tpu.memory_space<hbm>> -> memref<640x16xf32, #tpu.memory_space<hbm>>
      tpu.enqueue_dma source(%dma_start3A_69 : memref<640x16xf32, #tpu.memory_space<hbm>>) target(%dma_start3A_67 : memref<640x16xf32, #tpu.memory_space<vmem_shared>>) target_semaphore(%run_scoped3A : memref<!tpu.dma_semaphore, #tpu.memory_space<semaphore_mem>>)
      %dma_wait3A = arith.constant 0 : i32
      %dma_wait3A_70 = tpu.memref_slice %arg13[%mul3A_10, %dma_wait3A] : memref<10240x16xf32, #tpu.memory_space<vmem_shared>> -> memref<640x16xf32, #tpu.memory_space<vmem_shared>>
      %dma_wait3A_71 = arith.constant 0 : i32
      %dma_wait3A_72 = tpu.memref_slice %arg5[%mul3A_10, %dma_wait3A_71] : memref<10240x16xf32, #tpu.memory_space<hbm>> -> memref<640x16xf32, #tpu.memory_space<hbm>>
      tpu.wait_dma2 semaphore(%run_scoped3A : memref<!tpu.dma_semaphore, #tpu.memory_space<semaphore_mem>>) src(%dma_wait3A_72 : memref<640x16xf32, #tpu.memory_space<hbm>>) dst(%dma_wait3A_70 : memref<640x16xf32, #tpu.memory_space<vmem_shared>>)
      tpu.yield
    }) : () -> ()
    %lt3A_11 = arith.constant 4 : i32
    %lt3A_12 = arith.cmpi slt, %add3A, %lt3A_11 : i32
    "tpu.region"() ({
      %run_scoped3A = tpu.sem_alloc : memref<!tpu.dma_semaphore, #tpu.memory_space<semaphore_mem>>
      %dma_start3A_66 = arith.constant 0 : i32
      %dma_start3A_67 = arith.constant 0 : i32
      %dma_start3A_68 = tpu.memref_slice %arg7[%dma_start3A_66, %dma_start3A_67] : memref<79x128xi32, #tpu.memory_space<vmem>> -> memref<78x128xi32, #tpu.memory_space<vmem>>
      %dma_start3A_69 = arith.constant 0 : i32
      %dma_start3A_70 = tpu.memref_slice %arg3[%add3A_4, %dma_start3A_69] : memref<2500x128xi32, #tpu.memory_space<hbm>> -> memref<78x128xi32, #tpu.memory_space<hbm>>
      %dma_start3A_71 = arith.constant 0 : i32
      %dma_start3A_72 = arith.constant 0 : i32
      %dma_start3A_73 = tpu.memref_slice %arg7[%dma_start3A_71, %dma_start3A_72] : memref<79x128xi32, #tpu.memory_space<vmem>> -> memref<78x128xi32, #tpu.memory_space<vmem>>
      %dma_start3A_74 = arith.constant 0 : i32
      %dma_start3A_75 = tpu.memref_slice %arg3[%add3A_4, %dma_start3A_74] : memref<2500x128xi32, #tpu.memory_space<hbm>> -> memref<78x128xi32, #tpu.memory_space<hbm>>
      tpu.enqueue_dma source(%dma_start3A_75 : memref<78x128xi32, #tpu.memory_space<hbm>>) target(%dma_start3A_73 : memref<78x128xi32, #tpu.memory_space<vmem>>) target_semaphore(%run_scoped3A : memref<!tpu.dma_semaphore, #tpu.memory_space<semaphore_mem>>)
      %dma_wait3A = arith.constant 0 : i32
      %dma_wait3A_76 = arith.constant 0 : i32
      %dma_wait3A_77 = tpu.memref_slice %arg7[%dma_wait3A, %dma_wait3A_76] : memref<79x128xi32, #tpu.memory_space<vmem>> -> memref<78x128xi32, #tpu.memory_space<vmem>>
      %dma_wait3A_78 = arith.constant 0 : i32
      %dma_wait3A_79 = tpu.memref_slice %arg3[%add3A_4, %dma_wait3A_78] : memref<2500x128xi32, #tpu.memory_space<hbm>> -> memref<78x128xi32, #tpu.memory_space<hbm>>
      %dma_wait3A_80 = arith.constant 0 : i32
      %dma_wait3A_81 = arith.constant 0 : i32
      %dma_wait3A_82 = tpu.memref_slice %arg7[%dma_wait3A_80, %dma_wait3A_81] : memref<79x128xi32, #tpu.memory_space<vmem>> -> memref<78x128xi32, #tpu.memory_space<vmem>>
      %dma_wait3A_83 = arith.constant 0 : i32
      %dma_wait3A_84 = tpu.memref_slice %arg3[%add3A_4, %dma_wait3A_83] : memref<2500x128xi32, #tpu.memory_space<hbm>> -> memref<78x128xi32, #tpu.memory_space<hbm>>
      tpu.wait_dma2 semaphore(%run_scoped3A : memref<!tpu.dma_semaphore, #tpu.memory_space<semaphore_mem>>) src(%dma_wait3A_84 : memref<78x128xi32, #tpu.memory_space<hbm>>) dst(%dma_wait3A_82 : memref<78x128xi32, #tpu.memory_space<vmem>>)
      tpu.yield
    }) : () -> ()
    %convert_element_type3A = arith.extui %lt3A_12 : i1 to i32
    %cond3A = arith.constant 0 : i32
    %cond3A_13 = arith.cmpi ne, %convert_element_type3A, %cond3A : i32
    scf.if %cond3A_13 {
      %add3A_66 = arith.constant 78 : i32
      %add3A_67 = arith.addi %add3A_4, %add3A_66 : i32
      "tpu.region"() ({
        %run_scoped3A = tpu.sem_alloc : memref<!tpu.dma_semaphore, #tpu.memory_space<semaphore_mem>>
        %dma_start3A_68 = arith.constant 78 : i32
        %dma_start3A_69 = arith.constant 0 : i32
        %dma_start3A_70 = tpu.memref_slice %arg7[%dma_start3A_68, %dma_start3A_69] : memref<79x128xi32, #tpu.memory_space<vmem>> -> memref<1x128xi32, #tpu.memory_space<vmem>>
        %dma_start3A_71 = arith.constant 0 : i32
        %dma_start3A_72 = tpu.memref_slice %arg3[%add3A_67, %dma_start3A_71] : memref<2500x128xi32, #tpu.memory_space<hbm>> -> memref<1x128xi32, #tpu.memory_space<hbm>>
        %dma_start3A_73 = arith.constant 78 : i32
        %dma_start3A_74 = arith.constant 0 : i32
        %dma_start3A_75 = tpu.memref_slice %arg7[%dma_start3A_73, %dma_start3A_74] : memref<79x128xi32, #tpu.memory_space<vmem>> -> memref<1x128xi32, #tpu.memory_space<vmem>>
        %dma_start3A_76 = arith.constant 0 : i32
        %dma_start3A_77 = tpu.memref_slice %arg3[%add3A_67, %dma_start3A_76] : memref<2500x128xi32, #tpu.memory_space<hbm>> -> memref<1x128xi32, #tpu.memory_space<hbm>>
        tpu.enqueue_dma source(%dma_start3A_77 : memref<1x128xi32, #tpu.memory_space<hbm>>) target(%dma_start3A_75 : memref<1x128xi32, #tpu.memory_space<vmem>>) target_semaphore(%run_scoped3A : memref<!tpu.dma_semaphore, #tpu.memory_space<semaphore_mem>>)
        %dma_wait3A = arith.constant 78 : i32
        %dma_wait3A_78 = arith.constant 0 : i32
        %dma_wait3A_79 = tpu.memref_slice %arg7[%dma_wait3A, %dma_wait3A_78] : memref<79x128xi32, #tpu.memory_space<vmem>> -> memref<1x128xi32, #tpu.memory_space<vmem>>
        %dma_wait3A_80 = arith.constant 0 : i32
        %dma_wait3A_81 = tpu.memref_slice %arg3[%add3A_67, %dma_wait3A_80] : memref<2500x128xi32, #tpu.memory_space<hbm>> -> memref<1x128xi32, #tpu.memory_space<hbm>>
        %dma_wait3A_82 = arith.constant 78 : i32
        %dma_wait3A_83 = arith.constant 0 : i32
        %dma_wait3A_84 = tpu.memref_slice %arg7[%dma_wait3A_82, %dma_wait3A_83] : memref<79x128xi32, #tpu.memory_space<vmem>> -> memref<1x128xi32, #tpu.memory_space<vmem>>
        %dma_wait3A_85 = arith.constant 0 : i32
        %dma_wait3A_86 = tpu.memref_slice %arg3[%add3A_67, %dma_wait3A_85] : memref<2500x128xi32, #tpu.memory_space<hbm>> -> memref<1x128xi32, #tpu.memory_space<hbm>>
        tpu.wait_dma2 semaphore(%run_scoped3A : memref<!tpu.dma_semaphore, #tpu.memory_space<semaphore_mem>>) src(%dma_wait3A_86 : memref<1x128xi32, #tpu.memory_space<hbm>>) dst(%dma_wait3A_84 : memref<1x128xi32, #tpu.memory_space<vmem>>)
        tpu.yield
      }) : () -> ()
    } else {
    }
    %lt3A_14 = arith.constant 4 : i32
    %lt3A_15 = arith.cmpi slt, %add3A, %lt3A_14 : i32
    "tpu.region"() ({
      %run_scoped3A = tpu.sem_alloc : memref<!tpu.dma_semaphore, #tpu.memory_space<semaphore_mem>>
      %dma_start3A_66 = arith.constant 0 : i32
      %dma_start3A_67 = arith.constant 0 : i32
      %dma_start3A_68 = tpu.memref_slice %arg8[%dma_start3A_66, %dma_start3A_67] : memref<79x128xi32, #tpu.memory_space<vmem>> -> memref<78x128xi32, #tpu.memory_space<vmem>>
      %dma_start3A_69 = arith.constant 0 : i32
      %dma_start3A_70 = tpu.memref_slice %arg4[%add3A_4, %dma_start3A_69] : memref<2500x128xi32, #tpu.memory_space<hbm>> -> memref<78x128xi32, #tpu.memory_space<hbm>>
      %dma_start3A_71 = arith.constant 0 : i32
      %dma_start3A_72 = arith.constant 0 : i32
      %dma_start3A_73 = tpu.memref_slice %arg8[%dma_start3A_71, %dma_start3A_72] : memref<79x128xi32, #tpu.memory_space<vmem>> -> memref<78x128xi32, #tpu.memory_space<vmem>>
      %dma_start3A_74 = arith.constant 0 : i32
      %dma_start3A_75 = tpu.memref_slice %arg4[%add3A_4, %dma_start3A_74] : memref<2500x128xi32, #tpu.memory_space<hbm>> -> memref<78x128xi32, #tpu.memory_space<hbm>>
      tpu.enqueue_dma source(%dma_start3A_75 : memref<78x128xi32, #tpu.memory_space<hbm>>) target(%dma_start3A_73 : memref<78x128xi32, #tpu.memory_space<vmem>>) target_semaphore(%run_scoped3A : memref<!tpu.dma_semaphore, #tpu.memory_space<semaphore_mem>>)
      %dma_wait3A = arith.constant 0 : i32
      %dma_wait3A_76 = arith.constant 0 : i32
      %dma_wait3A_77 = tpu.memref_slice %arg8[%dma_wait3A, %dma_wait3A_76] : memref<79x128xi32, #tpu.memory_space<vmem>> -> memref<78x128xi32, #tpu.memory_space<vmem>>
      %dma_wait3A_78 = arith.constant 0 : i32
      %dma_wait3A_79 = tpu.memref_slice %arg4[%add3A_4, %dma_wait3A_78] : memref<2500x128xi32, #tpu.memory_space<hbm>> -> memref<78x128xi32, #tpu.memory_space<hbm>>
      %dma_wait3A_80 = arith.constant 0 : i32
      %dma_wait3A_81 = arith.constant 0 : i32
      %dma_wait3A_82 = tpu.memref_slice %arg8[%dma_wait3A_80, %dma_wait3A_81] : memref<79x128xi32, #tpu.memory_space<vmem>> -> memref<78x128xi32, #tpu.memory_space<vmem>>
      %dma_wait3A_83 = arith.constant 0 : i32
      %dma_wait3A_84 = tpu.memref_slice %arg4[%add3A_4, %dma_wait3A_83] : memref<2500x128xi32, #tpu.memory_space<hbm>> -> memref<78x128xi32, #tpu.memory_space<hbm>>
      tpu.wait_dma2 semaphore(%run_scoped3A : memref<!tpu.dma_semaphore, #tpu.memory_space<semaphore_mem>>) src(%dma_wait3A_84 : memref<78x128xi32, #tpu.memory_space<hbm>>) dst(%dma_wait3A_82 : memref<78x128xi32, #tpu.memory_space<vmem>>)
      tpu.yield
    }) : () -> ()
    %convert_element_type3A_16 = arith.extui %lt3A_15 : i1 to i32
    %cond3A_17 = arith.constant 0 : i32
    %cond3A_18 = arith.cmpi ne, %convert_element_type3A_16, %cond3A_17 : i32
    scf.if %cond3A_18 {
      %add3A_66 = arith.constant 78 : i32
      %add3A_67 = arith.addi %add3A_4, %add3A_66 : i32
      "tpu.region"() ({
        %run_scoped3A = tpu.sem_alloc : memref<!tpu.dma_semaphore, #tpu.memory_space<semaphore_mem>>
        %dma_start3A_68 = arith.constant 78 : i32
        %dma_start3A_69 = arith.constant 0 : i32
        %dma_start3A_70 = tpu.memref_slice %arg8[%dma_start3A_68, %dma_start3A_69] : memref<79x128xi32, #tpu.memory_space<vmem>> -> memref<1x128xi32, #tpu.memory_space<vmem>>
        %dma_start3A_71 = arith.constant 0 : i32
        %dma_start3A_72 = tpu.memref_slice %arg4[%add3A_67, %dma_start3A_71] : memref<2500x128xi32, #tpu.memory_space<hbm>> -> memref<1x128xi32, #tpu.memory_space<hbm>>
        %dma_start3A_73 = arith.constant 78 : i32
        %dma_start3A_74 = arith.constant 0 : i32
        %dma_start3A_75 = tpu.memref_slice %arg8[%dma_start3A_73, %dma_start3A_74] : memref<79x128xi32, #tpu.memory_space<vmem>> -> memref<1x128xi32, #tpu.memory_space<vmem>>
        %dma_start3A_76 = arith.constant 0 : i32
        %dma_start3A_77 = tpu.memref_slice %arg4[%add3A_67, %dma_start3A_76] : memref<2500x128xi32, #tpu.memory_space<hbm>> -> memref<1x128xi32, #tpu.memory_space<hbm>>
        tpu.enqueue_dma source(%dma_start3A_77 : memref<1x128xi32, #tpu.memory_space<hbm>>) target(%dma_start3A_75 : memref<1x128xi32, #tpu.memory_space<vmem>>) target_semaphore(%run_scoped3A : memref<!tpu.dma_semaphore, #tpu.memory_space<semaphore_mem>>)
        %dma_wait3A = arith.constant 78 : i32
        %dma_wait3A_78 = arith.constant 0 : i32
        %dma_wait3A_79 = tpu.memref_slice %arg8[%dma_wait3A, %dma_wait3A_78] : memref<79x128xi32, #tpu.memory_space<vmem>> -> memref<1x128xi32, #tpu.memory_space<vmem>>
        %dma_wait3A_80 = arith.constant 0 : i32
        %dma_wait3A_81 = tpu.memref_slice %arg4[%add3A_67, %dma_wait3A_80] : memref<2500x128xi32, #tpu.memory_space<hbm>> -> memref<1x128xi32, #tpu.memory_space<hbm>>
        %dma_wait3A_82 = arith.constant 78 : i32
        %dma_wait3A_83 = arith.constant 0 : i32
        %dma_wait3A_84 = tpu.memref_slice %arg8[%dma_wait3A_82, %dma_wait3A_83] : memref<79x128xi32, #tpu.memory_space<vmem>> -> memref<1x128xi32, #tpu.memory_space<vmem>>
        %dma_wait3A_85 = arith.constant 0 : i32
        %dma_wait3A_86 = tpu.memref_slice %arg4[%add3A_67, %dma_wait3A_85] : memref<2500x128xi32, #tpu.memory_space<hbm>> -> memref<1x128xi32, #tpu.memory_space<hbm>>
        tpu.wait_dma2 semaphore(%run_scoped3A : memref<!tpu.dma_semaphore, #tpu.memory_space<semaphore_mem>>) src(%dma_wait3A_86 : memref<1x128xi32, #tpu.memory_space<hbm>>) dst(%dma_wait3A_84 : memref<1x128xi32, #tpu.memory_space<vmem>>)
        tpu.yield
      }) : () -> ()
    } else {
    }
    %barrier3A = arith.constant 0 : index
    tpu.barrier barrier_id(%barrier3A)
    %dma_start3A = arith.constant 0 : i32
    %dma_start3A_19 = arith.constant 0 : i32
    %dma_start3A_20 = tpu.memref_slice %arg7[%dma_start3A, %dma_start3A_19] : memref<79x128xi32, #tpu.memory_space<vmem>> -> memref<1x128xi32, #tpu.memory_space<vmem>>
    %dma_start3A_21 = tpu.memref_squeeze %dma_start3A_20 : memref<1x128xi32, #tpu.memory_space<vmem>> -> memref<128xi32, #tpu.memory_space<vmem>>
    %dma_start3A_22 = arith.constant 0 : i32
    %dma_start3A_23 = arith.constant 0 : i32
    %dma_start3A_24 = tpu.memref_slice %arg2[%dma_start3A_22, %dma_start3A_23] : memref<10240x16xf32, #tpu.memory_space<hbm>> -> memref<10240x16xf32, #tpu.memory_space<hbm>>
    tpu.enqueue_indirect_dma source(%dma_start3A_24 : memref<10240x16xf32, #tpu.memory_space<hbm>>) target(%arg9 : memref<128x16xf32, #tpu.memory_space<vmem>>) offsets(%dma_start3A_21 : memref<128xi32, #tpu.memory_space<vmem>>) semaphore(%arg14 : memref<!tpu.dma_semaphore, #tpu.memory_space<semaphore_mem>>)
    %dma_start3A_25 = arith.constant 1 : i32
    %dma_start3A_26 = arith.constant 0 : i32
    %dma_start3A_27 = tpu.memref_slice %arg7[%dma_start3A_25, %dma_start3A_26] : memref<79x128xi32, #tpu.memory_space<vmem>> -> memref<1x128xi32, #tpu.memory_space<vmem>>
    %dma_start3A_28 = tpu.memref_squeeze %dma_start3A_27 : memref<1x128xi32, #tpu.memory_space<vmem>> -> memref<128xi32, #tpu.memory_space<vmem>>
    %dma_start3A_29 = arith.constant 0 : i32
    %dma_start3A_30 = arith.constant 0 : i32
    %dma_start3A_31 = tpu.memref_slice %arg2[%dma_start3A_29, %dma_start3A_30] : memref<10240x16xf32, #tpu.memory_space<hbm>> -> memref<10240x16xf32, #tpu.memory_space<hbm>>
    tpu.enqueue_indirect_dma source(%dma_start3A_31 : memref<10240x16xf32, #tpu.memory_space<hbm>>) target(%arg10 : memref<128x16xf32, #tpu.memory_space<vmem>>) offsets(%dma_start3A_28 : memref<128xi32, #tpu.memory_space<vmem>>) semaphore(%arg15 : memref<!tpu.dma_semaphore, #tpu.memory_space<semaphore_mem>>)
    %dma_start3A_32 = arith.constant 2 : i32
    %dma_start3A_33 = arith.constant 0 : i32
    %dma_start3A_34 = tpu.memref_slice %arg7[%dma_start3A_32, %dma_start3A_33] : memref<79x128xi32, #tpu.memory_space<vmem>> -> memref<1x128xi32, #tpu.memory_space<vmem>>
    %dma_start3A_35 = tpu.memref_squeeze %dma_start3A_34 : memref<1x128xi32, #tpu.memory_space<vmem>> -> memref<128xi32, #tpu.memory_space<vmem>>
    %dma_start3A_36 = arith.constant 0 : i32
    %dma_start3A_37 = arith.constant 0 : i32
    %dma_start3A_38 = tpu.memref_slice %arg2[%dma_start3A_36, %dma_start3A_37] : memref<10240x16xf32, #tpu.memory_space<hbm>> -> memref<10240x16xf32, #tpu.memory_space<hbm>>
    tpu.enqueue_indirect_dma source(%dma_start3A_38 : memref<10240x16xf32, #tpu.memory_space<hbm>>) target(%arg11 : memref<128x16xf32, #tpu.memory_space<vmem>>) offsets(%dma_start3A_35 : memref<128xi32, #tpu.memory_space<vmem>>) semaphore(%arg16 : memref<!tpu.dma_semaphore, #tpu.memory_space<semaphore_mem>>)
    %dma_start3A_39 = arith.constant 3 : i32
    %dma_start3A_40 = arith.constant 0 : i32
    %dma_start3A_41 = tpu.memref_slice %arg7[%dma_start3A_39, %dma_start3A_40] : memref<79x128xi32, #tpu.memory_space<vmem>> -> memref<1x128xi32, #tpu.memory_space<vmem>>
    %dma_start3A_42 = tpu.memref_squeeze %dma_start3A_41 : memref<1x128xi32, #tpu.memory_space<vmem>> -> memref<128xi32, #tpu.memory_space<vmem>>
    %dma_start3A_43 = arith.constant 0 : i32
    %dma_start3A_44 = arith.constant 0 : i32
    %dma_start3A_45 = tpu.memref_slice %arg2[%dma_start3A_43, %dma_start3A_44] : memref<10240x16xf32, #tpu.memory_space<hbm>> -> memref<10240x16xf32, #tpu.memory_space<hbm>>
    tpu.enqueue_indirect_dma source(%dma_start3A_45 : memref<10240x16xf32, #tpu.memory_space<hbm>>) target(%arg12 : memref<128x16xf32, #tpu.memory_space<vmem>>) offsets(%dma_start3A_42 : memref<128xi32, #tpu.memory_space<vmem>>) semaphore(%arg17 : memref<!tpu.dma_semaphore, #tpu.memory_space<semaphore_mem>>)
    %scan3A = arith.constant 0 : i32
    %scan3A_46 = arith.constant 0 : i32
    %scan3A_47 = arith.constant 19 : i32
    %scan3A_48 = arith.addi %scan3A_46, %scan3A_47 : i32
    %scan3A_49 = arith.constant 1 : i32
    scf.for %scan3A_66 = %scan3A_46 to %scan3A_48 step %scan3A_49  : i32 {
      %mul3A_67 = arith.constant 4 : i32
      %mul3A_68 = arith.muli %mul3A_67, %scan3A_66 : i32
      %add3A_69 = arith.constant 0 : i32
      %add3A_70 = arith.addi %mul3A_68, %add3A_69 : i32
      %dma_wait3A = arith.constant 0 : i32
      %dma_wait3A_71 = tpu.memref_slice %arg7[%add3A_70, %dma_wait3A] : memref<79x128xi32, #tpu.memory_space<vmem>> -> memref<1x128xi32, #tpu.memory_space<vmem>>
      %dma_wait3A_72 = tpu.memref_squeeze %dma_wait3A_71 : memref<1x128xi32, #tpu.memory_space<vmem>> -> memref<128xi32, #tpu.memory_space<vmem>>
      %dma_wait3A_73 = arith.constant 0 : i32
      %dma_wait3A_74 = arith.constant 0 : i32
      %dma_wait3A_75 = tpu.memref_slice %arg2[%dma_wait3A_73, %dma_wait3A_74] : memref<10240x16xf32, #tpu.memory_space<hbm>> -> memref<10240x16xf32, #tpu.memory_space<hbm>>
      tpu.wait_indirect_dma semaphore(%arg14 : memref<!tpu.dma_semaphore, #tpu.memory_space<semaphore_mem>>) src(%dma_wait3A_75 : memref<10240x16xf32, #tpu.memory_space<hbm>>) dst(%arg9 : memref<128x16xf32, #tpu.memory_space<vmem>>)
      %dma_start3A_76 = arith.constant 0 : i32
      %dma_start3A_77 = tpu.memref_slice %arg8[%add3A_70, %dma_start3A_76] : memref<79x128xi32, #tpu.memory_space<vmem>> -> memref<1x128xi32, #tpu.memory_space<vmem>>
      %dma_start3A_78 = tpu.memref_squeeze %dma_start3A_77 : memref<1x128xi32, #tpu.memory_space<vmem>> -> memref<128xi32, #tpu.memory_space<vmem>>
      %dma_start3A_79 = arith.constant 0 : i32
      %dma_start3A_80 = arith.constant 0 : i32
      %dma_start3A_81 = tpu.memref_slice %arg13[%dma_start3A_79, %dma_start3A_80] : memref<10240x16xf32, #tpu.memory_space<vmem_shared>> -> memref<10240x16xf32, #tpu.memory_space<vmem_shared>>
      tpu.enqueue_indirect_dma source(%arg9 : memref<128x16xf32, #tpu.memory_space<vmem>>) target(%dma_start3A_81 : memref<10240x16xf32, #tpu.memory_space<vmem_shared>>) offsets(%dma_start3A_78 : memref<128xi32, #tpu.memory_space<vmem>>) semaphore(%arg18 : memref<!tpu.dma_semaphore, #tpu.memory_space<semaphore_mem>>) {add = true}
      %mul3A_82 = arith.constant 4 : i32
      %mul3A_83 = arith.muli %mul3A_82, %scan3A_66 : i32
      %add3A_84 = arith.constant 1 : i32
      %add3A_85 = arith.addi %mul3A_83, %add3A_84 : i32
      %dma_wait3A_86 = arith.constant 0 : i32
      %dma_wait3A_87 = tpu.memref_slice %arg7[%add3A_85, %dma_wait3A_86] : memref<79x128xi32, #tpu.memory_space<vmem>> -> memref<1x128xi32, #tpu.memory_space<vmem>>
      %dma_wait3A_88 = tpu.memref_squeeze %dma_wait3A_87 : memref<1x128xi32, #tpu.memory_space<vmem>> -> memref<128xi32, #tpu.memory_space<vmem>>
      %dma_wait3A_89 = arith.constant 0 : i32
      %dma_wait3A_90 = arith.constant 0 : i32
      %dma_wait3A_91 = tpu.memref_slice %arg2[%dma_wait3A_89, %dma_wait3A_90] : memref<10240x16xf32, #tpu.memory_space<hbm>> -> memref<10240x16xf32, #tpu.memory_space<hbm>>
      tpu.wait_indirect_dma semaphore(%arg15 : memref<!tpu.dma_semaphore, #tpu.memory_space<semaphore_mem>>) src(%dma_wait3A_91 : memref<10240x16xf32, #tpu.memory_space<hbm>>) dst(%arg10 : memref<128x16xf32, #tpu.memory_space<vmem>>)
      %dma_start3A_92 = arith.constant 0 : i32
      %dma_start3A_93 = tpu.memref_slice %arg8[%add3A_85, %dma_start3A_92] : memref<79x128xi32, #tpu.memory_space<vmem>> -> memref<1x128xi32, #tpu.memory_space<vmem>>
      %dma_start3A_94 = tpu.memref_squeeze %dma_start3A_93 : memref<1x128xi32, #tpu.memory_space<vmem>> -> memref<128xi32, #tpu.memory_space<vmem>>
      %dma_start3A_95 = arith.constant 0 : i32
      %dma_start3A_96 = arith.constant 0 : i32
      %dma_start3A_97 = tpu.memref_slice %arg13[%dma_start3A_95, %dma_start3A_96] : memref<10240x16xf32, #tpu.memory_space<vmem_shared>> -> memref<10240x16xf32, #tpu.memory_space<vmem_shared>>
      tpu.enqueue_indirect_dma source(%arg10 : memref<128x16xf32, #tpu.memory_space<vmem>>) target(%dma_start3A_97 : memref<10240x16xf32, #tpu.memory_space<vmem_shared>>) offsets(%dma_start3A_94 : memref<128xi32, #tpu.memory_space<vmem>>) semaphore(%arg19 : memref<!tpu.dma_semaphore, #tpu.memory_space<semaphore_mem>>) {add = true}
      %mul3A_98 = arith.constant 4 : i32
      %mul3A_99 = arith.muli %mul3A_98, %scan3A_66 : i32
      %add3A_100 = arith.constant 2 : i32
      %add3A_101 = arith.addi %mul3A_99, %add3A_100 : i32
      %dma_wait3A_102 = arith.constant 0 : i32
      %dma_wait3A_103 = tpu.memref_slice %arg7[%add3A_101, %dma_wait3A_102] : memref<79x128xi32, #tpu.memory_space<vmem>> -> memref<1x128xi32, #tpu.memory_space<vmem>>
      %dma_wait3A_104 = tpu.memref_squeeze %dma_wait3A_103 : memref<1x128xi32, #tpu.memory_space<vmem>> -> memref<128xi32, #tpu.memory_space<vmem>>
      %dma_wait3A_105 = arith.constant 0 : i32
      %dma_wait3A_106 = arith.constant 0 : i32
      %dma_wait3A_107 = tpu.memref_slice %arg2[%dma_wait3A_105, %dma_wait3A_106] : memref<10240x16xf32, #tpu.memory_space<hbm>> -> memref<10240x16xf32, #tpu.memory_space<hbm>>
      tpu.wait_indirect_dma semaphore(%arg16 : memref<!tpu.dma_semaphore, #tpu.memory_space<semaphore_mem>>) src(%dma_wait3A_107 : memref<10240x16xf32, #tpu.memory_space<hbm>>) dst(%arg11 : memref<128x16xf32, #tpu.memory_space<vmem>>)
      %dma_start3A_108 = arith.constant 0 : i32
      %dma_start3A_109 = tpu.memref_slice %arg8[%add3A_101, %dma_start3A_108] : memref<79x128xi32, #tpu.memory_space<vmem>> -> memref<1x128xi32, #tpu.memory_space<vmem>>
      %dma_start3A_110 = tpu.memref_squeeze %dma_start3A_109 : memref<1x128xi32, #tpu.memory_space<vmem>> -> memref<128xi32, #tpu.memory_space<vmem>>
      %dma_start3A_111 = arith.constant 0 : i32
      %dma_start3A_112 = arith.constant 0 : i32
      %dma_start3A_113 = tpu.memref_slice %arg13[%dma_start3A_111, %dma_start3A_112] : memref<10240x16xf32, #tpu.memory_space<vmem_shared>> -> memref<10240x16xf32, #tpu.memory_space<vmem_shared>>
      tpu.enqueue_indirect_dma source(%arg11 : memref<128x16xf32, #tpu.memory_space<vmem>>) target(%dma_start3A_113 : memref<10240x16xf32, #tpu.memory_space<vmem_shared>>) offsets(%dma_start3A_110 : memref<128xi32, #tpu.memory_space<vmem>>) semaphore(%arg20 : memref<!tpu.dma_semaphore, #tpu.memory_space<semaphore_mem>>) {add = true}
      %mul3A_114 = arith.constant 4 : i32
      %mul3A_115 = arith.muli %mul3A_114, %scan3A_66 : i32
      %add3A_116 = arith.constant 3 : i32
      %add3A_117 = arith.addi %mul3A_115, %add3A_116 : i32
      %dma_wait3A_118 = arith.constant 0 : i32
      %dma_wait3A_119 = tpu.memref_slice %arg7[%add3A_117, %dma_wait3A_118] : memref<79x128xi32, #tpu.memory_space<vmem>> -> memref<1x128xi32, #tpu.memory_space<vmem>>
      %dma_wait3A_120 = tpu.memref_squeeze %dma_wait3A_119 : memref<1x128xi32, #tpu.memory_space<vmem>> -> memref<128xi32, #tpu.memory_space<vmem>>
      %dma_wait3A_121 = arith.constant 0 : i32
      %dma_wait3A_122 = arith.constant 0 : i32
      %dma_wait3A_123 = tpu.memref_slice %arg2[%dma_wait3A_121, %dma_wait3A_122] : memref<10240x16xf32, #tpu.memory_space<hbm>> -> memref<10240x16xf32, #tpu.memory_space<hbm>>
      tpu.wait_indirect_dma semaphore(%arg17 : memref<!tpu.dma_semaphore, #tpu.memory_space<semaphore_mem>>) src(%dma_wait3A_123 : memref<10240x16xf32, #tpu.memory_space<hbm>>) dst(%arg12 : memref<128x16xf32, #tpu.memory_space<vmem>>)
      %dma_start3A_124 = arith.constant 0 : i32
      %dma_start3A_125 = tpu.memref_slice %arg8[%add3A_117, %dma_start3A_124] : memref<79x128xi32, #tpu.memory_space<vmem>> -> memref<1x128xi32, #tpu.memory_space<vmem>>
      %dma_start3A_126 = tpu.memref_squeeze %dma_start3A_125 : memref<1x128xi32, #tpu.memory_space<vmem>> -> memref<128xi32, #tpu.memory_space<vmem>>
      %dma_start3A_127 = arith.constant 0 : i32
      %dma_start3A_128 = arith.constant 0 : i32
      %dma_start3A_129 = tpu.memref_slice %arg13[%dma_start3A_127, %dma_start3A_128] : memref<10240x16xf32, #tpu.memory_space<vmem_shared>> -> memref<10240x16xf32, #tpu.memory_space<vmem_shared>>
      tpu.enqueue_indirect_dma source(%arg12 : memref<128x16xf32, #tpu.memory_space<vmem>>) target(%dma_start3A_129 : memref<10240x16xf32, #tpu.memory_space<vmem_shared>>) offsets(%dma_start3A_126 : memref<128xi32, #tpu.memory_space<vmem>>) semaphore(%arg21 : memref<!tpu.dma_semaphore, #tpu.memory_space<semaphore_mem>>) {add = true}
      %mul3A_130 = arith.constant 4 : i32
      %mul3A_131 = arith.muli %mul3A_130, %scan3A_66 : i32
      %add3A_132 = arith.constant 4 : i32
      %add3A_133 = arith.addi %mul3A_131, %add3A_132 : i32
      %add3A_134 = arith.constant 0 : i32
      %add3A_135 = arith.addi %add3A_133, %add3A_134 : i32
      %dma_wait3A_136 = arith.constant 0 : i32
      %dma_wait3A_137 = arith.constant 0 : i32
      %dma_wait3A_138 = tpu.memref_slice %arg8[%dma_wait3A_136, %dma_wait3A_137] : memref<79x128xi32, #tpu.memory_space<vmem>> -> memref<1x128xi32, #tpu.memory_space<vmem>>
      %dma_wait3A_139 = tpu.memref_squeeze %dma_wait3A_138 : memref<1x128xi32, #tpu.memory_space<vmem>> -> memref<128xi32, #tpu.memory_space<vmem>>
      %dma_wait3A_140 = arith.constant 0 : i32
      %dma_wait3A_141 = arith.constant 0 : i32
      %dma_wait3A_142 = tpu.memref_slice %arg13[%dma_wait3A_140, %dma_wait3A_141] : memref<10240x16xf32, #tpu.memory_space<vmem_shared>> -> memref<10240x16xf32, #tpu.memory_space<vmem_shared>>
      tpu.wait_indirect_dma semaphore(%arg18 : memref<!tpu.dma_semaphore, #tpu.memory_space<semaphore_mem>>) src(%arg9 : memref<128x16xf32, #tpu.memory_space<vmem>>) dst(%dma_wait3A_142 : memref<10240x16xf32, #tpu.memory_space<vmem_shared>>)
      %lt3A_143 = arith.cmpi slt, %add3A_135, %add3A_8 : i32
      %convert_element_type3A_144 = arith.extui %lt3A_143 : i1 to i32
      %cond3A_145 = arith.constant 0 : i32
      %cond3A_146 = arith.cmpi ne, %convert_element_type3A_144, %cond3A_145 : i32
      scf.if %cond3A_146 {
        %dma_start3A_198 = arith.constant 0 : i32
        %dma_start3A_199 = tpu.memref_slice %arg7[%add3A_135, %dma_start3A_198] : memref<79x128xi32, #tpu.memory_space<vmem>> -> memref<1x128xi32, #tpu.memory_space<vmem>>
        %dma_start3A_200 = tpu.memref_squeeze %dma_start3A_199 : memref<1x128xi32, #tpu.memory_space<vmem>> -> memref<128xi32, #tpu.memory_space<vmem>>
        %dma_start3A_201 = arith.constant 0 : i32
        %dma_start3A_202 = arith.constant 0 : i32
        %dma_start3A_203 = tpu.memref_slice %arg2[%dma_start3A_201, %dma_start3A_202] : memref<10240x16xf32, #tpu.memory_space<hbm>> -> memref<10240x16xf32, #tpu.memory_space<hbm>>
        tpu.enqueue_indirect_dma source(%dma_start3A_203 : memref<10240x16xf32, #tpu.memory_space<hbm>>) target(%arg9 : memref<128x16xf32, #tpu.memory_space<vmem>>) offsets(%dma_start3A_200 : memref<128xi32, #tpu.memory_space<vmem>>) semaphore(%arg14 : memref<!tpu.dma_semaphore, #tpu.memory_space<semaphore_mem>>)
      } else {
      }
      %mul3A_147 = arith.constant 4 : i32
      %mul3A_148 = arith.muli %mul3A_147, %scan3A_66 : i32
      %add3A_149 = arith.constant 4 : i32
      %add3A_150 = arith.addi %mul3A_148, %add3A_149 : i32
      %add3A_151 = arith.constant 1 : i32
      %add3A_152 = arith.addi %add3A_150, %add3A_151 : i32
      %dma_wait3A_153 = arith.constant 0 : i32
      %dma_wait3A_154 = arith.constant 0 : i32
      %dma_wait3A_155 = tpu.memref_slice %arg8[%dma_wait3A_153, %dma_wait3A_154] : memref<79x128xi32, #tpu.memory_space<vmem>> -> memref<1x128xi32, #tpu.memory_space<vmem>>
      %dma_wait3A_156 = tpu.memref_squeeze %dma_wait3A_155 : memref<1x128xi32, #tpu.memory_space<vmem>> -> memref<128xi32, #tpu.memory_space<vmem>>
      %dma_wait3A_157 = arith.constant 0 : i32
      %dma_wait3A_158 = arith.constant 0 : i32
      %dma_wait3A_159 = tpu.memref_slice %arg13[%dma_wait3A_157, %dma_wait3A_158] : memref<10240x16xf32, #tpu.memory_space<vmem_shared>> -> memref<10240x16xf32, #tpu.memory_space<vmem_shared>>
      tpu.wait_indirect_dma semaphore(%arg19 : memref<!tpu.dma_semaphore, #tpu.memory_space<semaphore_mem>>) src(%arg10 : memref<128x16xf32, #tpu.memory_space<vmem>>) dst(%dma_wait3A_159 : memref<10240x16xf32, #tpu.memory_space<vmem_shared>>)
      %lt3A_160 = arith.cmpi slt, %add3A_152, %add3A_8 : i32
      %convert_element_type3A_161 = arith.extui %lt3A_160 : i1 to i32
      %cond3A_162 = arith.constant 0 : i32
      %cond3A_163 = arith.cmpi ne, %convert_element_type3A_161, %cond3A_162 : i32
      scf.if %cond3A_163 {
        %dma_start3A_198 = arith.constant 0 : i32
        %dma_start3A_199 = tpu.memref_slice %arg7[%add3A_152, %dma_start3A_198] : memref<79x128xi32, #tpu.memory_space<vmem>> -> memref<1x128xi32, #tpu.memory_space<vmem>>
        %dma_start3A_200 = tpu.memref_squeeze %dma_start3A_199 : memref<1x128xi32, #tpu.memory_space<vmem>> -> memref<128xi32, #tpu.memory_space<vmem>>
        %dma_start3A_201 = arith.constant 0 : i32
        %dma_start3A_202 = arith.constant 0 : i32
        %dma_start3A_203 = tpu.memref_slice %arg2[%dma_start3A_201, %dma_start3A_202] : memref<10240x16xf32, #tpu.memory_space<hbm>> -> memref<10240x16xf32, #tpu.memory_space<hbm>>
        tpu.enqueue_indirect_dma source(%dma_start3A_203 : memref<10240x16xf32, #tpu.memory_space<hbm>>) target(%arg10 : memref<128x16xf32, #tpu.memory_space<vmem>>) offsets(%dma_start3A_200 : memref<128xi32, #tpu.memory_space<vmem>>) semaphore(%arg15 : memref<!tpu.dma_semaphore, #tpu.memory_space<semaphore_mem>>)
      } else {
      }
      %mul3A_164 = arith.constant 4 : i32
      %mul3A_165 = arith.muli %mul3A_164, %scan3A_66 : i32
      %add3A_166 = arith.constant 4 : i32
      %add3A_167 = arith.addi %mul3A_165, %add3A_166 : i32
      %add3A_168 = arith.constant 2 : i32
      %add3A_169 = arith.addi %add3A_167, %add3A_168 : i32
      %dma_wait3A_170 = arith.constant 0 : i32
      %dma_wait3A_171 = arith.constant 0 : i32
      %dma_wait3A_172 = tpu.memref_slice %arg8[%dma_wait3A_170, %dma_wait3A_171] : memref<79x128xi32, #tpu.memory_space<vmem>> -> memref<1x128xi32, #tpu.memory_space<vmem>>
      %dma_wait3A_173 = tpu.memref_squeeze %dma_wait3A_172 : memref<1x128xi32, #tpu.memory_space<vmem>> -> memref<128xi32, #tpu.memory_space<vmem>>
      %dma_wait3A_174 = arith.constant 0 : i32
      %dma_wait3A_175 = arith.constant 0 : i32
      %dma_wait3A_176 = tpu.memref_slice %arg13[%dma_wait3A_174, %dma_wait3A_175] : memref<10240x16xf32, #tpu.memory_space<vmem_shared>> -> memref<10240x16xf32, #tpu.memory_space<vmem_shared>>
      tpu.wait_indirect_dma semaphore(%arg20 : memref<!tpu.dma_semaphore, #tpu.memory_space<semaphore_mem>>) src(%arg11 : memref<128x16xf32, #tpu.memory_space<vmem>>) dst(%dma_wait3A_176 : memref<10240x16xf32, #tpu.memory_space<vmem_shared>>)
      %lt3A_177 = arith.cmpi slt, %add3A_169, %add3A_8 : i32
      %convert_element_type3A_178 = arith.extui %lt3A_177 : i1 to i32
      %cond3A_179 = arith.constant 0 : i32
      %cond3A_180 = arith.cmpi ne, %convert_element_type3A_178, %cond3A_179 : i32
      scf.if %cond3A_180 {
        %dma_start3A_198 = arith.constant 0 : i32
        %dma_start3A_199 = tpu.memref_slice %arg7[%add3A_169, %dma_start3A_198] : memref<79x128xi32, #tpu.memory_space<vmem>> -> memref<1x128xi32, #tpu.memory_space<vmem>>
        %dma_start3A_200 = tpu.memref_squeeze %dma_start3A_199 : memref<1x128xi32, #tpu.memory_space<vmem>> -> memref<128xi32, #tpu.memory_space<vmem>>
        %dma_start3A_201 = arith.constant 0 : i32
        %dma_start3A_202 = arith.constant 0 : i32
        %dma_start3A_203 = tpu.memref_slice %arg2[%dma_start3A_201, %dma_start3A_202] : memref<10240x16xf32, #tpu.memory_space<hbm>> -> memref<10240x16xf32, #tpu.memory_space<hbm>>
        tpu.enqueue_indirect_dma source(%dma_start3A_203 : memref<10240x16xf32, #tpu.memory_space<hbm>>) target(%arg11 : memref<128x16xf32, #tpu.memory_space<vmem>>) offsets(%dma_start3A_200 : memref<128xi32, #tpu.memory_space<vmem>>) semaphore(%arg16 : memref<!tpu.dma_semaphore, #tpu.memory_space<semaphore_mem>>)
      } else {
      }
      %mul3A_181 = arith.constant 4 : i32
      %mul3A_182 = arith.muli %mul3A_181, %scan3A_66 : i32
      %add3A_183 = arith.constant 4 : i32
      %add3A_184 = arith.addi %mul3A_182, %add3A_183 : i32
      %add3A_185 = arith.constant 3 : i32
      %add3A_186 = arith.addi %add3A_184, %add3A_185 : i32
      %dma_wait3A_187 = arith.constant 0 : i32
      %dma_wait3A_188 = arith.constant 0 : i32
      %dma_wait3A_189 = tpu.memref_slice %arg8[%dma_wait3A_187, %dma_wait3A_188] : memref<79x128xi32, #tpu.memory_space<vmem>> -> memref<1x128xi32, #tpu.memory_space<vmem>>
      %dma_wait3A_190 = tpu.memref_squeeze %dma_wait3A_189 : memref<1x128xi32, #tpu.memory_space<vmem>> -> memref<128xi32, #tpu.memory_space<vmem>>
      %dma_wait3A_191 = arith.constant 0 : i32
      %dma_wait3A_192 = arith.constant 0 : i32
      %dma_wait3A_193 = tpu.memref_slice %arg13[%dma_wait3A_191, %dma_wait3A_192] : memref<10240x16xf32, #tpu.memory_space<vmem_shared>> -> memref<10240x16xf32, #tpu.memory_space<vmem_shared>>
      tpu.wait_indirect_dma semaphore(%arg21 : memref<!tpu.dma_semaphore, #tpu.memory_space<semaphore_mem>>) src(%arg12 : memref<128x16xf32, #tpu.memory_space<vmem>>) dst(%dma_wait3A_193 : memref<10240x16xf32, #tpu.memory_space<vmem_shared>>)
      %lt3A_194 = arith.cmpi slt, %add3A_186, %add3A_8 : i32
      %convert_element_type3A_195 = arith.extui %lt3A_194 : i1 to i32
      %cond3A_196 = arith.constant 0 : i32
      %cond3A_197 = arith.cmpi ne, %convert_element_type3A_195, %cond3A_196 : i32
      scf.if %cond3A_197 {
        %dma_start3A_198 = arith.constant 0 : i32
        %dma_start3A_199 = tpu.memref_slice %arg7[%add3A_186, %dma_start3A_198] : memref<79x128xi32, #tpu.memory_space<vmem>> -> memref<1x128xi32, #tpu.memory_space<vmem>>
        %dma_start3A_200 = tpu.memref_squeeze %dma_start3A_199 : memref<1x128xi32, #tpu.memory_space<vmem>> -> memref<128xi32, #tpu.memory_space<vmem>>
        %dma_start3A_201 = arith.constant 0 : i32
        %dma_start3A_202 = arith.constant 0 : i32
        %dma_start3A_203 = tpu.memref_slice %arg2[%dma_start3A_201, %dma_start3A_202] : memref<10240x16xf32, #tpu.memory_space<hbm>> -> memref<10240x16xf32, #tpu.memory_space<hbm>>
        tpu.enqueue_indirect_dma source(%dma_start3A_203 : memref<10240x16xf32, #tpu.memory_space<hbm>>) target(%arg12 : memref<128x16xf32, #tpu.memory_space<vmem>>) offsets(%dma_start3A_200 : memref<128xi32, #tpu.memory_space<vmem>>) semaphore(%arg17 : memref<!tpu.dma_semaphore, #tpu.memory_space<semaphore_mem>>)
      } else {
      }
    }
    %scan3A_50 = arith.constant 19 : i32
    %gt3A = arith.constant 76 : i32
    %gt3A_51 = arith.cmpi sgt, %add3A_8, %gt3A : i32
    %convert_element_type3A_52 = arith.extui %gt3A_51 : i1 to i32
    %cond3A_53 = arith.constant 0 : i32
    %cond3A_54 = arith.cmpi ne, %convert_element_type3A_52, %cond3A_53 : i32
    scf.if %cond3A_54 {
      %dma_wait3A = arith.constant 76 : i32
      %dma_wait3A_66 = arith.constant 0 : i32
      %dma_wait3A_67 = tpu.memref_slice %arg7[%dma_wait3A, %dma_wait3A_66] : memref<79x128xi32, #tpu.memory_space<vmem>> -> memref<1x128xi32, #tpu.memory_space<vmem>>
      %dma_wait3A_68 = tpu.memref_squeeze %dma_wait3A_67 : memref<1x128xi32, #tpu.memory_space<vmem>> -> memref<128xi32, #tpu.memory_space<vmem>>
      %dma_wait3A_69 = arith.constant 0 : i32
      %dma_wait3A_70 = arith.constant 0 : i32
      %dma_wait3A_71 = tpu.memref_slice %arg2[%dma_wait3A_69, %dma_wait3A_70] : memref<10240x16xf32, #tpu.memory_space<hbm>> -> memref<10240x16xf32, #tpu.memory_space<hbm>>
      tpu.wait_indirect_dma semaphore(%arg14 : memref<!tpu.dma_semaphore, #tpu.memory_space<semaphore_mem>>) src(%dma_wait3A_71 : memref<10240x16xf32, #tpu.memory_space<hbm>>) dst(%arg9 : memref<128x16xf32, #tpu.memory_space<vmem>>)
      %run_scoped3A = arith.constant 76 : i32
      "tpu.region"() ({
        %run_scoped3A_72 = tpu.sem_alloc : memref<!tpu.dma_semaphore, #tpu.memory_space<semaphore_mem>>
        %dma_start3A_73 = arith.constant 0 : i32
        %dma_start3A_74 = tpu.memref_slice %arg8[%run_scoped3A, %dma_start3A_73] : memref<79x128xi32, #tpu.memory_space<vmem>> -> memref<1x128xi32, #tpu.memory_space<vmem>>
        %dma_start3A_75 = tpu.memref_squeeze %dma_start3A_74 : memref<1x128xi32, #tpu.memory_space<vmem>> -> memref<128xi32, #tpu.memory_space<vmem>>
        %dma_start3A_76 = arith.constant 0 : i32
        %dma_start3A_77 = arith.constant 0 : i32
        %dma_start3A_78 = tpu.memref_slice %arg13[%dma_start3A_76, %dma_start3A_77] : memref<10240x16xf32, #tpu.memory_space<vmem_shared>> -> memref<10240x16xf32, #tpu.memory_space<vmem_shared>>
        tpu.enqueue_indirect_dma source(%arg9 : memref<128x16xf32, #tpu.memory_space<vmem>>) target(%dma_start3A_78 : memref<10240x16xf32, #tpu.memory_space<vmem_shared>>) offsets(%dma_start3A_75 : memref<128xi32, #tpu.memory_space<vmem>>) semaphore(%run_scoped3A_72 : memref<!tpu.dma_semaphore, #tpu.memory_space<semaphore_mem>>) {add = true}
        %dma_wait3A_79 = arith.constant 0 : i32
        %dma_wait3A_80 = tpu.memref_slice %arg8[%run_scoped3A, %dma_wait3A_79] : memref<79x128xi32, #tpu.memory_space<vmem>> -> memref<1x128xi32, #tpu.memory_space<vmem>>
        %dma_wait3A_81 = tpu.memref_squeeze %dma_wait3A_80 : memref<1x128xi32, #tpu.memory_space<vmem>> -> memref<128xi32, #tpu.memory_space<vmem>>
        %dma_wait3A_82 = arith.constant 0 : i32
        %dma_wait3A_83 = arith.constant 0 : i32
        %dma_wait3A_84 = tpu.memref_slice %arg13[%dma_wait3A_82, %dma_wait3A_83] : memref<10240x16xf32, #tpu.memory_space<vmem_shared>> -> memref<10240x16xf32, #tpu.memory_space<vmem_shared>>
        tpu.wait_indirect_dma semaphore(%run_scoped3A_72 : memref<!tpu.dma_semaphore, #tpu.memory_space<semaphore_mem>>) src(%arg9 : memref<128x16xf32, #tpu.memory_space<vmem>>) dst(%dma_wait3A_84 : memref<10240x16xf32, #tpu.memory_space<vmem_shared>>)
        tpu.yield
      }) : () -> ()
    } else {
    }
    %gt3A_55 = arith.constant 77 : i32
    %gt3A_56 = arith.cmpi sgt, %add3A_8, %gt3A_55 : i32
    %convert_element_type3A_57 = arith.extui %gt3A_56 : i1 to i32
    %cond3A_58 = arith.constant 0 : i32
    %cond3A_59 = arith.cmpi ne, %convert_element_type3A_57, %cond3A_58 : i32
    scf.if %cond3A_59 {
      %dma_wait3A = arith.constant 77 : i32
      %dma_wait3A_66 = arith.constant 0 : i32
      %dma_wait3A_67 = tpu.memref_slice %arg7[%dma_wait3A, %dma_wait3A_66] : memref<79x128xi32, #tpu.memory_space<vmem>> -> memref<1x128xi32, #tpu.memory_space<vmem>>
      %dma_wait3A_68 = tpu.memref_squeeze %dma_wait3A_67 : memref<1x128xi32, #tpu.memory_space<vmem>> -> memref<128xi32, #tpu.memory_space<vmem>>
      %dma_wait3A_69 = arith.constant 0 : i32
      %dma_wait3A_70 = arith.constant 0 : i32
      %dma_wait3A_71 = tpu.memref_slice %arg2[%dma_wait3A_69, %dma_wait3A_70] : memref<10240x16xf32, #tpu.memory_space<hbm>> -> memref<10240x16xf32, #tpu.memory_space<hbm>>
      tpu.wait_indirect_dma semaphore(%arg15 : memref<!tpu.dma_semaphore, #tpu.memory_space<semaphore_mem>>) src(%dma_wait3A_71 : memref<10240x16xf32, #tpu.memory_space<hbm>>) dst(%arg10 : memref<128x16xf32, #tpu.memory_space<vmem>>)
      %run_scoped3A = arith.constant 77 : i32
      "tpu.region"() ({
        %run_scoped3A_72 = tpu.sem_alloc : memref<!tpu.dma_semaphore, #tpu.memory_space<semaphore_mem>>
        %dma_start3A_73 = arith.constant 0 : i32
        %dma_start3A_74 = tpu.memref_slice %arg8[%run_scoped3A, %dma_start3A_73] : memref<79x128xi32, #tpu.memory_space<vmem>> -> memref<1x128xi32, #tpu.memory_space<vmem>>
        %dma_start3A_75 = tpu.memref_squeeze %dma_start3A_74 : memref<1x128xi32, #tpu.memory_space<vmem>> -> memref<128xi32, #tpu.memory_space<vmem>>
        %dma_start3A_76 = arith.constant 0 : i32
        %dma_start3A_77 = arith.constant 0 : i32
        %dma_start3A_78 = tpu.memref_slice %arg13[%dma_start3A_76, %dma_start3A_77] : memref<10240x16xf32, #tpu.memory_space<vmem_shared>> -> memref<10240x16xf32, #tpu.memory_space<vmem_shared>>
        tpu.enqueue_indirect_dma source(%arg10 : memref<128x16xf32, #tpu.memory_space<vmem>>) target(%dma_start3A_78 : memref<10240x16xf32, #tpu.memory_space<vmem_shared>>) offsets(%dma_start3A_75 : memref<128xi32, #tpu.memory_space<vmem>>) semaphore(%run_scoped3A_72 : memref<!tpu.dma_semaphore, #tpu.memory_space<semaphore_mem>>) {add = true}
        %dma_wait3A_79 = arith.constant 0 : i32
        %dma_wait3A_80 = tpu.memref_slice %arg8[%run_scoped3A, %dma_wait3A_79] : memref<79x128xi32, #tpu.memory_space<vmem>> -> memref<1x128xi32, #tpu.memory_space<vmem>>
        %dma_wait3A_81 = tpu.memref_squeeze %dma_wait3A_80 : memref<1x128xi32, #tpu.memory_space<vmem>> -> memref<128xi32, #tpu.memory_space<vmem>>
        %dma_wait3A_82 = arith.constant 0 : i32
        %dma_wait3A_83 = arith.constant 0 : i32
        %dma_wait3A_84 = tpu.memref_slice %arg13[%dma_wait3A_82, %dma_wait3A_83] : memref<10240x16xf32, #tpu.memory_space<vmem_shared>> -> memref<10240x16xf32, #tpu.memory_space<vmem_shared>>
        tpu.wait_indirect_dma semaphore(%run_scoped3A_72 : memref<!tpu.dma_semaphore, #tpu.memory_space<semaphore_mem>>) src(%arg10 : memref<128x16xf32, #tpu.memory_space<vmem>>) dst(%dma_wait3A_84 : memref<10240x16xf32, #tpu.memory_space<vmem_shared>>)
        tpu.yield
      }) : () -> ()
    } else {
    }
    %gt3A_60 = arith.constant 78 : i32
    %gt3A_61 = arith.cmpi sgt, %add3A_8, %gt3A_60 : i32
    %convert_element_type3A_62 = arith.extui %gt3A_61 : i1 to i32
    %cond3A_63 = arith.constant 0 : i32
    %cond3A_64 = arith.cmpi ne, %convert_element_type3A_62, %cond3A_63 : i32
    scf.if %cond3A_64 {
      %dma_wait3A = arith.constant 78 : i32
      %dma_wait3A_66 = arith.constant 0 : i32
      %dma_wait3A_67 = tpu.memref_slice %arg7[%dma_wait3A, %dma_wait3A_66] : memref<79x128xi32, #tpu.memory_space<vmem>> -> memref<1x128xi32, #tpu.memory_space<vmem>>
      %dma_wait3A_68 = tpu.memref_squeeze %dma_wait3A_67 : memref<1x128xi32, #tpu.memory_space<vmem>> -> memref<128xi32, #tpu.memory_space<vmem>>
      %dma_wait3A_69 = arith.constant 0 : i32
      %dma_wait3A_70 = arith.constant 0 : i32
      %dma_wait3A_71 = tpu.memref_slice %arg2[%dma_wait3A_69, %dma_wait3A_70] : memref<10240x16xf32, #tpu.memory_space<hbm>> -> memref<10240x16xf32, #tpu.memory_space<hbm>>
      tpu.wait_indirect_dma semaphore(%arg16 : memref<!tpu.dma_semaphore, #tpu.memory_space<semaphore_mem>>) src(%dma_wait3A_71 : memref<10240x16xf32, #tpu.memory_space<hbm>>) dst(%arg11 : memref<128x16xf32, #tpu.memory_space<vmem>>)
      %run_scoped3A = arith.constant 78 : i32
      "tpu.region"() ({
        %run_scoped3A_72 = tpu.sem_alloc : memref<!tpu.dma_semaphore, #tpu.memory_space<semaphore_mem>>
        %dma_start3A_73 = arith.constant 0 : i32
        %dma_start3A_74 = tpu.memref_slice %arg8[%run_scoped3A, %dma_start3A_73] : memref<79x128xi32, #tpu.memory_space<vmem>> -> memref<1x128xi32, #tpu.memory_space<vmem>>
        %dma_start3A_75 = tpu.memref_squeeze %dma_start3A_74 : memref<1x128xi32, #tpu.memory_space<vmem>> -> memref<128xi32, #tpu.memory_space<vmem>>
        %dma_start3A_76 = arith.constant 0 : i32
        %dma_start3A_77 = arith.constant 0 : i32
        %dma_start3A_78 = tpu.memref_slice %arg13[%dma_start3A_76, %dma_start3A_77] : memref<10240x16xf32, #tpu.memory_space<vmem_shared>> -> memref<10240x16xf32, #tpu.memory_space<vmem_shared>>
        tpu.enqueue_indirect_dma source(%arg11 : memref<128x16xf32, #tpu.memory_space<vmem>>) target(%dma_start3A_78 : memref<10240x16xf32, #tpu.memory_space<vmem_shared>>) offsets(%dma_start3A_75 : memref<128xi32, #tpu.memory_space<vmem>>) semaphore(%run_scoped3A_72 : memref<!tpu.dma_semaphore, #tpu.memory_space<semaphore_mem>>) {add = true}
        %dma_wait3A_79 = arith.constant 0 : i32
        %dma_wait3A_80 = tpu.memref_slice %arg8[%run_scoped3A, %dma_wait3A_79] : memref<79x128xi32, #tpu.memory_space<vmem>> -> memref<1x128xi32, #tpu.memory_space<vmem>>
        %dma_wait3A_81 = tpu.memref_squeeze %dma_wait3A_80 : memref<1x128xi32, #tpu.memory_space<vmem>> -> memref<128xi32, #tpu.memory_space<vmem>>
        %dma_wait3A_82 = arith.constant 0 : i32
        %dma_wait3A_83 = arith.constant 0 : i32
        %dma_wait3A_84 = tpu.memref_slice %arg13[%dma_wait3A_82, %dma_wait3A_83] : memref<10240x16xf32, #tpu.memory_space<vmem_shared>> -> memref<10240x16xf32, #tpu.memory_space<vmem_shared>>
        tpu.wait_indirect_dma semaphore(%run_scoped3A_72 : memref<!tpu.dma_semaphore, #tpu.memory_space<semaphore_mem>>) src(%arg11 : memref<128x16xf32, #tpu.memory_space<vmem>>) dst(%dma_wait3A_84 : memref<10240x16xf32, #tpu.memory_space<vmem_shared>>)
        tpu.yield
      }) : () -> ()
    } else {
    }
    %barrier3A_65 = arith.constant 0 : index
    tpu.barrier barrier_id(%barrier3A_65)
    "tpu.region"() ({
      %run_scoped3A = tpu.sem_alloc : memref<!tpu.dma_semaphore, #tpu.memory_space<semaphore_mem>>
      %dma_start3A_66 = arith.constant 0 : i32
      %dma_start3A_67 = arith.constant 0 : i32
      %dma_start3A_68 = tpu.memref_slice %arg6[%arg0, %dma_start3A_66, %dma_start3A_67] : memref<2x10240x16xf32, #tpu.memory_space<hbm>> -> memref<1x10240x16xf32, #tpu.memory_space<hbm>>
      %dma_start3A_69 = tpu.memref_squeeze %dma_start3A_68 : memref<1x10240x16xf32, #tpu.memory_space<hbm>> -> memref<10240x16xf32, #tpu.memory_space<hbm>>
      %dma_start3A_70 = arith.constant 0 : i32
      %dma_start3A_71 = tpu.memref_slice %dma_start3A_69[%mul3A_10, %dma_start3A_70] : memref<10240x16xf32, #tpu.memory_space<hbm>> -> memref<640x16xf32, #tpu.memory_space<hbm>>
      %dma_start3A_72 = arith.constant 0 : i32
      %dma_start3A_73 = tpu.memref_slice %arg13[%mul3A_10, %dma_start3A_72] : memref<10240x16xf32, #tpu.memory_space<vmem_shared>> -> memref<640x16xf32, #tpu.memory_space<vmem_shared>>
      tpu.enqueue_dma source(%dma_start3A_73 : memref<640x16xf32, #tpu.memory_space<vmem_shared>>) target(%dma_start3A_71 : memref<640x16xf32, #tpu.memory_space<hbm>>) target_semaphore(%run_scoped3A : memref<!tpu.dma_semaphore, #tpu.memory_space<semaphore_mem>>)
      %dma_wait3A = arith.constant 0 : i32
      %dma_wait3A_74 = arith.constant 0 : i32
      %dma_wait3A_75 = tpu.memref_slice %arg6[%arg0, %dma_wait3A, %dma_wait3A_74] : memref<2x10240x16xf32, #tpu.memory_space<hbm>> -> memref<1x10240x16xf32, #tpu.memory_space<hbm>>
      %dma_wait3A_76 = tpu.memref_squeeze %dma_wait3A_75 : memref<1x10240x16xf32, #tpu.memory_space<hbm>> -> memref<10240x16xf32, #tpu.memory_space<hbm>>
      %dma_wait3A_77 = arith.constant 0 : i32
      %dma_wait3A_78 = tpu.memref_slice %dma_wait3A_76[%mul3A_10, %dma_wait3A_77] : memref<10240x16xf32, #tpu.memory_space<hbm>> -> memref<640x16xf32, #tpu.memory_space<hbm>>
      %dma_wait3A_79 = arith.constant 0 : i32
      %dma_wait3A_80 = tpu.memref_slice %arg13[%mul3A_10, %dma_wait3A_79] : memref<10240x16xf32, #tpu.memory_space<vmem_shared>> -> memref<640x16xf32, #tpu.memory_space<vmem_shared>>
      tpu.wait_dma2 semaphore(%run_scoped3A : memref<!tpu.dma_semaphore, #tpu.memory_space<semaphore_mem>>) src(%dma_wait3A_80 : memref<640x16xf32, #tpu.memory_space<vmem_shared>>) dst(%dma_wait3A_78 : memref<640x16xf32, #tpu.memory_space<hbm>>)
      tpu.yield
    }) : () -> ()
    return
  }
}

#map = affine_map<(d0, d1) -> (0, 0)>
#map1 = affine_map<(d0, d1) -> (0, 0, 0)>
module attributes {stable_mosaic.version = 14 : i64} {
  func.func @_agg_body(%arg0: i32, %arg1: i32, %arg2: memref<10240x64xf32, #tpu.memory_space<hbm>>, %arg3: memref<2500x128xi32, #tpu.memory_space<hbm>>, %arg4: memref<2500x128xi32, #tpu.memory_space<hbm>>, %arg5: memref<10240x64xf32, #tpu.memory_space<hbm>>, %arg6: memref<2x10240x64xf32, #tpu.memory_space<hbm>>, %arg7: memref<79x128xi32, #tpu.memory_space<vmem>>, %arg8: memref<79x128xi32, #tpu.memory_space<vmem>>, %arg9: memref<128x64xf32, #tpu.memory_space<vmem>>, %arg10: memref<128x64xf32, #tpu.memory_space<vmem>>, %arg11: memref<128x64xf32, #tpu.memory_space<vmem>>, %arg12: memref<128x64xf32, #tpu.memory_space<vmem>>, %arg13: memref<10240x64xf32, #tpu.memory_space<vmem_shared>>, %arg14: memref<!tpu.dma_semaphore, #tpu.memory_space<semaphore_mem>>, %arg15: memref<!tpu.dma_semaphore, #tpu.memory_space<semaphore_mem>>, %arg16: memref<!tpu.dma_semaphore, #tpu.memory_space<semaphore_mem>>, %arg17: memref<!tpu.dma_semaphore, #tpu.memory_space<semaphore_mem>>, %arg18: memref<!tpu.dma_semaphore, #tpu.memory_space<semaphore_mem>>, %arg19: memref<!tpu.dma_semaphore, #tpu.memory_space<semaphore_mem>>, %arg20: memref<!tpu.dma_semaphore, #tpu.memory_space<semaphore_mem>>, %arg21: memref<!tpu.dma_semaphore, #tpu.memory_space<semaphore_mem>>) attributes {dimension_semantics = [#tpu.dimension_semantics<core_parallel>, #tpu.dimension_semantics<subcore_parallel>], iteration_bounds = array<i64: 2, 16>, scalar_prefetch = 0 : i64, scratch_operands = 15 : i64, tpu.core_type = #tpu.core_type<sc_vector_subcore>, window_params = [{transform_indices = #map}, {transform_indices = #map}, {transform_indices = #map}, {transform_indices = #map}, {transform_indices = #map1}]} {
    %mul3A = arith.constant 16 : i32
    %mul3A_0 = arith.muli %arg0, %mul3A : i32
    %add3A = arith.addi %mul3A_0, %arg1 : i32
    %mul3A_1 = arith.constant 78 : i32
    %mul3A_2 = arith.muli %mul3A_1, %add3A : i32
    %min3A = arith.constant 4 : i32
    %min3A_3 = arith.minsi %add3A, %min3A : i32
    %add3A_4 = arith.addi %mul3A_2, %min3A_3 : i32
    %lt3A = arith.constant 4 : i32
    %lt3A_5 = arith.cmpi slt, %add3A, %lt3A : i32
    %jit3A = arith.constant 1 : i32
    %jit3A_6 = arith.constant 0 : i32
    %select_n3A = arith.select %lt3A_5, %jit3A, %jit3A_6 : i32
    %add3A_7 = arith.constant 78 : i32
    %add3A_8 = arith.addi %add3A_7, %select_n3A : i32
    %mul3A_9 = arith.constant 640 : i32
    %mul3A_10 = arith.muli %arg1, %mul3A_9 : i32
    "tpu.region"() ({
      %run_scoped3A = tpu.sem_alloc : memref<!tpu.dma_semaphore, #tpu.memory_space<semaphore_mem>>
      %dma_start3A_66 = arith.constant 0 : i32
      %dma_start3A_67 = tpu.memref_slice %arg13[%mul3A_10, %dma_start3A_66] : memref<10240x64xf32, #tpu.memory_space<vmem_shared>> -> memref<640x64xf32, #tpu.memory_space<vmem_shared>>
      %dma_start3A_68 = arith.constant 0 : i32
      %dma_start3A_69 = tpu.memref_slice %arg5[%mul3A_10, %dma_start3A_68] : memref<10240x64xf32, #tpu.memory_space<hbm>> -> memref<640x64xf32, #tpu.memory_space<hbm>>
      tpu.enqueue_dma source(%dma_start3A_69 : memref<640x64xf32, #tpu.memory_space<hbm>>) target(%dma_start3A_67 : memref<640x64xf32, #tpu.memory_space<vmem_shared>>) target_semaphore(%run_scoped3A : memref<!tpu.dma_semaphore, #tpu.memory_space<semaphore_mem>>)
      %dma_wait3A = arith.constant 0 : i32
      %dma_wait3A_70 = tpu.memref_slice %arg13[%mul3A_10, %dma_wait3A] : memref<10240x64xf32, #tpu.memory_space<vmem_shared>> -> memref<640x64xf32, #tpu.memory_space<vmem_shared>>
      %dma_wait3A_71 = arith.constant 0 : i32
      %dma_wait3A_72 = tpu.memref_slice %arg5[%mul3A_10, %dma_wait3A_71] : memref<10240x64xf32, #tpu.memory_space<hbm>> -> memref<640x64xf32, #tpu.memory_space<hbm>>
      tpu.wait_dma2 semaphore(%run_scoped3A : memref<!tpu.dma_semaphore, #tpu.memory_space<semaphore_mem>>) src(%dma_wait3A_72 : memref<640x64xf32, #tpu.memory_space<hbm>>) dst(%dma_wait3A_70 : memref<640x64xf32, #tpu.memory_space<vmem_shared>>)
      tpu.yield
    }) : () -> ()
    %lt3A_11 = arith.constant 4 : i32
    %lt3A_12 = arith.cmpi slt, %add3A, %lt3A_11 : i32
    "tpu.region"() ({
      %run_scoped3A = tpu.sem_alloc : memref<!tpu.dma_semaphore, #tpu.memory_space<semaphore_mem>>
      %dma_start3A_66 = arith.constant 0 : i32
      %dma_start3A_67 = arith.constant 0 : i32
      %dma_start3A_68 = tpu.memref_slice %arg7[%dma_start3A_66, %dma_start3A_67] : memref<79x128xi32, #tpu.memory_space<vmem>> -> memref<78x128xi32, #tpu.memory_space<vmem>>
      %dma_start3A_69 = arith.constant 0 : i32
      %dma_start3A_70 = tpu.memref_slice %arg3[%add3A_4, %dma_start3A_69] : memref<2500x128xi32, #tpu.memory_space<hbm>> -> memref<78x128xi32, #tpu.memory_space<hbm>>
      %dma_start3A_71 = arith.constant 0 : i32
      %dma_start3A_72 = arith.constant 0 : i32
      %dma_start3A_73 = tpu.memref_slice %arg7[%dma_start3A_71, %dma_start3A_72] : memref<79x128xi32, #tpu.memory_space<vmem>> -> memref<78x128xi32, #tpu.memory_space<vmem>>
      %dma_start3A_74 = arith.constant 0 : i32
      %dma_start3A_75 = tpu.memref_slice %arg3[%add3A_4, %dma_start3A_74] : memref<2500x128xi32, #tpu.memory_space<hbm>> -> memref<78x128xi32, #tpu.memory_space<hbm>>
      tpu.enqueue_dma source(%dma_start3A_75 : memref<78x128xi32, #tpu.memory_space<hbm>>) target(%dma_start3A_73 : memref<78x128xi32, #tpu.memory_space<vmem>>) target_semaphore(%run_scoped3A : memref<!tpu.dma_semaphore, #tpu.memory_space<semaphore_mem>>)
      %dma_wait3A = arith.constant 0 : i32
      %dma_wait3A_76 = arith.constant 0 : i32
      %dma_wait3A_77 = tpu.memref_slice %arg7[%dma_wait3A, %dma_wait3A_76] : memref<79x128xi32, #tpu.memory_space<vmem>> -> memref<78x128xi32, #tpu.memory_space<vmem>>
      %dma_wait3A_78 = arith.constant 0 : i32
      %dma_wait3A_79 = tpu.memref_slice %arg3[%add3A_4, %dma_wait3A_78] : memref<2500x128xi32, #tpu.memory_space<hbm>> -> memref<78x128xi32, #tpu.memory_space<hbm>>
      %dma_wait3A_80 = arith.constant 0 : i32
      %dma_wait3A_81 = arith.constant 0 : i32
      %dma_wait3A_82 = tpu.memref_slice %arg7[%dma_wait3A_80, %dma_wait3A_81] : memref<79x128xi32, #tpu.memory_space<vmem>> -> memref<78x128xi32, #tpu.memory_space<vmem>>
      %dma_wait3A_83 = arith.constant 0 : i32
      %dma_wait3A_84 = tpu.memref_slice %arg3[%add3A_4, %dma_wait3A_83] : memref<2500x128xi32, #tpu.memory_space<hbm>> -> memref<78x128xi32, #tpu.memory_space<hbm>>
      tpu.wait_dma2 semaphore(%run_scoped3A : memref<!tpu.dma_semaphore, #tpu.memory_space<semaphore_mem>>) src(%dma_wait3A_84 : memref<78x128xi32, #tpu.memory_space<hbm>>) dst(%dma_wait3A_82 : memref<78x128xi32, #tpu.memory_space<vmem>>)
      tpu.yield
    }) : () -> ()
    %convert_element_type3A = arith.extui %lt3A_12 : i1 to i32
    %cond3A = arith.constant 0 : i32
    %cond3A_13 = arith.cmpi ne, %convert_element_type3A, %cond3A : i32
    scf.if %cond3A_13 {
      %add3A_66 = arith.constant 78 : i32
      %add3A_67 = arith.addi %add3A_4, %add3A_66 : i32
      "tpu.region"() ({
        %run_scoped3A = tpu.sem_alloc : memref<!tpu.dma_semaphore, #tpu.memory_space<semaphore_mem>>
        %dma_start3A_68 = arith.constant 78 : i32
        %dma_start3A_69 = arith.constant 0 : i32
        %dma_start3A_70 = tpu.memref_slice %arg7[%dma_start3A_68, %dma_start3A_69] : memref<79x128xi32, #tpu.memory_space<vmem>> -> memref<1x128xi32, #tpu.memory_space<vmem>>
        %dma_start3A_71 = arith.constant 0 : i32
        %dma_start3A_72 = tpu.memref_slice %arg3[%add3A_67, %dma_start3A_71] : memref<2500x128xi32, #tpu.memory_space<hbm>> -> memref<1x128xi32, #tpu.memory_space<hbm>>
        %dma_start3A_73 = arith.constant 78 : i32
        %dma_start3A_74 = arith.constant 0 : i32
        %dma_start3A_75 = tpu.memref_slice %arg7[%dma_start3A_73, %dma_start3A_74] : memref<79x128xi32, #tpu.memory_space<vmem>> -> memref<1x128xi32, #tpu.memory_space<vmem>>
        %dma_start3A_76 = arith.constant 0 : i32
        %dma_start3A_77 = tpu.memref_slice %arg3[%add3A_67, %dma_start3A_76] : memref<2500x128xi32, #tpu.memory_space<hbm>> -> memref<1x128xi32, #tpu.memory_space<hbm>>
        tpu.enqueue_dma source(%dma_start3A_77 : memref<1x128xi32, #tpu.memory_space<hbm>>) target(%dma_start3A_75 : memref<1x128xi32, #tpu.memory_space<vmem>>) target_semaphore(%run_scoped3A : memref<!tpu.dma_semaphore, #tpu.memory_space<semaphore_mem>>)
        %dma_wait3A = arith.constant 78 : i32
        %dma_wait3A_78 = arith.constant 0 : i32
        %dma_wait3A_79 = tpu.memref_slice %arg7[%dma_wait3A, %dma_wait3A_78] : memref<79x128xi32, #tpu.memory_space<vmem>> -> memref<1x128xi32, #tpu.memory_space<vmem>>
        %dma_wait3A_80 = arith.constant 0 : i32
        %dma_wait3A_81 = tpu.memref_slice %arg3[%add3A_67, %dma_wait3A_80] : memref<2500x128xi32, #tpu.memory_space<hbm>> -> memref<1x128xi32, #tpu.memory_space<hbm>>
        %dma_wait3A_82 = arith.constant 78 : i32
        %dma_wait3A_83 = arith.constant 0 : i32
        %dma_wait3A_84 = tpu.memref_slice %arg7[%dma_wait3A_82, %dma_wait3A_83] : memref<79x128xi32, #tpu.memory_space<vmem>> -> memref<1x128xi32, #tpu.memory_space<vmem>>
        %dma_wait3A_85 = arith.constant 0 : i32
        %dma_wait3A_86 = tpu.memref_slice %arg3[%add3A_67, %dma_wait3A_85] : memref<2500x128xi32, #tpu.memory_space<hbm>> -> memref<1x128xi32, #tpu.memory_space<hbm>>
        tpu.wait_dma2 semaphore(%run_scoped3A : memref<!tpu.dma_semaphore, #tpu.memory_space<semaphore_mem>>) src(%dma_wait3A_86 : memref<1x128xi32, #tpu.memory_space<hbm>>) dst(%dma_wait3A_84 : memref<1x128xi32, #tpu.memory_space<vmem>>)
        tpu.yield
      }) : () -> ()
    } else {
    }
    %lt3A_14 = arith.constant 4 : i32
    %lt3A_15 = arith.cmpi slt, %add3A, %lt3A_14 : i32
    "tpu.region"() ({
      %run_scoped3A = tpu.sem_alloc : memref<!tpu.dma_semaphore, #tpu.memory_space<semaphore_mem>>
      %dma_start3A_66 = arith.constant 0 : i32
      %dma_start3A_67 = arith.constant 0 : i32
      %dma_start3A_68 = tpu.memref_slice %arg8[%dma_start3A_66, %dma_start3A_67] : memref<79x128xi32, #tpu.memory_space<vmem>> -> memref<78x128xi32, #tpu.memory_space<vmem>>
      %dma_start3A_69 = arith.constant 0 : i32
      %dma_start3A_70 = tpu.memref_slice %arg4[%add3A_4, %dma_start3A_69] : memref<2500x128xi32, #tpu.memory_space<hbm>> -> memref<78x128xi32, #tpu.memory_space<hbm>>
      %dma_start3A_71 = arith.constant 0 : i32
      %dma_start3A_72 = arith.constant 0 : i32
      %dma_start3A_73 = tpu.memref_slice %arg8[%dma_start3A_71, %dma_start3A_72] : memref<79x128xi32, #tpu.memory_space<vmem>> -> memref<78x128xi32, #tpu.memory_space<vmem>>
      %dma_start3A_74 = arith.constant 0 : i32
      %dma_start3A_75 = tpu.memref_slice %arg4[%add3A_4, %dma_start3A_74] : memref<2500x128xi32, #tpu.memory_space<hbm>> -> memref<78x128xi32, #tpu.memory_space<hbm>>
      tpu.enqueue_dma source(%dma_start3A_75 : memref<78x128xi32, #tpu.memory_space<hbm>>) target(%dma_start3A_73 : memref<78x128xi32, #tpu.memory_space<vmem>>) target_semaphore(%run_scoped3A : memref<!tpu.dma_semaphore, #tpu.memory_space<semaphore_mem>>)
      %dma_wait3A = arith.constant 0 : i32
      %dma_wait3A_76 = arith.constant 0 : i32
      %dma_wait3A_77 = tpu.memref_slice %arg8[%dma_wait3A, %dma_wait3A_76] : memref<79x128xi32, #tpu.memory_space<vmem>> -> memref<78x128xi32, #tpu.memory_space<vmem>>
      %dma_wait3A_78 = arith.constant 0 : i32
      %dma_wait3A_79 = tpu.memref_slice %arg4[%add3A_4, %dma_wait3A_78] : memref<2500x128xi32, #tpu.memory_space<hbm>> -> memref<78x128xi32, #tpu.memory_space<hbm>>
      %dma_wait3A_80 = arith.constant 0 : i32
      %dma_wait3A_81 = arith.constant 0 : i32
      %dma_wait3A_82 = tpu.memref_slice %arg8[%dma_wait3A_80, %dma_wait3A_81] : memref<79x128xi32, #tpu.memory_space<vmem>> -> memref<78x128xi32, #tpu.memory_space<vmem>>
      %dma_wait3A_83 = arith.constant 0 : i32
      %dma_wait3A_84 = tpu.memref_slice %arg4[%add3A_4, %dma_wait3A_83] : memref<2500x128xi32, #tpu.memory_space<hbm>> -> memref<78x128xi32, #tpu.memory_space<hbm>>
      tpu.wait_dma2 semaphore(%run_scoped3A : memref<!tpu.dma_semaphore, #tpu.memory_space<semaphore_mem>>) src(%dma_wait3A_84 : memref<78x128xi32, #tpu.memory_space<hbm>>) dst(%dma_wait3A_82 : memref<78x128xi32, #tpu.memory_space<vmem>>)
      tpu.yield
    }) : () -> ()
    %convert_element_type3A_16 = arith.extui %lt3A_15 : i1 to i32
    %cond3A_17 = arith.constant 0 : i32
    %cond3A_18 = arith.cmpi ne, %convert_element_type3A_16, %cond3A_17 : i32
    scf.if %cond3A_18 {
      %add3A_66 = arith.constant 78 : i32
      %add3A_67 = arith.addi %add3A_4, %add3A_66 : i32
      "tpu.region"() ({
        %run_scoped3A = tpu.sem_alloc : memref<!tpu.dma_semaphore, #tpu.memory_space<semaphore_mem>>
        %dma_start3A_68 = arith.constant 78 : i32
        %dma_start3A_69 = arith.constant 0 : i32
        %dma_start3A_70 = tpu.memref_slice %arg8[%dma_start3A_68, %dma_start3A_69] : memref<79x128xi32, #tpu.memory_space<vmem>> -> memref<1x128xi32, #tpu.memory_space<vmem>>
        %dma_start3A_71 = arith.constant 0 : i32
        %dma_start3A_72 = tpu.memref_slice %arg4[%add3A_67, %dma_start3A_71] : memref<2500x128xi32, #tpu.memory_space<hbm>> -> memref<1x128xi32, #tpu.memory_space<hbm>>
        %dma_start3A_73 = arith.constant 78 : i32
        %dma_start3A_74 = arith.constant 0 : i32
        %dma_start3A_75 = tpu.memref_slice %arg8[%dma_start3A_73, %dma_start3A_74] : memref<79x128xi32, #tpu.memory_space<vmem>> -> memref<1x128xi32, #tpu.memory_space<vmem>>
        %dma_start3A_76 = arith.constant 0 : i32
        %dma_start3A_77 = tpu.memref_slice %arg4[%add3A_67, %dma_start3A_76] : memref<2500x128xi32, #tpu.memory_space<hbm>> -> memref<1x128xi32, #tpu.memory_space<hbm>>
        tpu.enqueue_dma source(%dma_start3A_77 : memref<1x128xi32, #tpu.memory_space<hbm>>) target(%dma_start3A_75 : memref<1x128xi32, #tpu.memory_space<vmem>>) target_semaphore(%run_scoped3A : memref<!tpu.dma_semaphore, #tpu.memory_space<semaphore_mem>>)
        %dma_wait3A = arith.constant 78 : i32
        %dma_wait3A_78 = arith.constant 0 : i32
        %dma_wait3A_79 = tpu.memref_slice %arg8[%dma_wait3A, %dma_wait3A_78] : memref<79x128xi32, #tpu.memory_space<vmem>> -> memref<1x128xi32, #tpu.memory_space<vmem>>
        %dma_wait3A_80 = arith.constant 0 : i32
        %dma_wait3A_81 = tpu.memref_slice %arg4[%add3A_67, %dma_wait3A_80] : memref<2500x128xi32, #tpu.memory_space<hbm>> -> memref<1x128xi32, #tpu.memory_space<hbm>>
        %dma_wait3A_82 = arith.constant 78 : i32
        %dma_wait3A_83 = arith.constant 0 : i32
        %dma_wait3A_84 = tpu.memref_slice %arg8[%dma_wait3A_82, %dma_wait3A_83] : memref<79x128xi32, #tpu.memory_space<vmem>> -> memref<1x128xi32, #tpu.memory_space<vmem>>
        %dma_wait3A_85 = arith.constant 0 : i32
        %dma_wait3A_86 = tpu.memref_slice %arg4[%add3A_67, %dma_wait3A_85] : memref<2500x128xi32, #tpu.memory_space<hbm>> -> memref<1x128xi32, #tpu.memory_space<hbm>>
        tpu.wait_dma2 semaphore(%run_scoped3A : memref<!tpu.dma_semaphore, #tpu.memory_space<semaphore_mem>>) src(%dma_wait3A_86 : memref<1x128xi32, #tpu.memory_space<hbm>>) dst(%dma_wait3A_84 : memref<1x128xi32, #tpu.memory_space<vmem>>)
        tpu.yield
      }) : () -> ()
    } else {
    }
    %barrier3A = arith.constant 0 : index
    tpu.barrier barrier_id(%barrier3A)
    %dma_start3A = arith.constant 0 : i32
    %dma_start3A_19 = arith.constant 0 : i32
    %dma_start3A_20 = tpu.memref_slice %arg7[%dma_start3A, %dma_start3A_19] : memref<79x128xi32, #tpu.memory_space<vmem>> -> memref<1x128xi32, #tpu.memory_space<vmem>>
    %dma_start3A_21 = tpu.memref_squeeze %dma_start3A_20 : memref<1x128xi32, #tpu.memory_space<vmem>> -> memref<128xi32, #tpu.memory_space<vmem>>
    %dma_start3A_22 = arith.constant 0 : i32
    %dma_start3A_23 = arith.constant 0 : i32
    %dma_start3A_24 = tpu.memref_slice %arg2[%dma_start3A_22, %dma_start3A_23] : memref<10240x64xf32, #tpu.memory_space<hbm>> -> memref<10240x64xf32, #tpu.memory_space<hbm>>
    tpu.enqueue_indirect_dma source(%dma_start3A_24 : memref<10240x64xf32, #tpu.memory_space<hbm>>) target(%arg9 : memref<128x64xf32, #tpu.memory_space<vmem>>) offsets(%dma_start3A_21 : memref<128xi32, #tpu.memory_space<vmem>>) semaphore(%arg14 : memref<!tpu.dma_semaphore, #tpu.memory_space<semaphore_mem>>)
    %dma_start3A_25 = arith.constant 1 : i32
    %dma_start3A_26 = arith.constant 0 : i32
    %dma_start3A_27 = tpu.memref_slice %arg7[%dma_start3A_25, %dma_start3A_26] : memref<79x128xi32, #tpu.memory_space<vmem>> -> memref<1x128xi32, #tpu.memory_space<vmem>>
    %dma_start3A_28 = tpu.memref_squeeze %dma_start3A_27 : memref<1x128xi32, #tpu.memory_space<vmem>> -> memref<128xi32, #tpu.memory_space<vmem>>
    %dma_start3A_29 = arith.constant 0 : i32
    %dma_start3A_30 = arith.constant 0 : i32
    %dma_start3A_31 = tpu.memref_slice %arg2[%dma_start3A_29, %dma_start3A_30] : memref<10240x64xf32, #tpu.memory_space<hbm>> -> memref<10240x64xf32, #tpu.memory_space<hbm>>
    tpu.enqueue_indirect_dma source(%dma_start3A_31 : memref<10240x64xf32, #tpu.memory_space<hbm>>) target(%arg10 : memref<128x64xf32, #tpu.memory_space<vmem>>) offsets(%dma_start3A_28 : memref<128xi32, #tpu.memory_space<vmem>>) semaphore(%arg15 : memref<!tpu.dma_semaphore, #tpu.memory_space<semaphore_mem>>)
    %dma_start3A_32 = arith.constant 2 : i32
    %dma_start3A_33 = arith.constant 0 : i32
    %dma_start3A_34 = tpu.memref_slice %arg7[%dma_start3A_32, %dma_start3A_33] : memref<79x128xi32, #tpu.memory_space<vmem>> -> memref<1x128xi32, #tpu.memory_space<vmem>>
    %dma_start3A_35 = tpu.memref_squeeze %dma_start3A_34 : memref<1x128xi32, #tpu.memory_space<vmem>> -> memref<128xi32, #tpu.memory_space<vmem>>
    %dma_start3A_36 = arith.constant 0 : i32
    %dma_start3A_37 = arith.constant 0 : i32
    %dma_start3A_38 = tpu.memref_slice %arg2[%dma_start3A_36, %dma_start3A_37] : memref<10240x64xf32, #tpu.memory_space<hbm>> -> memref<10240x64xf32, #tpu.memory_space<hbm>>
    tpu.enqueue_indirect_dma source(%dma_start3A_38 : memref<10240x64xf32, #tpu.memory_space<hbm>>) target(%arg11 : memref<128x64xf32, #tpu.memory_space<vmem>>) offsets(%dma_start3A_35 : memref<128xi32, #tpu.memory_space<vmem>>) semaphore(%arg16 : memref<!tpu.dma_semaphore, #tpu.memory_space<semaphore_mem>>)
    %dma_start3A_39 = arith.constant 3 : i32
    %dma_start3A_40 = arith.constant 0 : i32
    %dma_start3A_41 = tpu.memref_slice %arg7[%dma_start3A_39, %dma_start3A_40] : memref<79x128xi32, #tpu.memory_space<vmem>> -> memref<1x128xi32, #tpu.memory_space<vmem>>
    %dma_start3A_42 = tpu.memref_squeeze %dma_start3A_41 : memref<1x128xi32, #tpu.memory_space<vmem>> -> memref<128xi32, #tpu.memory_space<vmem>>
    %dma_start3A_43 = arith.constant 0 : i32
    %dma_start3A_44 = arith.constant 0 : i32
    %dma_start3A_45 = tpu.memref_slice %arg2[%dma_start3A_43, %dma_start3A_44] : memref<10240x64xf32, #tpu.memory_space<hbm>> -> memref<10240x64xf32, #tpu.memory_space<hbm>>
    tpu.enqueue_indirect_dma source(%dma_start3A_45 : memref<10240x64xf32, #tpu.memory_space<hbm>>) target(%arg12 : memref<128x64xf32, #tpu.memory_space<vmem>>) offsets(%dma_start3A_42 : memref<128xi32, #tpu.memory_space<vmem>>) semaphore(%arg17 : memref<!tpu.dma_semaphore, #tpu.memory_space<semaphore_mem>>)
    %scan3A = arith.constant 0 : i32
    %scan3A_46 = arith.constant 0 : i32
    %scan3A_47 = arith.constant 19 : i32
    %scan3A_48 = arith.addi %scan3A_46, %scan3A_47 : i32
    %scan3A_49 = arith.constant 1 : i32
    scf.for %scan3A_66 = %scan3A_46 to %scan3A_48 step %scan3A_49  : i32 {
      %mul3A_67 = arith.constant 4 : i32
      %mul3A_68 = arith.muli %mul3A_67, %scan3A_66 : i32
      %add3A_69 = arith.constant 0 : i32
      %add3A_70 = arith.addi %mul3A_68, %add3A_69 : i32
      %dma_wait3A = arith.constant 0 : i32
      %dma_wait3A_71 = tpu.memref_slice %arg7[%add3A_70, %dma_wait3A] : memref<79x128xi32, #tpu.memory_space<vmem>> -> memref<1x128xi32, #tpu.memory_space<vmem>>
      %dma_wait3A_72 = tpu.memref_squeeze %dma_wait3A_71 : memref<1x128xi32, #tpu.memory_space<vmem>> -> memref<128xi32, #tpu.memory_space<vmem>>
      %dma_wait3A_73 = arith.constant 0 : i32
      %dma_wait3A_74 = arith.constant 0 : i32
      %dma_wait3A_75 = tpu.memref_slice %arg2[%dma_wait3A_73, %dma_wait3A_74] : memref<10240x64xf32, #tpu.memory_space<hbm>> -> memref<10240x64xf32, #tpu.memory_space<hbm>>
      tpu.wait_indirect_dma semaphore(%arg14 : memref<!tpu.dma_semaphore, #tpu.memory_space<semaphore_mem>>) src(%dma_wait3A_75 : memref<10240x64xf32, #tpu.memory_space<hbm>>) dst(%arg9 : memref<128x64xf32, #tpu.memory_space<vmem>>)
      %dma_start3A_76 = arith.constant 0 : i32
      %dma_start3A_77 = tpu.memref_slice %arg8[%add3A_70, %dma_start3A_76] : memref<79x128xi32, #tpu.memory_space<vmem>> -> memref<1x128xi32, #tpu.memory_space<vmem>>
      %dma_start3A_78 = tpu.memref_squeeze %dma_start3A_77 : memref<1x128xi32, #tpu.memory_space<vmem>> -> memref<128xi32, #tpu.memory_space<vmem>>
      %dma_start3A_79 = arith.constant 0 : i32
      %dma_start3A_80 = arith.constant 0 : i32
      %dma_start3A_81 = tpu.memref_slice %arg13[%dma_start3A_79, %dma_start3A_80] : memref<10240x64xf32, #tpu.memory_space<vmem_shared>> -> memref<10240x64xf32, #tpu.memory_space<vmem_shared>>
      tpu.enqueue_indirect_dma source(%arg9 : memref<128x64xf32, #tpu.memory_space<vmem>>) target(%dma_start3A_81 : memref<10240x64xf32, #tpu.memory_space<vmem_shared>>) offsets(%dma_start3A_78 : memref<128xi32, #tpu.memory_space<vmem>>) semaphore(%arg18 : memref<!tpu.dma_semaphore, #tpu.memory_space<semaphore_mem>>) {add = true}
      %mul3A_82 = arith.constant 4 : i32
      %mul3A_83 = arith.muli %mul3A_82, %scan3A_66 : i32
      %add3A_84 = arith.constant 1 : i32
      %add3A_85 = arith.addi %mul3A_83, %add3A_84 : i32
      %dma_wait3A_86 = arith.constant 0 : i32
      %dma_wait3A_87 = tpu.memref_slice %arg7[%add3A_85, %dma_wait3A_86] : memref<79x128xi32, #tpu.memory_space<vmem>> -> memref<1x128xi32, #tpu.memory_space<vmem>>
      %dma_wait3A_88 = tpu.memref_squeeze %dma_wait3A_87 : memref<1x128xi32, #tpu.memory_space<vmem>> -> memref<128xi32, #tpu.memory_space<vmem>>
      %dma_wait3A_89 = arith.constant 0 : i32
      %dma_wait3A_90 = arith.constant 0 : i32
      %dma_wait3A_91 = tpu.memref_slice %arg2[%dma_wait3A_89, %dma_wait3A_90] : memref<10240x64xf32, #tpu.memory_space<hbm>> -> memref<10240x64xf32, #tpu.memory_space<hbm>>
      tpu.wait_indirect_dma semaphore(%arg15 : memref<!tpu.dma_semaphore, #tpu.memory_space<semaphore_mem>>) src(%dma_wait3A_91 : memref<10240x64xf32, #tpu.memory_space<hbm>>) dst(%arg10 : memref<128x64xf32, #tpu.memory_space<vmem>>)
      %dma_start3A_92 = arith.constant 0 : i32
      %dma_start3A_93 = tpu.memref_slice %arg8[%add3A_85, %dma_start3A_92] : memref<79x128xi32, #tpu.memory_space<vmem>> -> memref<1x128xi32, #tpu.memory_space<vmem>>
      %dma_start3A_94 = tpu.memref_squeeze %dma_start3A_93 : memref<1x128xi32, #tpu.memory_space<vmem>> -> memref<128xi32, #tpu.memory_space<vmem>>
      %dma_start3A_95 = arith.constant 0 : i32
      %dma_start3A_96 = arith.constant 0 : i32
      %dma_start3A_97 = tpu.memref_slice %arg13[%dma_start3A_95, %dma_start3A_96] : memref<10240x64xf32, #tpu.memory_space<vmem_shared>> -> memref<10240x64xf32, #tpu.memory_space<vmem_shared>>
      tpu.enqueue_indirect_dma source(%arg10 : memref<128x64xf32, #tpu.memory_space<vmem>>) target(%dma_start3A_97 : memref<10240x64xf32, #tpu.memory_space<vmem_shared>>) offsets(%dma_start3A_94 : memref<128xi32, #tpu.memory_space<vmem>>) semaphore(%arg19 : memref<!tpu.dma_semaphore, #tpu.memory_space<semaphore_mem>>) {add = true}
      %mul3A_98 = arith.constant 4 : i32
      %mul3A_99 = arith.muli %mul3A_98, %scan3A_66 : i32
      %add3A_100 = arith.constant 2 : i32
      %add3A_101 = arith.addi %mul3A_99, %add3A_100 : i32
      %dma_wait3A_102 = arith.constant 0 : i32
      %dma_wait3A_103 = tpu.memref_slice %arg7[%add3A_101, %dma_wait3A_102] : memref<79x128xi32, #tpu.memory_space<vmem>> -> memref<1x128xi32, #tpu.memory_space<vmem>>
      %dma_wait3A_104 = tpu.memref_squeeze %dma_wait3A_103 : memref<1x128xi32, #tpu.memory_space<vmem>> -> memref<128xi32, #tpu.memory_space<vmem>>
      %dma_wait3A_105 = arith.constant 0 : i32
      %dma_wait3A_106 = arith.constant 0 : i32
      %dma_wait3A_107 = tpu.memref_slice %arg2[%dma_wait3A_105, %dma_wait3A_106] : memref<10240x64xf32, #tpu.memory_space<hbm>> -> memref<10240x64xf32, #tpu.memory_space<hbm>>
      tpu.wait_indirect_dma semaphore(%arg16 : memref<!tpu.dma_semaphore, #tpu.memory_space<semaphore_mem>>) src(%dma_wait3A_107 : memref<10240x64xf32, #tpu.memory_space<hbm>>) dst(%arg11 : memref<128x64xf32, #tpu.memory_space<vmem>>)
      %dma_start3A_108 = arith.constant 0 : i32
      %dma_start3A_109 = tpu.memref_slice %arg8[%add3A_101, %dma_start3A_108] : memref<79x128xi32, #tpu.memory_space<vmem>> -> memref<1x128xi32, #tpu.memory_space<vmem>>
      %dma_start3A_110 = tpu.memref_squeeze %dma_start3A_109 : memref<1x128xi32, #tpu.memory_space<vmem>> -> memref<128xi32, #tpu.memory_space<vmem>>
      %dma_start3A_111 = arith.constant 0 : i32
      %dma_start3A_112 = arith.constant 0 : i32
      %dma_start3A_113 = tpu.memref_slice %arg13[%dma_start3A_111, %dma_start3A_112] : memref<10240x64xf32, #tpu.memory_space<vmem_shared>> -> memref<10240x64xf32, #tpu.memory_space<vmem_shared>>
      tpu.enqueue_indirect_dma source(%arg11 : memref<128x64xf32, #tpu.memory_space<vmem>>) target(%dma_start3A_113 : memref<10240x64xf32, #tpu.memory_space<vmem_shared>>) offsets(%dma_start3A_110 : memref<128xi32, #tpu.memory_space<vmem>>) semaphore(%arg20 : memref<!tpu.dma_semaphore, #tpu.memory_space<semaphore_mem>>) {add = true}
      %mul3A_114 = arith.constant 4 : i32
      %mul3A_115 = arith.muli %mul3A_114, %scan3A_66 : i32
      %add3A_116 = arith.constant 3 : i32
      %add3A_117 = arith.addi %mul3A_115, %add3A_116 : i32
      %dma_wait3A_118 = arith.constant 0 : i32
      %dma_wait3A_119 = tpu.memref_slice %arg7[%add3A_117, %dma_wait3A_118] : memref<79x128xi32, #tpu.memory_space<vmem>> -> memref<1x128xi32, #tpu.memory_space<vmem>>
      %dma_wait3A_120 = tpu.memref_squeeze %dma_wait3A_119 : memref<1x128xi32, #tpu.memory_space<vmem>> -> memref<128xi32, #tpu.memory_space<vmem>>
      %dma_wait3A_121 = arith.constant 0 : i32
      %dma_wait3A_122 = arith.constant 0 : i32
      %dma_wait3A_123 = tpu.memref_slice %arg2[%dma_wait3A_121, %dma_wait3A_122] : memref<10240x64xf32, #tpu.memory_space<hbm>> -> memref<10240x64xf32, #tpu.memory_space<hbm>>
      tpu.wait_indirect_dma semaphore(%arg17 : memref<!tpu.dma_semaphore, #tpu.memory_space<semaphore_mem>>) src(%dma_wait3A_123 : memref<10240x64xf32, #tpu.memory_space<hbm>>) dst(%arg12 : memref<128x64xf32, #tpu.memory_space<vmem>>)
      %dma_start3A_124 = arith.constant 0 : i32
      %dma_start3A_125 = tpu.memref_slice %arg8[%add3A_117, %dma_start3A_124] : memref<79x128xi32, #tpu.memory_space<vmem>> -> memref<1x128xi32, #tpu.memory_space<vmem>>
      %dma_start3A_126 = tpu.memref_squeeze %dma_start3A_125 : memref<1x128xi32, #tpu.memory_space<vmem>> -> memref<128xi32, #tpu.memory_space<vmem>>
      %dma_start3A_127 = arith.constant 0 : i32
      %dma_start3A_128 = arith.constant 0 : i32
      %dma_start3A_129 = tpu.memref_slice %arg13[%dma_start3A_127, %dma_start3A_128] : memref<10240x64xf32, #tpu.memory_space<vmem_shared>> -> memref<10240x64xf32, #tpu.memory_space<vmem_shared>>
      tpu.enqueue_indirect_dma source(%arg12 : memref<128x64xf32, #tpu.memory_space<vmem>>) target(%dma_start3A_129 : memref<10240x64xf32, #tpu.memory_space<vmem_shared>>) offsets(%dma_start3A_126 : memref<128xi32, #tpu.memory_space<vmem>>) semaphore(%arg21 : memref<!tpu.dma_semaphore, #tpu.memory_space<semaphore_mem>>) {add = true}
      %mul3A_130 = arith.constant 4 : i32
      %mul3A_131 = arith.muli %mul3A_130, %scan3A_66 : i32
      %add3A_132 = arith.constant 4 : i32
      %add3A_133 = arith.addi %mul3A_131, %add3A_132 : i32
      %add3A_134 = arith.constant 0 : i32
      %add3A_135 = arith.addi %add3A_133, %add3A_134 : i32
      %dma_wait3A_136 = arith.constant 0 : i32
      %dma_wait3A_137 = arith.constant 0 : i32
      %dma_wait3A_138 = tpu.memref_slice %arg8[%dma_wait3A_136, %dma_wait3A_137] : memref<79x128xi32, #tpu.memory_space<vmem>> -> memref<1x128xi32, #tpu.memory_space<vmem>>
      %dma_wait3A_139 = tpu.memref_squeeze %dma_wait3A_138 : memref<1x128xi32, #tpu.memory_space<vmem>> -> memref<128xi32, #tpu.memory_space<vmem>>
      %dma_wait3A_140 = arith.constant 0 : i32
      %dma_wait3A_141 = arith.constant 0 : i32
      %dma_wait3A_142 = tpu.memref_slice %arg13[%dma_wait3A_140, %dma_wait3A_141] : memref<10240x64xf32, #tpu.memory_space<vmem_shared>> -> memref<10240x64xf32, #tpu.memory_space<vmem_shared>>
      tpu.wait_indirect_dma semaphore(%arg18 : memref<!tpu.dma_semaphore, #tpu.memory_space<semaphore_mem>>) src(%arg9 : memref<128x64xf32, #tpu.memory_space<vmem>>) dst(%dma_wait3A_142 : memref<10240x64xf32, #tpu.memory_space<vmem_shared>>)
      %lt3A_143 = arith.cmpi slt, %add3A_135, %add3A_8 : i32
      %convert_element_type3A_144 = arith.extui %lt3A_143 : i1 to i32
      %cond3A_145 = arith.constant 0 : i32
      %cond3A_146 = arith.cmpi ne, %convert_element_type3A_144, %cond3A_145 : i32
      scf.if %cond3A_146 {
        %dma_start3A_198 = arith.constant 0 : i32
        %dma_start3A_199 = tpu.memref_slice %arg7[%add3A_135, %dma_start3A_198] : memref<79x128xi32, #tpu.memory_space<vmem>> -> memref<1x128xi32, #tpu.memory_space<vmem>>
        %dma_start3A_200 = tpu.memref_squeeze %dma_start3A_199 : memref<1x128xi32, #tpu.memory_space<vmem>> -> memref<128xi32, #tpu.memory_space<vmem>>
        %dma_start3A_201 = arith.constant 0 : i32
        %dma_start3A_202 = arith.constant 0 : i32
        %dma_start3A_203 = tpu.memref_slice %arg2[%dma_start3A_201, %dma_start3A_202] : memref<10240x64xf32, #tpu.memory_space<hbm>> -> memref<10240x64xf32, #tpu.memory_space<hbm>>
        tpu.enqueue_indirect_dma source(%dma_start3A_203 : memref<10240x64xf32, #tpu.memory_space<hbm>>) target(%arg9 : memref<128x64xf32, #tpu.memory_space<vmem>>) offsets(%dma_start3A_200 : memref<128xi32, #tpu.memory_space<vmem>>) semaphore(%arg14 : memref<!tpu.dma_semaphore, #tpu.memory_space<semaphore_mem>>)
      } else {
      }
      %mul3A_147 = arith.constant 4 : i32
      %mul3A_148 = arith.muli %mul3A_147, %scan3A_66 : i32
      %add3A_149 = arith.constant 4 : i32
      %add3A_150 = arith.addi %mul3A_148, %add3A_149 : i32
      %add3A_151 = arith.constant 1 : i32
      %add3A_152 = arith.addi %add3A_150, %add3A_151 : i32
      %dma_wait3A_153 = arith.constant 0 : i32
      %dma_wait3A_154 = arith.constant 0 : i32
      %dma_wait3A_155 = tpu.memref_slice %arg8[%dma_wait3A_153, %dma_wait3A_154] : memref<79x128xi32, #tpu.memory_space<vmem>> -> memref<1x128xi32, #tpu.memory_space<vmem>>
      %dma_wait3A_156 = tpu.memref_squeeze %dma_wait3A_155 : memref<1x128xi32, #tpu.memory_space<vmem>> -> memref<128xi32, #tpu.memory_space<vmem>>
      %dma_wait3A_157 = arith.constant 0 : i32
      %dma_wait3A_158 = arith.constant 0 : i32
      %dma_wait3A_159 = tpu.memref_slice %arg13[%dma_wait3A_157, %dma_wait3A_158] : memref<10240x64xf32, #tpu.memory_space<vmem_shared>> -> memref<10240x64xf32, #tpu.memory_space<vmem_shared>>
      tpu.wait_indirect_dma semaphore(%arg19 : memref<!tpu.dma_semaphore, #tpu.memory_space<semaphore_mem>>) src(%arg10 : memref<128x64xf32, #tpu.memory_space<vmem>>) dst(%dma_wait3A_159 : memref<10240x64xf32, #tpu.memory_space<vmem_shared>>)
      %lt3A_160 = arith.cmpi slt, %add3A_152, %add3A_8 : i32
      %convert_element_type3A_161 = arith.extui %lt3A_160 : i1 to i32
      %cond3A_162 = arith.constant 0 : i32
      %cond3A_163 = arith.cmpi ne, %convert_element_type3A_161, %cond3A_162 : i32
      scf.if %cond3A_163 {
        %dma_start3A_198 = arith.constant 0 : i32
        %dma_start3A_199 = tpu.memref_slice %arg7[%add3A_152, %dma_start3A_198] : memref<79x128xi32, #tpu.memory_space<vmem>> -> memref<1x128xi32, #tpu.memory_space<vmem>>
        %dma_start3A_200 = tpu.memref_squeeze %dma_start3A_199 : memref<1x128xi32, #tpu.memory_space<vmem>> -> memref<128xi32, #tpu.memory_space<vmem>>
        %dma_start3A_201 = arith.constant 0 : i32
        %dma_start3A_202 = arith.constant 0 : i32
        %dma_start3A_203 = tpu.memref_slice %arg2[%dma_start3A_201, %dma_start3A_202] : memref<10240x64xf32, #tpu.memory_space<hbm>> -> memref<10240x64xf32, #tpu.memory_space<hbm>>
        tpu.enqueue_indirect_dma source(%dma_start3A_203 : memref<10240x64xf32, #tpu.memory_space<hbm>>) target(%arg10 : memref<128x64xf32, #tpu.memory_space<vmem>>) offsets(%dma_start3A_200 : memref<128xi32, #tpu.memory_space<vmem>>) semaphore(%arg15 : memref<!tpu.dma_semaphore, #tpu.memory_space<semaphore_mem>>)
      } else {
      }
      %mul3A_164 = arith.constant 4 : i32
      %mul3A_165 = arith.muli %mul3A_164, %scan3A_66 : i32
      %add3A_166 = arith.constant 4 : i32
      %add3A_167 = arith.addi %mul3A_165, %add3A_166 : i32
      %add3A_168 = arith.constant 2 : i32
      %add3A_169 = arith.addi %add3A_167, %add3A_168 : i32
      %dma_wait3A_170 = arith.constant 0 : i32
      %dma_wait3A_171 = arith.constant 0 : i32
      %dma_wait3A_172 = tpu.memref_slice %arg8[%dma_wait3A_170, %dma_wait3A_171] : memref<79x128xi32, #tpu.memory_space<vmem>> -> memref<1x128xi32, #tpu.memory_space<vmem>>
      %dma_wait3A_173 = tpu.memref_squeeze %dma_wait3A_172 : memref<1x128xi32, #tpu.memory_space<vmem>> -> memref<128xi32, #tpu.memory_space<vmem>>
      %dma_wait3A_174 = arith.constant 0 : i32
      %dma_wait3A_175 = arith.constant 0 : i32
      %dma_wait3A_176 = tpu.memref_slice %arg13[%dma_wait3A_174, %dma_wait3A_175] : memref<10240x64xf32, #tpu.memory_space<vmem_shared>> -> memref<10240x64xf32, #tpu.memory_space<vmem_shared>>
      tpu.wait_indirect_dma semaphore(%arg20 : memref<!tpu.dma_semaphore, #tpu.memory_space<semaphore_mem>>) src(%arg11 : memref<128x64xf32, #tpu.memory_space<vmem>>) dst(%dma_wait3A_176 : memref<10240x64xf32, #tpu.memory_space<vmem_shared>>)
      %lt3A_177 = arith.cmpi slt, %add3A_169, %add3A_8 : i32
      %convert_element_type3A_178 = arith.extui %lt3A_177 : i1 to i32
      %cond3A_179 = arith.constant 0 : i32
      %cond3A_180 = arith.cmpi ne, %convert_element_type3A_178, %cond3A_179 : i32
      scf.if %cond3A_180 {
        %dma_start3A_198 = arith.constant 0 : i32
        %dma_start3A_199 = tpu.memref_slice %arg7[%add3A_169, %dma_start3A_198] : memref<79x128xi32, #tpu.memory_space<vmem>> -> memref<1x128xi32, #tpu.memory_space<vmem>>
        %dma_start3A_200 = tpu.memref_squeeze %dma_start3A_199 : memref<1x128xi32, #tpu.memory_space<vmem>> -> memref<128xi32, #tpu.memory_space<vmem>>
        %dma_start3A_201 = arith.constant 0 : i32
        %dma_start3A_202 = arith.constant 0 : i32
        %dma_start3A_203 = tpu.memref_slice %arg2[%dma_start3A_201, %dma_start3A_202] : memref<10240x64xf32, #tpu.memory_space<hbm>> -> memref<10240x64xf32, #tpu.memory_space<hbm>>
        tpu.enqueue_indirect_dma source(%dma_start3A_203 : memref<10240x64xf32, #tpu.memory_space<hbm>>) target(%arg11 : memref<128x64xf32, #tpu.memory_space<vmem>>) offsets(%dma_start3A_200 : memref<128xi32, #tpu.memory_space<vmem>>) semaphore(%arg16 : memref<!tpu.dma_semaphore, #tpu.memory_space<semaphore_mem>>)
      } else {
      }
      %mul3A_181 = arith.constant 4 : i32
      %mul3A_182 = arith.muli %mul3A_181, %scan3A_66 : i32
      %add3A_183 = arith.constant 4 : i32
      %add3A_184 = arith.addi %mul3A_182, %add3A_183 : i32
      %add3A_185 = arith.constant 3 : i32
      %add3A_186 = arith.addi %add3A_184, %add3A_185 : i32
      %dma_wait3A_187 = arith.constant 0 : i32
      %dma_wait3A_188 = arith.constant 0 : i32
      %dma_wait3A_189 = tpu.memref_slice %arg8[%dma_wait3A_187, %dma_wait3A_188] : memref<79x128xi32, #tpu.memory_space<vmem>> -> memref<1x128xi32, #tpu.memory_space<vmem>>
      %dma_wait3A_190 = tpu.memref_squeeze %dma_wait3A_189 : memref<1x128xi32, #tpu.memory_space<vmem>> -> memref<128xi32, #tpu.memory_space<vmem>>
      %dma_wait3A_191 = arith.constant 0 : i32
      %dma_wait3A_192 = arith.constant 0 : i32
      %dma_wait3A_193 = tpu.memref_slice %arg13[%dma_wait3A_191, %dma_wait3A_192] : memref<10240x64xf32, #tpu.memory_space<vmem_shared>> -> memref<10240x64xf32, #tpu.memory_space<vmem_shared>>
      tpu.wait_indirect_dma semaphore(%arg21 : memref<!tpu.dma_semaphore, #tpu.memory_space<semaphore_mem>>) src(%arg12 : memref<128x64xf32, #tpu.memory_space<vmem>>) dst(%dma_wait3A_193 : memref<10240x64xf32, #tpu.memory_space<vmem_shared>>)
      %lt3A_194 = arith.cmpi slt, %add3A_186, %add3A_8 : i32
      %convert_element_type3A_195 = arith.extui %lt3A_194 : i1 to i32
      %cond3A_196 = arith.constant 0 : i32
      %cond3A_197 = arith.cmpi ne, %convert_element_type3A_195, %cond3A_196 : i32
      scf.if %cond3A_197 {
        %dma_start3A_198 = arith.constant 0 : i32
        %dma_start3A_199 = tpu.memref_slice %arg7[%add3A_186, %dma_start3A_198] : memref<79x128xi32, #tpu.memory_space<vmem>> -> memref<1x128xi32, #tpu.memory_space<vmem>>
        %dma_start3A_200 = tpu.memref_squeeze %dma_start3A_199 : memref<1x128xi32, #tpu.memory_space<vmem>> -> memref<128xi32, #tpu.memory_space<vmem>>
        %dma_start3A_201 = arith.constant 0 : i32
        %dma_start3A_202 = arith.constant 0 : i32
        %dma_start3A_203 = tpu.memref_slice %arg2[%dma_start3A_201, %dma_start3A_202] : memref<10240x64xf32, #tpu.memory_space<hbm>> -> memref<10240x64xf32, #tpu.memory_space<hbm>>
        tpu.enqueue_indirect_dma source(%dma_start3A_203 : memref<10240x64xf32, #tpu.memory_space<hbm>>) target(%arg12 : memref<128x64xf32, #tpu.memory_space<vmem>>) offsets(%dma_start3A_200 : memref<128xi32, #tpu.memory_space<vmem>>) semaphore(%arg17 : memref<!tpu.dma_semaphore, #tpu.memory_space<semaphore_mem>>)
      } else {
      }
    }
    %scan3A_50 = arith.constant 19 : i32
    %gt3A = arith.constant 76 : i32
    %gt3A_51 = arith.cmpi sgt, %add3A_8, %gt3A : i32
    %convert_element_type3A_52 = arith.extui %gt3A_51 : i1 to i32
    %cond3A_53 = arith.constant 0 : i32
    %cond3A_54 = arith.cmpi ne, %convert_element_type3A_52, %cond3A_53 : i32
    scf.if %cond3A_54 {
      %dma_wait3A = arith.constant 76 : i32
      %dma_wait3A_66 = arith.constant 0 : i32
      %dma_wait3A_67 = tpu.memref_slice %arg7[%dma_wait3A, %dma_wait3A_66] : memref<79x128xi32, #tpu.memory_space<vmem>> -> memref<1x128xi32, #tpu.memory_space<vmem>>
      %dma_wait3A_68 = tpu.memref_squeeze %dma_wait3A_67 : memref<1x128xi32, #tpu.memory_space<vmem>> -> memref<128xi32, #tpu.memory_space<vmem>>
      %dma_wait3A_69 = arith.constant 0 : i32
      %dma_wait3A_70 = arith.constant 0 : i32
      %dma_wait3A_71 = tpu.memref_slice %arg2[%dma_wait3A_69, %dma_wait3A_70] : memref<10240x64xf32, #tpu.memory_space<hbm>> -> memref<10240x64xf32, #tpu.memory_space<hbm>>
      tpu.wait_indirect_dma semaphore(%arg14 : memref<!tpu.dma_semaphore, #tpu.memory_space<semaphore_mem>>) src(%dma_wait3A_71 : memref<10240x64xf32, #tpu.memory_space<hbm>>) dst(%arg9 : memref<128x64xf32, #tpu.memory_space<vmem>>)
      %run_scoped3A = arith.constant 76 : i32
      "tpu.region"() ({
        %run_scoped3A_72 = tpu.sem_alloc : memref<!tpu.dma_semaphore, #tpu.memory_space<semaphore_mem>>
        %dma_start3A_73 = arith.constant 0 : i32
        %dma_start3A_74 = tpu.memref_slice %arg8[%run_scoped3A, %dma_start3A_73] : memref<79x128xi32, #tpu.memory_space<vmem>> -> memref<1x128xi32, #tpu.memory_space<vmem>>
        %dma_start3A_75 = tpu.memref_squeeze %dma_start3A_74 : memref<1x128xi32, #tpu.memory_space<vmem>> -> memref<128xi32, #tpu.memory_space<vmem>>
        %dma_start3A_76 = arith.constant 0 : i32
        %dma_start3A_77 = arith.constant 0 : i32
        %dma_start3A_78 = tpu.memref_slice %arg13[%dma_start3A_76, %dma_start3A_77] : memref<10240x64xf32, #tpu.memory_space<vmem_shared>> -> memref<10240x64xf32, #tpu.memory_space<vmem_shared>>
        tpu.enqueue_indirect_dma source(%arg9 : memref<128x64xf32, #tpu.memory_space<vmem>>) target(%dma_start3A_78 : memref<10240x64xf32, #tpu.memory_space<vmem_shared>>) offsets(%dma_start3A_75 : memref<128xi32, #tpu.memory_space<vmem>>) semaphore(%run_scoped3A_72 : memref<!tpu.dma_semaphore, #tpu.memory_space<semaphore_mem>>) {add = true}
        %dma_wait3A_79 = arith.constant 0 : i32
        %dma_wait3A_80 = tpu.memref_slice %arg8[%run_scoped3A, %dma_wait3A_79] : memref<79x128xi32, #tpu.memory_space<vmem>> -> memref<1x128xi32, #tpu.memory_space<vmem>>
        %dma_wait3A_81 = tpu.memref_squeeze %dma_wait3A_80 : memref<1x128xi32, #tpu.memory_space<vmem>> -> memref<128xi32, #tpu.memory_space<vmem>>
        %dma_wait3A_82 = arith.constant 0 : i32
        %dma_wait3A_83 = arith.constant 0 : i32
        %dma_wait3A_84 = tpu.memref_slice %arg13[%dma_wait3A_82, %dma_wait3A_83] : memref<10240x64xf32, #tpu.memory_space<vmem_shared>> -> memref<10240x64xf32, #tpu.memory_space<vmem_shared>>
        tpu.wait_indirect_dma semaphore(%run_scoped3A_72 : memref<!tpu.dma_semaphore, #tpu.memory_space<semaphore_mem>>) src(%arg9 : memref<128x64xf32, #tpu.memory_space<vmem>>) dst(%dma_wait3A_84 : memref<10240x64xf32, #tpu.memory_space<vmem_shared>>)
        tpu.yield
      }) : () -> ()
    } else {
    }
    %gt3A_55 = arith.constant 77 : i32
    %gt3A_56 = arith.cmpi sgt, %add3A_8, %gt3A_55 : i32
    %convert_element_type3A_57 = arith.extui %gt3A_56 : i1 to i32
    %cond3A_58 = arith.constant 0 : i32
    %cond3A_59 = arith.cmpi ne, %convert_element_type3A_57, %cond3A_58 : i32
    scf.if %cond3A_59 {
      %dma_wait3A = arith.constant 77 : i32
      %dma_wait3A_66 = arith.constant 0 : i32
      %dma_wait3A_67 = tpu.memref_slice %arg7[%dma_wait3A, %dma_wait3A_66] : memref<79x128xi32, #tpu.memory_space<vmem>> -> memref<1x128xi32, #tpu.memory_space<vmem>>
      %dma_wait3A_68 = tpu.memref_squeeze %dma_wait3A_67 : memref<1x128xi32, #tpu.memory_space<vmem>> -> memref<128xi32, #tpu.memory_space<vmem>>
      %dma_wait3A_69 = arith.constant 0 : i32
      %dma_wait3A_70 = arith.constant 0 : i32
      %dma_wait3A_71 = tpu.memref_slice %arg2[%dma_wait3A_69, %dma_wait3A_70] : memref<10240x64xf32, #tpu.memory_space<hbm>> -> memref<10240x64xf32, #tpu.memory_space<hbm>>
      tpu.wait_indirect_dma semaphore(%arg15 : memref<!tpu.dma_semaphore, #tpu.memory_space<semaphore_mem>>) src(%dma_wait3A_71 : memref<10240x64xf32, #tpu.memory_space<hbm>>) dst(%arg10 : memref<128x64xf32, #tpu.memory_space<vmem>>)
      %run_scoped3A = arith.constant 77 : i32
      "tpu.region"() ({
        %run_scoped3A_72 = tpu.sem_alloc : memref<!tpu.dma_semaphore, #tpu.memory_space<semaphore_mem>>
        %dma_start3A_73 = arith.constant 0 : i32
        %dma_start3A_74 = tpu.memref_slice %arg8[%run_scoped3A, %dma_start3A_73] : memref<79x128xi32, #tpu.memory_space<vmem>> -> memref<1x128xi32, #tpu.memory_space<vmem>>
        %dma_start3A_75 = tpu.memref_squeeze %dma_start3A_74 : memref<1x128xi32, #tpu.memory_space<vmem>> -> memref<128xi32, #tpu.memory_space<vmem>>
        %dma_start3A_76 = arith.constant 0 : i32
        %dma_start3A_77 = arith.constant 0 : i32
        %dma_start3A_78 = tpu.memref_slice %arg13[%dma_start3A_76, %dma_start3A_77] : memref<10240x64xf32, #tpu.memory_space<vmem_shared>> -> memref<10240x64xf32, #tpu.memory_space<vmem_shared>>
        tpu.enqueue_indirect_dma source(%arg10 : memref<128x64xf32, #tpu.memory_space<vmem>>) target(%dma_start3A_78 : memref<10240x64xf32, #tpu.memory_space<vmem_shared>>) offsets(%dma_start3A_75 : memref<128xi32, #tpu.memory_space<vmem>>) semaphore(%run_scoped3A_72 : memref<!tpu.dma_semaphore, #tpu.memory_space<semaphore_mem>>) {add = true}
        %dma_wait3A_79 = arith.constant 0 : i32
        %dma_wait3A_80 = tpu.memref_slice %arg8[%run_scoped3A, %dma_wait3A_79] : memref<79x128xi32, #tpu.memory_space<vmem>> -> memref<1x128xi32, #tpu.memory_space<vmem>>
        %dma_wait3A_81 = tpu.memref_squeeze %dma_wait3A_80 : memref<1x128xi32, #tpu.memory_space<vmem>> -> memref<128xi32, #tpu.memory_space<vmem>>
        %dma_wait3A_82 = arith.constant 0 : i32
        %dma_wait3A_83 = arith.constant 0 : i32
        %dma_wait3A_84 = tpu.memref_slice %arg13[%dma_wait3A_82, %dma_wait3A_83] : memref<10240x64xf32, #tpu.memory_space<vmem_shared>> -> memref<10240x64xf32, #tpu.memory_space<vmem_shared>>
        tpu.wait_indirect_dma semaphore(%run_scoped3A_72 : memref<!tpu.dma_semaphore, #tpu.memory_space<semaphore_mem>>) src(%arg10 : memref<128x64xf32, #tpu.memory_space<vmem>>) dst(%dma_wait3A_84 : memref<10240x64xf32, #tpu.memory_space<vmem_shared>>)
        tpu.yield
      }) : () -> ()
    } else {
    }
    %gt3A_60 = arith.constant 78 : i32
    %gt3A_61 = arith.cmpi sgt, %add3A_8, %gt3A_60 : i32
    %convert_element_type3A_62 = arith.extui %gt3A_61 : i1 to i32
    %cond3A_63 = arith.constant 0 : i32
    %cond3A_64 = arith.cmpi ne, %convert_element_type3A_62, %cond3A_63 : i32
    scf.if %cond3A_64 {
      %dma_wait3A = arith.constant 78 : i32
      %dma_wait3A_66 = arith.constant 0 : i32
      %dma_wait3A_67 = tpu.memref_slice %arg7[%dma_wait3A, %dma_wait3A_66] : memref<79x128xi32, #tpu.memory_space<vmem>> -> memref<1x128xi32, #tpu.memory_space<vmem>>
      %dma_wait3A_68 = tpu.memref_squeeze %dma_wait3A_67 : memref<1x128xi32, #tpu.memory_space<vmem>> -> memref<128xi32, #tpu.memory_space<vmem>>
      %dma_wait3A_69 = arith.constant 0 : i32
      %dma_wait3A_70 = arith.constant 0 : i32
      %dma_wait3A_71 = tpu.memref_slice %arg2[%dma_wait3A_69, %dma_wait3A_70] : memref<10240x64xf32, #tpu.memory_space<hbm>> -> memref<10240x64xf32, #tpu.memory_space<hbm>>
      tpu.wait_indirect_dma semaphore(%arg16 : memref<!tpu.dma_semaphore, #tpu.memory_space<semaphore_mem>>) src(%dma_wait3A_71 : memref<10240x64xf32, #tpu.memory_space<hbm>>) dst(%arg11 : memref<128x64xf32, #tpu.memory_space<vmem>>)
      %run_scoped3A = arith.constant 78 : i32
      "tpu.region"() ({
        %run_scoped3A_72 = tpu.sem_alloc : memref<!tpu.dma_semaphore, #tpu.memory_space<semaphore_mem>>
        %dma_start3A_73 = arith.constant 0 : i32
        %dma_start3A_74 = tpu.memref_slice %arg8[%run_scoped3A, %dma_start3A_73] : memref<79x128xi32, #tpu.memory_space<vmem>> -> memref<1x128xi32, #tpu.memory_space<vmem>>
        %dma_start3A_75 = tpu.memref_squeeze %dma_start3A_74 : memref<1x128xi32, #tpu.memory_space<vmem>> -> memref<128xi32, #tpu.memory_space<vmem>>
        %dma_start3A_76 = arith.constant 0 : i32
        %dma_start3A_77 = arith.constant 0 : i32
        %dma_start3A_78 = tpu.memref_slice %arg13[%dma_start3A_76, %dma_start3A_77] : memref<10240x64xf32, #tpu.memory_space<vmem_shared>> -> memref<10240x64xf32, #tpu.memory_space<vmem_shared>>
        tpu.enqueue_indirect_dma source(%arg11 : memref<128x64xf32, #tpu.memory_space<vmem>>) target(%dma_start3A_78 : memref<10240x64xf32, #tpu.memory_space<vmem_shared>>) offsets(%dma_start3A_75 : memref<128xi32, #tpu.memory_space<vmem>>) semaphore(%run_scoped3A_72 : memref<!tpu.dma_semaphore, #tpu.memory_space<semaphore_mem>>) {add = true}
        %dma_wait3A_79 = arith.constant 0 : i32
        %dma_wait3A_80 = tpu.memref_slice %arg8[%run_scoped3A, %dma_wait3A_79] : memref<79x128xi32, #tpu.memory_space<vmem>> -> memref<1x128xi32, #tpu.memory_space<vmem>>
        %dma_wait3A_81 = tpu.memref_squeeze %dma_wait3A_80 : memref<1x128xi32, #tpu.memory_space<vmem>> -> memref<128xi32, #tpu.memory_space<vmem>>
        %dma_wait3A_82 = arith.constant 0 : i32
        %dma_wait3A_83 = arith.constant 0 : i32
        %dma_wait3A_84 = tpu.memref_slice %arg13[%dma_wait3A_82, %dma_wait3A_83] : memref<10240x64xf32, #tpu.memory_space<vmem_shared>> -> memref<10240x64xf32, #tpu.memory_space<vmem_shared>>
        tpu.wait_indirect_dma semaphore(%run_scoped3A_72 : memref<!tpu.dma_semaphore, #tpu.memory_space<semaphore_mem>>) src(%arg11 : memref<128x64xf32, #tpu.memory_space<vmem>>) dst(%dma_wait3A_84 : memref<10240x64xf32, #tpu.memory_space<vmem_shared>>)
        tpu.yield
      }) : () -> ()
    } else {
    }
    %barrier3A_65 = arith.constant 0 : index
    tpu.barrier barrier_id(%barrier3A_65)
    "tpu.region"() ({
      %run_scoped3A = tpu.sem_alloc : memref<!tpu.dma_semaphore, #tpu.memory_space<semaphore_mem>>
      %dma_start3A_66 = arith.constant 0 : i32
      %dma_start3A_67 = arith.constant 0 : i32
      %dma_start3A_68 = tpu.memref_slice %arg6[%arg0, %dma_start3A_66, %dma_start3A_67] : memref<2x10240x64xf32, #tpu.memory_space<hbm>> -> memref<1x10240x64xf32, #tpu.memory_space<hbm>>
      %dma_start3A_69 = tpu.memref_squeeze %dma_start3A_68 : memref<1x10240x64xf32, #tpu.memory_space<hbm>> -> memref<10240x64xf32, #tpu.memory_space<hbm>>
      %dma_start3A_70 = arith.constant 0 : i32
      %dma_start3A_71 = tpu.memref_slice %dma_start3A_69[%mul3A_10, %dma_start3A_70] : memref<10240x64xf32, #tpu.memory_space<hbm>> -> memref<640x64xf32, #tpu.memory_space<hbm>>
      %dma_start3A_72 = arith.constant 0 : i32
      %dma_start3A_73 = tpu.memref_slice %arg13[%mul3A_10, %dma_start3A_72] : memref<10240x64xf32, #tpu.memory_space<vmem_shared>> -> memref<640x64xf32, #tpu.memory_space<vmem_shared>>
      tpu.enqueue_dma source(%dma_start3A_73 : memref<640x64xf32, #tpu.memory_space<vmem_shared>>) target(%dma_start3A_71 : memref<640x64xf32, #tpu.memory_space<hbm>>) target_semaphore(%run_scoped3A : memref<!tpu.dma_semaphore, #tpu.memory_space<semaphore_mem>>)
      %dma_wait3A = arith.constant 0 : i32
      %dma_wait3A_74 = arith.constant 0 : i32
      %dma_wait3A_75 = tpu.memref_slice %arg6[%arg0, %dma_wait3A, %dma_wait3A_74] : memref<2x10240x64xf32, #tpu.memory_space<hbm>> -> memref<1x10240x64xf32, #tpu.memory_space<hbm>>
      %dma_wait3A_76 = tpu.memref_squeeze %dma_wait3A_75 : memref<1x10240x64xf32, #tpu.memory_space<hbm>> -> memref<10240x64xf32, #tpu.memory_space<hbm>>
      %dma_wait3A_77 = arith.constant 0 : i32
      %dma_wait3A_78 = tpu.memref_slice %dma_wait3A_76[%mul3A_10, %dma_wait3A_77] : memref<10240x64xf32, #tpu.memory_space<hbm>> -> memref<640x64xf32, #tpu.memory_space<hbm>>
      %dma_wait3A_79 = arith.constant 0 : i32
      %dma_wait3A_80 = tpu.memref_slice %arg13[%mul3A_10, %dma_wait3A_79] : memref<10240x64xf32, #tpu.memory_space<vmem_shared>> -> memref<640x64xf32, #tpu.memory_space<vmem_shared>>
      tpu.wait_dma2 semaphore(%run_scoped3A : memref<!tpu.dma_semaphore, #tpu.memory_space<semaphore_mem>>) src(%dma_wait3A_80 : memref<640x64xf32, #tpu.memory_space<vmem_shared>>) dst(%dma_wait3A_78 : memref<640x64xf32, #tpu.memory_space<hbm>>)
      tpu.yield
    }) : () -> ()
    return
  }
}

module attributes {stable_mosaic.version = 14 : i64} {
  func.func @_matmul1_body(%arg0: i32, %arg1: memref<1280x128xf32, #tpu.memory_space<vmem>>, %arg2: memref<128x64xf32, #tpu.memory_space<vmem>>, %arg3: memref<1280x64xf32, #tpu.memory_space<vmem>>) attributes {dimension_semantics = [#tpu.dimension_semantics<arbitrary>], iteration_bounds = array<i64: 8>, scalar_prefetch = 0 : i64, scratch_operands = 0 : i64, tpu.core_type = #tpu.core_type<tc>, window_params = [{transform_indices = @transform_0, window_bounds = array<i64: 1280, 128>}, {pipeline_mode = #tpu.pipeline_mode<synchronous>, transform_indices = @transform_1, window_bounds = array<i64: 128, 64>}, {transform_indices = @transform_2, window_bounds = array<i64: 1280, 64>}]} {
    %get3A = arith.constant 0 : index
    %get3A_0 = arith.constant 0 : index
    %get3A_1 = vector.load %arg1[%get3A, %get3A_0] : memref<1280x128xf32, #tpu.memory_space<vmem>>, vector<1280x128xf32>
    %get3A_2 = arith.constant 0 : index
    %get3A_3 = arith.constant 0 : index
    %get3A_4 = vector.load %arg2[%get3A_2, %get3A_3] : memref<128x64xf32, #tpu.memory_space<vmem>>, vector<128x64xf32>
    %dot_general3A = arith.constant dense<0.000000e+00> : vector<1280x64xf32>
    %dot_general3A_5 = tpu.matmul %get3A_1, %get3A_4, %dot_general3A {dimension_numbers = #tpu.dot_dimension_numbers<[1], [0], [0], [1], [0, 0, 1, 1], [], []>, transpose_lhs_hint = false} : vector<1280x128xf32>, vector<128x64xf32>, vector<1280x64xf32> -> vector<1280x64xf32>
    %swap3A = arith.constant 0 : index
    %swap3A_6 = arith.constant 0 : index
    %swap3A_7 = vector.load %arg3[%swap3A, %swap3A_6] : memref<1280x64xf32, #tpu.memory_space<vmem>>, vector<1280x64xf32>
    tpu.vector_store %arg3[%swap3A, %swap3A_6], %dot_general3A_5 {strides = array<i32>} : memref<1280x64xf32, #tpu.memory_space<vmem>>, vector<1280x64xf32>,
    return
  }
  func.func @transform_0(%arg0: i32) -> (i32, i32) {
    %c0_i32 = arith.constant 0 : i32
    %c0_i32_0 = arith.constant 0 : i32
    return %arg0, %c0_i32 : i32, i32
  }
  func.func @transform_1(%arg0: i32) -> (i32, i32) {
    %c0_i32 = arith.constant 0 : i32
    %c0_i32_0 = arith.constant 0 : i32
    %c0_i32_1 = arith.constant 0 : i32
    return %c0_i32, %c0_i32_0 : i32, i32
  }
  func.func @transform_2(%arg0: i32) -> (i32, i32) {
    %c0_i32 = arith.constant 0 : i32
    %c0_i32_0 = arith.constant 0 : i32
    return %arg0, %c0_i32 : i32, i32
  }
}

module attributes {stable_mosaic.version = 14 : i64} {
  func.func @_scale1_body(%arg0: i32, %arg1: memref<1280x64xf32, #tpu.memory_space<vmem>>, %arg2: memref<2x1280x16xf32, #tpu.memory_space<vmem>>, %arg3: memref<1280x64xf32, #tpu.memory_space<vmem>>) attributes {dimension_semantics = [#tpu.dimension_semantics<arbitrary>], iteration_bounds = array<i64: 8>, scalar_prefetch = 0 : i64, scratch_operands = 0 : i64, tpu.core_type = #tpu.core_type<tc>, window_params = [{transform_indices = @transform_0, window_bounds = array<i64: 1280, 64>}, {transform_indices = @transform_1, window_bounds = array<i64: 2, 1280, 16>}, {transform_indices = @transform_2, window_bounds = array<i64: 1280, 64>}]} {
    %get3A = arith.constant 0 : index
    %get3A_0 = arith.constant 0 : index
    %get3A_1 = vector.load %arg1[%get3A, %get3A_0] : memref<1280x64xf32, #tpu.memory_space<vmem>>, vector<1280x64xf32>
    %get3A_2 = arith.constant 0 : index
    %get3A_3 = arith.constant 0 : index
    %get3A_4 = arith.constant 0 : index
    %get3A_5 = vector.load %arg2[%get3A_2, %get3A_3, %get3A_4] : memref<2x1280x16xf32, #tpu.memory_space<vmem>>, vector<2x1280x16xf32>
    %slice3A = vector.extract_strided_slice %get3A_5 {offsets = [0, 0, 0], sizes = [1, 1280, 1], strides = [1, 1, 1]} : vector<2x1280x16xf32> to vector<1x1280x1xf32>
    %squeeze3A = vector.shape_cast %slice3A : vector<1x1280x1xf32> to vector<1280x1xf32>
    %slice3A_6 = vector.extract_strided_slice %get3A_5 {offsets = [1, 0, 0], sizes = [1, 1280, 1], strides = [1, 1, 1]} : vector<2x1280x16xf32> to vector<1x1280x1xf32>
    %squeeze3A_7 = vector.shape_cast %slice3A_6 : vector<1x1280x1xf32> to vector<1280x1xf32>
    %add3A = arith.addf %squeeze3A, %squeeze3A_7 : vector<1280x1xf32>
    %add3A_8 = arith.constant 1.000000e+00 : f32
    %add3A_9 = vector.broadcast %add3A_8 : f32 to vector<1280x1xf32>
    %add3A_10 = arith.addf %add3A, %add3A_9 : vector<1280x1xf32>
    %rsqrt3A = math.rsqrt %add3A_10 : vector<1280x1xf32>
    %mul3A = vector.broadcast %rsqrt3A : vector<1280x1xf32> to vector<1280x64xf32>
    %mul3A_11 = arith.mulf %get3A_1, %mul3A : vector<1280x64xf32>
    %swap3A = arith.constant 0 : index
    %swap3A_12 = arith.constant 0 : index
    %swap3A_13 = vector.load %arg3[%swap3A, %swap3A_12] : memref<1280x64xf32, #tpu.memory_space<vmem>>, vector<1280x64xf32>
    tpu.vector_store %arg3[%swap3A, %swap3A_12], %mul3A_11 {strides = array<i32>} : memref<1280x64xf32, #tpu.memory_space<vmem>>, vector<1280x64xf32>,
    return
  }
  func.func @transform_0(%arg0: i32) -> (i32, i32) {
    %c0_i32 = arith.constant 0 : i32
    %c0_i32_0 = arith.constant 0 : i32
    return %arg0, %c0_i32 : i32, i32
  }
  func.func @transform_1(%arg0: i32) -> (i32, i32, i32) {
    %c0_i32 = arith.constant 0 : i32
    %c0_i32_0 = arith.constant 0 : i32
    %c0_i32_1 = arith.constant 0 : i32
    return %c0_i32, %arg0, %c0_i32_0 : i32, i32, i32
  }
  func.func @transform_2(%arg0: i32) -> (i32, i32) {
    %c0_i32 = arith.constant 0 : i32
    %c0_i32_0 = arith.constant 0 : i32
    return %arg0, %c0_i32 : i32, i32
  }
}

module attributes {stable_mosaic.version = 14 : i64} {
  func.func @_layer2_body(%arg0: i32, %arg1: memref<2x1280x64xf32, #tpu.memory_space<vmem>>, %arg2: memref<1280x64xf32, #tpu.memory_space<vmem>>, %arg3: memref<2x1280x16xf32, #tpu.memory_space<vmem>>, %arg4: memref<1x64xf32, #tpu.memory_space<vmem>>, %arg5: memref<64x16xf32, #tpu.memory_space<vmem>>, %arg6: memref<1280x16xf32, #tpu.memory_space<vmem>>) attributes {dimension_semantics = [#tpu.dimension_semantics<arbitrary>], iteration_bounds = array<i64: 8>, scalar_prefetch = 0 : i64, scratch_operands = 0 : i64, tpu.core_type = #tpu.core_type<tc>, window_params = [{transform_indices = @transform_0, window_bounds = array<i64: 2, 1280, 64>}, {transform_indices = @transform_1, window_bounds = array<i64: 1280, 64>}, {transform_indices = @transform_2, window_bounds = array<i64: 2, 1280, 16>}, {pipeline_mode = #tpu.pipeline_mode<synchronous>, transform_indices = @transform_3, window_bounds = array<i64: 1, 64>}, {pipeline_mode = #tpu.pipeline_mode<synchronous>, transform_indices = @transform_4, window_bounds = array<i64: 64, 16>}, {transform_indices = @transform_5, window_bounds = array<i64: 1280, 16>}]} {
    %get3A = arith.constant 0 : index
    %get3A_0 = arith.constant 0 : index
    %get3A_1 = arith.constant 0 : index
    %get3A_2 = vector.load %arg3[%get3A, %get3A_0, %get3A_1] : memref<2x1280x16xf32, #tpu.memory_space<vmem>>, vector<2x1280x16xf32>
    %slice3A = vector.extract_strided_slice %get3A_2 {offsets = [0, 0, 0], sizes = [1, 1280, 1], strides = [1, 1, 1]} : vector<2x1280x16xf32> to vector<1x1280x1xf32>
    %squeeze3A = vector.shape_cast %slice3A : vector<1x1280x1xf32> to vector<1280x1xf32>
    %slice3A_3 = vector.extract_strided_slice %get3A_2 {offsets = [1, 0, 0], sizes = [1, 1280, 1], strides = [1, 1, 1]} : vector<2x1280x16xf32> to vector<1x1280x1xf32>
    %squeeze3A_4 = vector.shape_cast %slice3A_3 : vector<1x1280x1xf32> to vector<1280x1xf32>
    %add3A = arith.addf %squeeze3A, %squeeze3A_4 : vector<1280x1xf32>
    %add3A_5 = arith.constant 1.000000e+00 : f32
    %add3A_6 = vector.broadcast %add3A_5 : f32 to vector<1280x1xf32>
    %add3A_7 = arith.addf %add3A, %add3A_6 : vector<1280x1xf32>
    %rsqrt3A = math.rsqrt %add3A_7 : vector<1280x1xf32>
    %get3A_8 = arith.constant 0 : index
    %get3A_9 = arith.constant 0 : index
    %get3A_10 = arith.constant 0 : index
    %get3A_11 = vector.load %arg1[%get3A_8, %get3A_9, %get3A_10] : memref<2x1280x64xf32, #tpu.memory_space<vmem>>, vector<1x1280x64xf32>
    %get3A_12 = vector.shape_cast %get3A_11 : vector<1x1280x64xf32> to vector<1280x64xf32>
    %get3A_13 = arith.constant 1 : index
    %get3A_14 = arith.constant 0 : index
    %get3A_15 = arith.constant 0 : index
    %get3A_16 = vector.load %arg1[%get3A_13, %get3A_14, %get3A_15] : memref<2x1280x64xf32, #tpu.memory_space<vmem>>, vector<1x1280x64xf32>
    %get3A_17 = vector.shape_cast %get3A_16 : vector<1x1280x64xf32> to vector<1280x64xf32>
    %add3A_18 = arith.addf %get3A_12, %get3A_17 : vector<1280x64xf32>
    %get3A_19 = arith.constant 0 : index
    %get3A_20 = arith.constant 0 : index
    %get3A_21 = vector.load %arg2[%get3A_19, %get3A_20] : memref<1280x64xf32, #tpu.memory_space<vmem>>, vector<1280x64xf32>
    %add3A_22 = arith.addf %add3A_18, %get3A_21 : vector<1280x64xf32>
    %mul3A = vector.broadcast %rsqrt3A : vector<1280x1xf32> to vector<1280x64xf32>
    %mul3A_23 = arith.mulf %add3A_22, %mul3A : vector<1280x64xf32>
    %get3A_24 = arith.constant 0 : index
    %get3A_25 = arith.constant 0 : index
    %get3A_26 = vector.load %arg4[%get3A_24, %get3A_25] : memref<1x64xf32, #tpu.memory_space<vmem>>, vector<1x64xf32>
    %add3A_27 = vector.broadcast %get3A_26 : vector<1x64xf32> to vector<1280x64xf32>
    %add3A_28 = arith.addf %mul3A_23, %add3A_27 : vector<1280x64xf32>
    %max3A = arith.constant 0.000000e+00 : f32
    %max3A_29 = vector.broadcast %max3A : f32 to vector<1280x64xf32>
    %max3A_30 = arith.maximumf %add3A_28, %max3A_29 : vector<1280x64xf32>
    %get3A_31 = arith.constant 0 : index
    %get3A_32 = arith.constant 0 : index
    %get3A_33 = vector.load %arg5[%get3A_31, %get3A_32] : memref<64x16xf32, #tpu.memory_space<vmem>>, vector<64x16xf32>
    %dot_general3A = arith.constant dense<0.000000e+00> : vector<1280x16xf32>
    %dot_general3A_34 = tpu.matmul %max3A_30, %get3A_33, %dot_general3A {dimension_numbers = #tpu.dot_dimension_numbers<[1], [0], [0], [1], [0, 0, 1, 1], [], []>, transpose_lhs_hint = false} : vector<1280x64xf32>, vector<64x16xf32>, vector<1280x16xf32> -> vector<1280x16xf32>
    %mul3A_35 = vector.broadcast %rsqrt3A : vector<1280x1xf32> to vector<1280x16xf32>
    %mul3A_36 = arith.mulf %dot_general3A_34, %mul3A_35 : vector<1280x16xf32>
    %swap3A = arith.constant 0 : index
    %swap3A_37 = arith.constant 0 : index
    %swap3A_38 = vector.load %arg6[%swap3A, %swap3A_37] : memref<1280x16xf32, #tpu.memory_space<vmem>>, vector<1280x16xf32>
    tpu.vector_store %arg6[%swap3A, %swap3A_37], %mul3A_36 {strides = array<i32>} : memref<1280x16xf32, #tpu.memory_space<vmem>>, vector<1280x16xf32>,
    return
  }
  func.func @transform_0(%arg0: i32) -> (i32, i32, i32) {
    %c0_i32 = arith.constant 0 : i32
    %c0_i32_0 = arith.constant 0 : i32
    %c0_i32_1 = arith.constant 0 : i32
    return %c0_i32, %arg0, %c0_i32_0 : i32, i32, i32
  }
  func.func @transform_1(%arg0: i32) -> (i32, i32) {
    %c0_i32 = arith.constant 0 : i32
    %c0_i32_0 = arith.constant 0 : i32
    return %arg0, %c0_i32 : i32, i32
  }
  func.func @transform_2(%arg0: i32) -> (i32, i32, i32) {
    %c0_i32 = arith.constant 0 : i32
    %c0_i32_0 = arith.constant 0 : i32
    %c0_i32_1 = arith.constant 0 : i32
    return %c0_i32, %arg0, %c0_i32_0 : i32, i32, i32
  }
  func.func @transform_3(%arg0: i32) -> (i32, i32) {
    %c0_i32 = arith.constant 0 : i32
    %c0_i32_0 = arith.constant 0 : i32
    %c0_i32_1 = arith.constant 0 : i32
    return %c0_i32, %c0_i32_0 : i32, i32
  }
  func.func @transform_4(%arg0: i32) -> (i32, i32) {
    %c0_i32 = arith.constant 0 : i32
    %c0_i32_0 = arith.constant 0 : i32
    %c0_i32_1 = arith.constant 0 : i32
    return %c0_i32, %c0_i32_0 : i32, i32
  }
  func.func @transform_5(%arg0: i32) -> (i32, i32) {
    %c0_i32 = arith.constant 0 : i32
    %c0_i32_0 = arith.constant 0 : i32
    return %arg0, %c0_i32 : i32, i32
  }
}

module attributes {stable_mosaic.version = 14 : i64} {
  func.func @_final_body(%arg0: i32, %arg1: memref<2x1000x16xf32, #tpu.memory_space<vmem>>, %arg2: memref<1000x16xf32, #tpu.memory_space<vmem>>, %arg3: memref<2x1000x16xf32, #tpu.memory_space<vmem>>, %arg4: memref<1x16xf32, #tpu.memory_space<vmem>>, %arg5: memref<1000x16xf32, #tpu.memory_space<vmem>>) attributes {dimension_semantics = [#tpu.dimension_semantics<arbitrary>], iteration_bounds = array<i64: 10>, scalar_prefetch = 0 : i64, scratch_operands = 0 : i64, tpu.core_type = #tpu.core_type<tc>, window_params = [{transform_indices = @transform_0, window_bounds = array<i64: 2, 1000, 16>}, {transform_indices = @transform_1, window_bounds = array<i64: 1000, 16>}, {transform_indices = @transform_2, window_bounds = array<i64: 2, 1000, 16>}, {pipeline_mode = #tpu.pipeline_mode<synchronous>, transform_indices = @transform_3, window_bounds = array<i64: 1, 16>}, {transform_indices = @transform_4, window_bounds = array<i64: 1000, 16>}]} {
    %get3A = arith.constant 0 : index
    %get3A_0 = arith.constant 0 : index
    %get3A_1 = arith.constant 0 : index
    %get3A_2 = vector.load %arg3[%get3A, %get3A_0, %get3A_1] : memref<2x1000x16xf32, #tpu.memory_space<vmem>>, vector<2x1000x16xf32>
    %slice3A = vector.extract_strided_slice %get3A_2 {offsets = [0, 0, 0], sizes = [1, 1000, 1], strides = [1, 1, 1]} : vector<2x1000x16xf32> to vector<1x1000x1xf32>
    %squeeze3A = vector.shape_cast %slice3A : vector<1x1000x1xf32> to vector<1000x1xf32>
    %slice3A_3 = vector.extract_strided_slice %get3A_2 {offsets = [1, 0, 0], sizes = [1, 1000, 1], strides = [1, 1, 1]} : vector<2x1000x16xf32> to vector<1x1000x1xf32>
    %squeeze3A_4 = vector.shape_cast %slice3A_3 : vector<1x1000x1xf32> to vector<1000x1xf32>
    %add3A = arith.addf %squeeze3A, %squeeze3A_4 : vector<1000x1xf32>
    %add3A_5 = arith.constant 1.000000e+00 : f32
    %add3A_6 = vector.broadcast %add3A_5 : f32 to vector<1000x1xf32>
    %add3A_7 = arith.addf %add3A, %add3A_6 : vector<1000x1xf32>
    %rsqrt3A = math.rsqrt %add3A_7 : vector<1000x1xf32>
    %get3A_8 = arith.constant 0 : index
    %get3A_9 = arith.constant 0 : index
    %get3A_10 = arith.constant 0 : index
    %get3A_11 = vector.load %arg1[%get3A_8, %get3A_9, %get3A_10] : memref<2x1000x16xf32, #tpu.memory_space<vmem>>, vector<1x1000x16xf32>
    %get3A_12 = vector.shape_cast %get3A_11 : vector<1x1000x16xf32> to vector<1000x16xf32>
    %get3A_13 = arith.constant 1 : index
    %get3A_14 = arith.constant 0 : index
    %get3A_15 = arith.constant 0 : index
    %get3A_16 = vector.load %arg1[%get3A_13, %get3A_14, %get3A_15] : memref<2x1000x16xf32, #tpu.memory_space<vmem>>, vector<1x1000x16xf32>
    %get3A_17 = vector.shape_cast %get3A_16 : vector<1x1000x16xf32> to vector<1000x16xf32>
    %add3A_18 = arith.addf %get3A_12, %get3A_17 : vector<1000x16xf32>
    %get3A_19 = arith.constant 0 : index
    %get3A_20 = arith.constant 0 : index
    %get3A_21 = vector.load %arg2[%get3A_19, %get3A_20] : memref<1000x16xf32, #tpu.memory_space<vmem>>, vector<1000x16xf32>
    %add3A_22 = arith.addf %add3A_18, %get3A_21 : vector<1000x16xf32>
    %mul3A = vector.broadcast %rsqrt3A : vector<1000x1xf32> to vector<1000x16xf32>
    %mul3A_23 = arith.mulf %add3A_22, %mul3A : vector<1000x16xf32>
    %get3A_24 = arith.constant 0 : index
    %get3A_25 = arith.constant 0 : index
    %get3A_26 = vector.load %arg4[%get3A_24, %get3A_25] : memref<1x16xf32, #tpu.memory_space<vmem>>, vector<1x16xf32>
    %add3A_27 = vector.broadcast %get3A_26 : vector<1x16xf32> to vector<1000x16xf32>
    %add3A_28 = arith.addf %mul3A_23, %add3A_27 : vector<1000x16xf32>
    %swap3A = arith.constant 0 : index
    %swap3A_29 = arith.constant 0 : index
    %swap3A_30 = vector.load %arg5[%swap3A, %swap3A_29] : memref<1000x16xf32, #tpu.memory_space<vmem>>, vector<1000x16xf32>
    tpu.vector_store %arg5[%swap3A, %swap3A_29], %add3A_28 {strides = array<i32>} : memref<1000x16xf32, #tpu.memory_space<vmem>>, vector<1000x16xf32>,
    return
  }
  func.func @transform_0(%arg0: i32) -> (i32, i32, i32) {
    %c0_i32 = arith.constant 0 : i32
    %c0_i32_0 = arith.constant 0 : i32
    %c0_i32_1 = arith.constant 0 : i32
    return %c0_i32, %arg0, %c0_i32_0 : i32, i32, i32
  }
  func.func @transform_1(%arg0: i32) -> (i32, i32) {
    %c0_i32 = arith.constant 0 : i32
    %c0_i32_0 = arith.constant 0 : i32
    return %arg0, %c0_i32 : i32, i32
  }
  func.func @transform_2(%arg0: i32) -> (i32, i32, i32) {
    %c0_i32 = arith.constant 0 : i32
    %c0_i32_0 = arith.constant 0 : i32
    %c0_i32_1 = arith.constant 0 : i32
    return %c0_i32, %arg0, %c0_i32_0 : i32, i32, i32
  }
  func.func @transform_3(%arg0: i32) -> (i32, i32) {
    %c0_i32 = arith.constant 0 : i32
    %c0_i32_0 = arith.constant 0 : i32
    %c0_i32_1 = arith.constant 0 : i32
    return %c0_i32, %c0_i32_0 : i32, i32
  }
  func.func @transform_4(%arg0: i32) -> (i32, i32) {
    %c0_i32 = arith.constant 0 : i32
    %c0_i32_0 = arith.constant 0 : i32
    return %arg0, %c0_i32 : i32, i32
  }
}

</mosaic_0001>

<sc_bundles>
// kernel: kernel.12.cloned.1.call-start
scs
__scs_entry_jumppad:
0x0: {  	(pc) =	sbr.rel $0x88, $3  }
0x1: {  	(tag) =	ssettag $0x0;
	lr =	simm.s32 $0x1  }
0x2: {  	[smem:$0x3F9B] =	sst lr;
	_ =	strace $0xD0000000  }
0x3: {  	_ = 	snop  }
0x4: {  	_ = 	snop  }
0x5: {  	_ = 	snop  }
0x6: {  	_ = 	snop  }
0x7: {  	_ = 	snop  }
__scs_overlays_trampoline_lowered:
0x8: {  	[smem:$0x3FAA] =	sst s0  }
0x9: {  	[smem:$0x3FAB] =	sst s1  }
0xa: {  	[smem:$0x3FAC] =	sst s2  }
0xb: {  	[smem:$0x3FAD] =	sst s3  }
0xc: {  	[smem:$0x3FAE] =	sst s4  }
0xd: {  	[smem:$0x3FAF] =	sst s5  }
0xe: {  	[smem:$0x3FB0] =	sst s6  }
0xf: {  	[smem:$0x3FB1] =	sst s7  }
0x10: {  	[smem:$0x3FB2] =	sst s8  }
0x11: {  	[smem:$0x3FB3] =	sst s9;
	s0 =	simm.s32 @!p0 $0x0  }
0x12: {  	s1 =	sld [smem:$0x3F99];
	s0 =	simm.s32 @p0 $0x1  }
0x13: {  	[smem:$0x3FB4] =	sst s0;
	s0 =	simm.s32 @!p1 $0x0  }
0x14: {  	s2 =	sld [smem:$0x3F98];
	s0 =	simm.s32 @p1 $0x1  }
0x15: {  	[smem:$0x3FB5] =	sst s0;
	s0 =	simm.s32 @!p2 $0x0  }
0x16: {  	s3 =	sld [smem:$0x3FDB];
	s0 =	simm.s32 @p2 $0x1  }
0x17: {  	s4 =	simm.s32 $0x1BF5;
	[smem:$0x3FB7] =	sst s0  }
0x18: {  	s0 =	sld [smem:$0x3F9A];
	_ =	swait.ge [sflag:s4], $0x0  }
0x19: {  	s7 =	sld [smem:$0x3F9B]  }
0x1a: {  	s8 =	sadd.s32 $0xFFFFE003, lr  }
0x1b: {  	s9 =	sadd.s32 $0xFFFFFEF7, lr;
	s5 =	simm.s32 $0xFFFFFFFF;
	p2 =	slt.u32 s8, $0xFFFFF086  }
0x1c: {  	p1 =	slt.u32 s9, $0xF7A;
	s5 =	simm.s32 @!p2 $0x0  }
0x1d: {  	s5 =	simm.s32 @p1 $0x1;
	p0 =	seq.s32 s7, s2  }
0x1e: {  	s7 =	smul.u32 @!p0 $0xF7A, s2;
	p2 =	seq.s32 @!p0 s5, $0x0  }
0x1f: {  	s9 =	smul.u32 $0xF7A, s1;
	s8 =	simm.s32 @!p0 $0x1BF5;
	p2 =	por !p2, p0  }
0x20: {  	[sflag:s8] =	ssyncset.s32 @!p0 $0xFFFFF086;
	s6 =	sadd.s32 @!p0 s3, s7;
	s7 =	simm.s32 @!p0 $0x108  }
0x21: {  	s3 =	sadd.s32 s3, s9;
	s6 =	sadd.s32 @!p0 $0x88, s6;
	s7 =	simm.s32 @p2 $0x1082  }
0x22: {  	[simem:s7], [sflag:s8] =	dma.local @!p0 [hbm:s6], $0xF7A  }
0x23: {  	s9 =	sor.u32 $0xD0000000, s2;
	s6 =	simm.s32 $0x108;
	_ =	swait.ge @!p0 [sflag:s8], $0x0  }
0x24: {  	s3 =	sadd.s32 $0x88, s3;
	s6 =	simm.s32 @!p1 $0x1082;
	[sflag:s4] =	ssyncset.s32 $0xFFFFF086  }
0x25: {  	[simem:s6], [sflag:s4] =	dma.local [hbm:s3], $0xF7A  }
0x26: {  	[smem:$0x3F9B] =	sst s1;
	(tag) =	ssettag s2;
	_ =	strace s9  }
0x27: {  	s1 =	sld [smem:$0x3FAB]  }
0x28: {  	s2 =	sld [smem:$0x3FAC]  }
0x29: {  	s4 =	sld [smem:$0x3FAE]  }
0x2a: {  	p0 =	seq.s32 s5, $0x0;
	s5 =	sld [smem:$0x3FAF]  }
0x2b: {  	s6 =	sld [smem:$0x3FB0]  }
0x2c: {  	s7 =	sld [smem:$0x3FB1]  }
0x2d: {  	s3 =	simm.s32 $0x108;
	s8 =	sld [smem:$0x3FB2]  }
0x2e: {  	s3 =	simm.s32 @!p0 $0x1082;
	s9 =	sld [smem:$0x3FB3]  }
0x2f: {  	lr =	sadd.s32 s0, s3;
	s0 =	sld [smem:$0x3FAA]  }
0x30: {  	s3 =	sld [smem:$0x3FAD]  }
0x31: {  	[smem:$0x3FB6] =	sst s10  }
0x32: {  	s10 =	sld [smem:$0x3FB4];
	_ =	sdelay $0x3  }
0x33: {  	p0 =	seq.s32 s10, $0x1;
	s10 =	sld [smem:$0x3FB6];
	_ =	sdelay $0x3  }
0x34: {  	[smem:$0x3FB6] =	sst s10  }
0x35: {  	s10 =	sld [smem:$0x3FB5];
	_ =	sdelay $0x3  }
0x36: {  	p1 =	seq.s32 s10, $0x1;
	s10 =	sld [smem:$0x3FB6];
	_ =	sdelay $0x3  }
0x37: {  	[smem:$0x3FB6] =	sst s10  }
0x38: {  	s10 =	sld [smem:$0x3FB7]  }
0x39: {  	_ = 	snop;
	(pc) =	sbr.ind lr, $3  }
0x3a: {  	_ = 	snop  }
0x3b: {  	_ = 	snop  }
0x3c: {  	p2 =	seq.s32 s10, $0x1;
	s10 =	sld [smem:$0x3FB6]  }
0x3d: {  	_ =	shalt  }
0x3e: {  	_ =	shalt  }
0x3f: {  	_ =	shalt  }
0x40: {  	_ =	shalt  }
0x41: {  	_ =	shalt  }
0x42: {  	_ =	shalt  }
0x43: {  	_ =	shalt  }
0x44: {  	_ =	shalt  }
0x45: {  	_ =	shalt  }
0x46: {  	_ =	shalt  }
0x47: {  	_ =	shalt  }
0x48: {  	_ =	shalt  }
0x49: {  	_ =	shalt  }
0x4a: {  	_ =	shalt  }
0x4b: {  	_ =	shalt  }
0x4c: {  	_ =	shalt  }
0x4d: {  	_ =	shalt  }
0x4e: {  	_ =	shalt  }
0x4f: {  	_ =	shalt  }
0x50: {  	_ =	shalt  }
0x51: {  	_ =	shalt  }
0x52: {  	_ =	shalt  }
0x53: {  	_ =	shalt  }
0x54: {  	_ =	shalt  }
0x55: {  	_ =	shalt  }
0x56: {  	_ =	shalt  }
0x57: {  	_ =	shalt  }
0x58: {  	_ =	shalt  }
0x59: {  	_ =	shalt  }
0x5a: {  	_ =	shalt  }
0x5b: {  	_ =	shalt  }
0x5c: {  	_ =	shalt  }
0x5d: {  	_ =	shalt  }
0x5e: {  	_ =	shalt  }
0x5f: {  	_ =	shalt  }
0x60: {  	_ =	shalt  }
0x61: {  	_ =	shalt  }
0x62: {  	_ =	shalt  }
0x63: {  	_ =	shalt  }
0x64: {  	_ =	shalt  }
0x65: {  	_ =	shalt  }
0x66: {  	_ =	shalt  }
0x67: {  	_ =	shalt  }
0x68: {  	_ =	shalt  }
0x69: {  	_ =	shalt  }
0x6a: {  	_ =	shalt  }
0x6b: {  	_ =	shalt  }
0x6c: {  	_ =	shalt  }
0x6d: {  	_ =	shalt  }
0x6e: {  	_ =	shalt  }
0x6f: {  	_ =	shalt  }
0x70: {  	_ =	shalt  }
0x71: {  	_ =	shalt  }
0x72: {  	_ =	shalt  }
0x73: {  	_ =	shalt  }
0x74: {  	_ =	shalt  }
0x75: {  	_ =	shalt  }
0x76: {  	_ =	shalt  }
0x77: {  	_ =	shalt  }
0x78: {  	_ =	shalt  }
0x79: {  	_ =	shalt  }
0x7a: {  	_ =	shalt  }
0x7b: {  	_ =	shalt  }
0x7c: {  	_ =	shalt  }
0x7d: {  	_ =	shalt  }
0x7e: {  	_ =	shalt  }
0x7f: {  	_ =	shalt  }
0x80: {  	_ =	shalt  }
0x81: {  	_ =	shalt  }
0x82: {  	_ =	shalt  }
0x83: {  	_ =	shalt  }
0x84: {  	_ =	shalt  }
0x85: {  	_ =	shalt  }
0x86: {  	_ =	shalt  }
0x87: {  	_ =	shalt  }
.Lfunc_end0:
.L_simem_size_0:
called_computation.1_lowered:
.L_overlay_start_0:
0x88: {  	s2 =	sld [smem:$0x3FD9]  }
0x89: {  	s3 =	sld [smem:$0x3FFE];
	_ =	sdelay $0x1  }
0x8a: {  	s1 =	srdreg.scid  }
0x8b: {  	s0 =	sand.u32 $0x1, s1  }
0x8c: {  	s16 =	sshll.u32 s0, $0xA;
	s2 =	sadd.s32 s3, s2  }
0x8d: {  	s2 =	sadd.s32 s2, s16  }
0x8e: {  	[smem:$0x3FC2] =	sst s2  }
0x8f: {  	_ = 	snop  }
0x90: {  	(tm) =	ssettm $0x1  }
0x91: {  	s17 =	sld [smem:$0x3FFB];
	_ =	sdelay $0x3  }
0x92: {  	_ =	strace s17  }
0x93: {  	s2 =	sld [smem:$0x3FFC];
	_ =	sdelay $0x3  }
0x94: {  	_ =	strace s2  }
0x95: {  	s2 =	sld [smem:$0x3FFD];
	_ =	sdelay $0x3  }
0x96: {  	_ =	strace s2  }
0x97: {  	_ =	strace $0x8FFFFFFF  }
0x98: {  	s18 =	sld [smem:$0x3FDB];
	_ =	sdelay $0x1  }
0x99: {  	s19 =	simm.s32 $_scs_section_size  }
0x9a: {  	s4 =	simm.s32 $_size__tile_overlayer_lowered;
	s5 =	simm.s32 $_tile_overlayer_lowered  }
0x9b: {  	s22 =	simm.s32 $0x1BFF;
	s21 =	sshll.u32 s5, $0x1;
	s2 =	sadd.s32 s19, s18  }
0x9c: {  	s6 =	simm.s32 $0x0;
	s20 =	sshll.u32 s4, $0x1;
	s4 =	sadd.s32 s21, s2  }
0x9d: {  	[timem:s6], [sflag:s22] =	dma.local [hbm:s4], s20  }
0x9e: {  	_ =	swait.ge [sflag:s22], s20  }
0x9f: {  	s3 =	ssub.s32 $0x0, s20;
	[sflag:s22] =	ssyncset.done $0x0  }
0xa0: {  	[sflag:s22] =	ssyncadd.s32 s3;
	_ =	sdelay $0x1  }
0xa1: {  	s23 =	simm.s32 $0x1B8B  }
0xa2: {  	_ =	swait.ge [sflag:s23], $0x1  }
0xa3: {  	[sflag:s23] =	ssyncset.done $0x0  }
0xa4: {  	s25 =	simm.s32 $0x1B8E;
	s24 =	sld [smem:$0x3FFE];
	[sflag:s23] =	ssyncadd.s32 $0xFFFFFFFF  }
0xa5: {  	s26 =	simm.s32 $execute0_lowered;
	[smem:$0x3FD2] =	sst s25  }
0xa6: {  	s4 =	sshll.u32 s26, $0x1;
	_ =	strace $0x80000049;
	[dreg:$0x1] =	wrdreg $0xFFFFFFFF  }
0xa7: {  	s28 =	simm.s32 $_size_execute0_lowered;
	s2 =	sadd.s32 s2, s4;
	[dreg:$0x0] =	wrdreg $0x0  }
0xa8: {  	s4 =	sshll.u32 s28, $0x1;
	[dreg:$0x2] =	wrdreg s2  }
0xa9: {  	[dreg:$0x3] =	wrdreg s4  }
0xaa: {  	[dreg:$0x4] =	wrdreg $0xC0  }
0xab: {  	_ =	task [dreg:s6], $0x5FFFF  }
0xac: {  	[dreg:$0x1] =	wrdreg $0xFFFFFFFF  }
0xad: {  	[dreg:$0x0] =	wrdreg $0x60  }
0xae: {  	[dreg:$0x2] =	wrdreg s24  }
0xaf: {  	[dreg:$0x3] =	wrdreg $0xCF000  }
0xb0: {  	[dreg:$0x4] =	wrdreg $0x9  }
0xb1: {  	_ =	task.clear_ibuf [dreg:s6], $0x5FFFF;
	_ =	strace $0x90000049  }
0xb2: {  	s29 =	simm.s32 $0x9;
	_ =	strace $0x8000004B  }
0xb3: {  	_ =	swait.ge [sflag:s29], $0x1  }
0xb4: {  	[sflag:s29] =	ssyncadd.s32 $0xFFFFFFFF  }
0xb5: {  	_ =	strace $0x9000004B  }
0xb6: {  	_ =	sfence  }
0xb7: {  	s30 =	sld [smem:$0x0];
	_ =	sdelay $0x2  }
0xb8: {  	s31 =	sshll.u32 s1, $0xD;
	s1 =	sshrl.u32 s1, $0x2  }
0xb9: {  	s3 =	sand.u32 $0x4000, s31;
	s1 =	sadd.s32 s1, s30  }
0xba: {  	s0 =	sor.u32 s3, s0;
	s1 =	sshll.u32 s1, $0x11  }
0xbb: {  	s0 =	sor.u32 s1, s0  }
0xbc: {  	s0 =	sadd.s32 $0x8F2B, s0  }
0xbd: {  	[sflag:s0] =	ssyncadd.remote.s32 $0x1  }
0xbe: {  	_ =	sfence.sel $0xFFFF  }
0xbf: {  	[dreg:$0x0] =	wrdreg $0xFFFFFFFF;
	(pc) =	sbr.abs _section_cstart, $3  }
0xc0: {  	[dreg:$0x1] =	wrdreg $0xFFFFFFFF  }
0xc1: {  	_ =	task.clear_ibuf [dreg:s6], $0x2FFFF;
	_ =	strace $0x9FFFFFFF  }
0xc2: {  	(tm) =	ssettm $0x7FFFFFFF  }
0xc3: {  	_ =	shalt  }
tec
execute0_lowered:
.L_overlay_start_1:
0x0: {  	(tag) =	ssettag $0x1  }
0x1: {  	s0 =	rddreg [dreg:$0x0]  }
0x2: {  	s1 =	rddreg [dreg:$0x1];
	s3 =	simm.s32 $0x0;
	s14 =	stileid.u32  }
0x3: {  	s2 =	srdreg.scid;
	s15 =	simm.s32 $0x4F00;
	s16 =	simm.s32 $0x6F00  }
0x4: {  	s18 =	simm.s32 $0x8F00;
	s20 =	simm.s32 $0xAF00;
	s21 =	simm.s32 $0x1  }
0x5: {  	s22 =	simm.s32 $0x2;
	s28 =	simm.s32 $0x6;
	s29 =	simm.s32 $0x7  }
0x6: {  	s30 =	simm.s32 $0x8;
	[smem:$0x7FF] =	sst s3;
	s4 =	sadd.s32 $0x92C00, s0  }
0x7: {  	s5 =	smul.u32 $0xA000, s14;
	s2 =	sand.u32 $0x1, s2;
	s9 =	sadd.s32 $0x2000, s0  }
0x8: {  	s10 =	sadd.s32 $0xBE00, s0;
	s26 =	sshll.u32 s14, $0x6;
	_ =	strace $0x8000004A  }
0x9: {  	s6 =	sshll.u32 s2, $0x4;
	s7 =	smul.u32 $0x14000, s2;
	s2 =	ssub.s32 $0x2, s2  }
0xa: {  	s17 =	sshrl.u32 s5, $0x3;
	s12 =	sor.u32 s14, s6;
	s24 =	sshrl.u32 s2, $0x1  }
0xb: {  	s13 =	sadd.s32 s5, s1;
	s6 =	sor.u32 $0x1C09, s26;
	s14 =	simm.s32 $0x80  }
0xc: {  	s26 =	simm.s32 $0x5;
	s23 =	sadd.s32 s17, s0;
	s8 =	smul.u32 $0x4E, s12  }
0xd: {  	s0 =	sadd.s32 s7, s0;
	s11 =	smin.u32 s12, $0x4;
	s2 =	ssub.s32 s2, s24  }
0xe: {  	p0 =	sgt.u32 s12, $0x3;
	s12 =	sshrl.u32 s13, $0x3;
	s13 =	simm.s32 $0x9  }
0xf: {  	s5 =	sadd.s32 $0xA6C00, s23;
	s0 =	sadd.s32 $0xBAC00, s0;
	s23 =	simm.s32 $0x3  }
0x10: {  	s25 =	sadd.s32 s11, s8;
	s11 =	smax.u32 s2, $0x1;
	s24 =	sadd.s32 s17, s0  }
0x11: {  	s2 =	simm.s32 $0x4E00;
	s17 =	simm.s32 $0x0;
	s8 =	sshll.u32 s25, $0x4  }
0x12: {  	s25 =	simm.s32 $0x4;
	s7 =	sadd.s32 s9, s8;
	s31 =	sadd.s32 $0x4E0, s8  }
0x13: {  	s8 =	sadd.s32 s10, s8;
	s9 =	sadd.s32 s9, s31;
	s10 =	sadd.s32 s10, s31  }
.LBB2_1:
0x14: {  	[spmem:s12], [sflag:s6] =	dma.local [hbm:s5], $0x1400  }
0x15: {  	_ =	swait.ge [sflag:s13], $0x1400  }
0x16: {  	[sflag:s13] =	ssyncset.done $0x0  }
0x17: {  	[sflag:s13] =	ssyncadd.s32 $0xFFFFEC00  }
0x18: {  	[tilespmem:s3], [sflag:$0x9] =	stream.linear.gather [hbm4b:s7+s3], $0x2700, $0x38;
	[tilespmem:$0x16F00] =	vst v63  }
0x19: {  	_ =	swait.ge [sflag:s13], $0x2700  }
0x1a: {  	[sflag:s13] =	ssyncset.done $0x0  }
0x1b: {  	s19 =	simm.s32 @p0 $0x0;
	s31 =	simm.s32 @p0 $0x2780;
	[sflag:s13] =	ssyncadd.s32 $0xFFFFD900  }
0x1c: {  	[tilespmem:s31], [sflag:$0x9] =	stream.linear.gather @p0 [hbm4b:s8+s19], $0x2700, $0x38;
	[tilespmem:$0x16F00] =	vst v63  }
0x1d: {  	s19 =	simm.s32 @p0 $0x9  }
0x1e: {  	_ =	swait.ge @p0 [sflag:s19], $0x2700  }
0x1f: {  	[sflag:s19] =	ssyncset.done @p0 $0x0  }
0x20: {  	s31 =	simm.s32 @!p0 $0x2700;
	[sflag:s19] =	ssyncadd.s32 @p0 $0xFFFFD900;
	s19 =	simm.s32 @!p0 $0x0  }
0x21: {  	[tilespmem:s31], [sflag:$0x9] =	stream.linear.gather @!p0 [hbm4b:s9+s19], $0x80, $0x38;
	[tilespmem:$0x16F00] =	vst v63  }
0x22: {  	s31 =	simm.s32 @!p0 $0x9  }
0x23: {  	_ =	swait.ge @!p0 [sflag:s31], $0x80  }
0x24: {  	[sflag:s31] =	ssyncset.done @!p0 $0x0  }
0x25: {  	s0 =	simm.s32 @!p0 $0x2780;
	[sflag:s31] =	ssyncadd.s32 @!p0 $0xFFFFFF80  }
0x26: {  	[tilespmem:s0], [sflag:$0x9] =	stream.linear.gather @!p0 [hbm4b:s8+s19], $0x2700, $0x38;
	[tilespmem:$0x16F00] =	vst v63  }
0x27: {  	_ =	swait.ge @!p0 [sflag:s31], $0x2700  }
0x28: {  	[sflag:s31] =	ssyncset.done @!p0 $0x0  }
0x29: {  	s0 =	simm.s32 @!p0 $0x4E80;
	[sflag:s31] =	ssyncadd.s32 @!p0 $0xFFFFD900  }
0x2a: {  	[tilespmem:s0], [sflag:$0x9] =	stream.linear.gather @!p0 [hbm4b:s10+s19], $0x80, $0x38;
	[tilespmem:$0x16F00] =	vst v63  }
0x2b: {  	_ =	swait.ge @!p0 [sflag:s31], $0x80  }
0x2c: {  	[sflag:s31] =	ssyncset.done @!p0 $0x0  }
0x2d: {  	[sflag:s31] =	ssyncadd.s32 @!p0 $0xFFFFFF80  }
0x2e: {  	[bflag:$0x0] =	sbarrier.arrive $0xFFFF  }
0x2f: {  	[tilespmem:s15], [sflag:$0x1] =	stream.indirect.gather [hbm4b:s4+s14], $0x40, s3, s14, $0xb8;
	[tilespmem:$0x16F00] =	vst v63  }
0x30: {  	_ = 	snop  }
0x31: {  	[tilespmem:s16], [sflag:$0x2] =	stream.indirect.gather [hbm4b:s4+s14], $0x40, s14, s14, $0xb8;
	[tilespmem:$0x16F00] =	vst v63  }
0x32: {  	s19 =	simm.s32 $0x100  }
0x33: {  	[tilespmem:s18], [sflag:$0x3] =	stream.indirect.gather [hbm4b:s4+s14], $0x40, s19, s14, $0xb8;
	[tilespmem:$0x16F00] =	vst v63  }
0x34: {  	s19 =	simm.s32 $0x180  }
0x35: {  	[tilespmem:s20], [sflag:$0x4] =	stream.indirect.gather [hbm4b:s4+s14], $0x40, s19, s14, $0xb8;
	[tilespmem:$0x16F00] =	vst v63  }
0x36: {  	_ =	swait.ge [sflag:s21], $0x2000  }
0x37: {  	[sflag:s21] =	ssyncset.done $0x0  }
0x38: {  	s19 =	simm.s32 $0x2780;
	[sflag:s21] =	ssyncadd.s32 $0xFFFFE000  }
0x39: {  	[spmem:s1] =	stream.indirect.scatter.add.f32 [tilespmem:s15], [sflag:$0x5], $0x40, s19, s14, $0xb8;
	[tilespmem:$0x16F00] =	vst v63  }
0x3a: {  	_ =	swait.ge [sflag:s22], $0x2000  }
0x3b: {  	[sflag:s22] =	ssyncset.done $0x0  }
0x3c: {  	s19 =	simm.s32 $0x2800;
	[sflag:s22] =	ssyncadd.s32 $0xFFFFE000  }
0x3d: {  	[spmem:s1] =	stream.indirect.scatter.add.f32 [tilespmem:s16], [sflag:$0x6], $0x40, s19, s14, $0xb8;
	[tilespmem:$0x16F00] =	vst v63  }
0x3e: {  	_ =	swait.ge [sflag:s23], $0x2000  }
0x3f: {  	[sflag:s23] =	ssyncset.done $0x0  }
0x40: {  	s19 =	simm.s32 $0x2880;
	[sflag:s23] =	ssyncadd.s32 $0xFFFFE000  }
0x41: {  	[spmem:s1] =	stream.indirect.scatter.add.f32 [tilespmem:s18], [sflag:$0x7], $0x40, s19, s14, $0xb8;
	[tilespmem:$0x16F00] =	vst v63  }
0x42: {  	_ =	swait.ge [sflag:s25], $0x2000  }
0x43: {  	[sflag:s25] =	ssyncset.done $0x0  }
0x44: {  	s19 =	simm.s32 $0x2900;
	[sflag:s25] =	ssyncadd.s32 $0xFFFFE000  }
0x45: {  	[spmem:s1] =	stream.indirect.scatter.add.f32 [tilespmem:s20], [sflag:$0x8], $0x40, s19, s14, $0xb8;
	[tilespmem:$0x16F00] =	vst v63  }
0x46: {  	_ =	swait.ge [sflag:s26], $0x2000  }
0x47: {  	[sflag:s26] =	ssyncset.done $0x0  }
0x48: {  	s19 =	simm.s32 $0x200;
	[sflag:s26] =	ssyncadd.s32 $0xFFFFE000  }
0x49: {  	[tilespmem:s15], [sflag:$0x1] =	stream.indirect.gather [hbm4b:s4+s14], $0x40, s19, s14, $0xb8;
	[tilespmem:$0x16F00] =	vst v63  }
0x4a: {  	_ =	swait.ge [sflag:s28], $0x2000  }
0x4b: {  	[sflag:s28] =	ssyncset.done $0x0  }
0x4c: {  	s19 =	simm.s32 $0x280;
	[sflag:s28] =	ssyncadd.s32 $0xFFFFE000  }
0x4d: {  	[tilespmem:s16], [sflag:$0x2] =	stream.indirect.gather [hbm4b:s4+s14], $0x40, s19, s14, $0xb8;
	[tilespmem:$0x16F00] =	vst v63  }
0x4e: {  	_ =	swait.ge [sflag:s29], $0x2000  }
0x4f: {  	[sflag:s29] =	ssyncset.done $0x0  }
0x50: {  	s19 =	simm.s32 $0x300;
	[sflag:s29] =	ssyncadd.s32 $0xFFFFE000  }
0x51: {  	[tilespmem:s18], [sflag:$0x3] =	stream.indirect.gather [hbm4b:s4+s14], $0x40, s19, s14, $0xb8;
	[tilespmem:$0x16F00] =	vst v63  }
0x52: {  	_ =	swait.ge [sflag:s30], $0x2000  }
0x53: {  	[sflag:s30] =	ssyncset.done $0x0  }
0x54: {  	s31 =	simm.s32 $0x380;
	s19 =	simm.s32 $0x800;
	[sflag:s30] =	ssyncadd.s32 $0xFFFFE000  }
.LBB2_2:
0x55: {  	[tilespmem:s20], [sflag:$0x4] =	stream.indirect.gather [hbm4b:s4+s14], $0x40, s31, s14, $0xb8;
	[tilespmem:$0x16F00] =	vst v63  }
0x56: {  	s0 =	smov.u32 s19  }
0x57: {  	p1 =	sne.s32 s19, $0x8800;
	s19 =	sadd.s32 $0x800, s19;
	_ =	swait.ge [sflag:s21], $0x2000  }
0x58: {  	s31 =	sshra.s32 s0, $0x2;
	[sflag:s21] =	ssyncset.done $0x0  }
0x59: {  	s0 =	sadd.s32 $0x2780, s31;
	[sflag:s21] =	ssyncadd.s32 $0xFFFFE000  }
0x5a: {  	[spmem:s1] =	stream.indirect.scatter.add.f32 [tilespmem:s15], [sflag:$0x5], $0x40, s0, s14, $0xb8;
	[tilespmem:$0x16F00] =	vst v63  }
0x5b: {  	_ =	swait.ge [sflag:s22], $0x2000  }
0x5c: {  	[sflag:s22] =	ssyncset.done $0x0  }
0x5d: {  	s0 =	sadd.s32 $0x2800, s31;
	[sflag:s22] =	ssyncadd.s32 $0xFFFFE000  }
0x5e: {  	[spmem:s1] =	stream.indirect.scatter.add.f32 [tilespmem:s16], [sflag:$0x6], $0x40, s0, s14, $0xb8;
	[tilespmem:$0x16F00] =	vst v63  }
0x5f: {  	_ =	swait.ge [sflag:s23], $0x2000  }
0x60: {  	[sflag:s23] =	ssyncset.done $0x0  }
0x61: {  	s0 =	sadd.s32 $0x2880, s31;
	[sflag:s23] =	ssyncadd.s32 $0xFFFFE000  }
0x62: {  	[spmem:s1] =	stream.indirect.scatter.add.f32 [tilespmem:s18], [sflag:$0x7], $0x40, s0, s14, $0xb8;
	[tilespmem:$0x16F00] =	vst v63  }
0x63: {  	_ =	swait.ge [sflag:s25], $0x2000  }
0x64: {  	[sflag:s25] =	ssyncset.done $0x0  }
0x65: {  	s0 =	sadd.s32 $0x2900, s31;
	[sflag:s25] =	ssyncadd.s32 $0xFFFFE000  }
0x66: {  	[spmem:s1] =	stream.indirect.scatter.add.f32 [tilespmem:s20], [sflag:$0x8], $0x40, s0, s14, $0xb8;
	[tilespmem:$0x16F00] =	vst v63  }
0x67: {  	_ =	swait.ge [sflag:s26], $0x2000  }
0x68: {  	[sflag:s26] =	ssyncset.done $0x0  }
0x69: {  	s0 =	sadd.s32 $0x200, s31;
	[sflag:s26] =	ssyncadd.s32 $0xFFFFE000  }
0x6a: {  	[tilespmem:s15], [sflag:$0x1] =	stream.indirect.gather [hbm4b:s4+s14], $0x40, s0, s14, $0xb8;
	[tilespmem:$0x16F00] =	vst v63  }
0x6b: {  	_ =	swait.ge [sflag:s28], $0x2000  }
0x6c: {  	[sflag:s28] =	ssyncset.done $0x0  }
0x6d: {  	s0 =	sadd.s32 $0x280, s31;
	[sflag:s28] =	ssyncadd.s32 $0xFFFFE000  }
0x6e: {  	[tilespmem:s16], [sflag:$0x2] =	stream.indirect.gather [hbm4b:s4+s14], $0x40, s0, s14, $0xb8;
	[tilespmem:$0x16F00] =	vst v63  }
0x6f: {  	_ =	swait.ge [sflag:s29], $0x2000  }
0x70: {  	[sflag:s29] =	ssyncset.done $0x0  }
.Ltmp0:
0x71: {  	s0 =	sadd.s32 $0x300, s31;
	[sflag:s29] =	ssyncadd.s32 $0xFFFFE000;
	(pc) =	sbr.rel @p1 .LBB2_2-.Ltmp0, $4  }
0x72: {  	[tilespmem:s18], [sflag:$0x3] =	stream.indirect.gather [hbm4b:s4+s14], $0x40, s0, s14, $0xb8;
	[tilespmem:$0x16F00] =	vst v63  }
0x73: {  	_ =	swait.ge [sflag:s30], $0x2000  }
0x74: {  	[sflag:s30] =	ssyncset.done $0x0  }
0x75: {  	s31 =	sadd.s32 $0x380, s31;
	[sflag:s30] =	ssyncadd.s32 $0xFFFFE000  }
0x76: {  	[tilespmem:s20], [sflag:$0x4] =	stream.indirect.gather [hbm4b:s4+s14], $0x40, s31, s14, $0xb8;
	[tilespmem:$0x16F00] =	vst v63  }
0x77: {  	_ =	swait.ge [sflag:s21], $0x2000  }
0x78: {  	[sflag:s21] =	ssyncset.done $0x0  }
0x79: {  	s0 =	simm.s32 $0x4B80;
	[sflag:s21] =	ssyncadd.s32 $0xFFFFE000  }
0x7a: {  	[spmem:s1] =	stream.indirect.scatter.add.f32 [tilespmem:s15], [sflag:$0x5], $0x40, s0, s14, $0xb8;
	[tilespmem:$0x16F00] =	vst v63  }
0x7b: {  	_ =	swait.ge [sflag:s22], $0x2000  }
0x7c: {  	[sflag:s22] =	ssyncset.done $0x0  }
0x7d: {  	s31 =	simm.s32 $0x4C00;
	[sflag:s22] =	ssyncadd.s32 $0xFFFFE000  }
0x7e: {  	[spmem:s1] =	stream.indirect.scatter.add.f32 [tilespmem:s16], [sflag:$0x6], $0x40, s31, s14, $0xb8;
	[tilespmem:$0x16F00] =	vst v63  }
0x7f: {  	_ =	swait.ge [sflag:s23], $0x2000  }
0x80: {  	[sflag:s23] =	ssyncset.done $0x0  }
0x81: {  	s19 =	simm.s32 $0x4C80;
	[sflag:s23] =	ssyncadd.s32 $0xFFFFE000  }
0x82: {  	[spmem:s1] =	stream.indirect.scatter.add.f32 [tilespmem:s18], [sflag:$0x7], $0x40, s19, s14, $0xb8;
	[tilespmem:$0x16F00] =	vst v63  }
0x83: {  	_ =	swait.ge [sflag:s25], $0x2000  }
0x84: {  	[sflag:s25] =	ssyncset.done $0x0  }
0x85: {  	s31 =	simm.s32 $0x4D00;
	[sflag:s25] =	ssyncadd.s32 $0xFFFFE000  }
0x86: {  	[spmem:s1] =	stream.indirect.scatter.add.f32 [tilespmem:s20], [sflag:$0x8], $0x40, s31, s14, $0xb8;
	[tilespmem:$0x16F00] =	vst v63  }
0x87: {  	_ =	swait.ge [sflag:s26], $0x2000  }
0x88: {  	[sflag:s26] =	ssyncset.done $0x0  }
0x89: {  	s19 =	simm.s32 $0x2600;
	[sflag:s26] =	ssyncadd.s32 $0xFFFFE000  }
0x8a: {  	[tilespmem:s15], [sflag:$0x1] =	stream.indirect.gather [hbm4b:s4+s14], $0x40, s19, s14, $0xb8;
	[tilespmem:$0x16F00] =	vst v63  }
0x8b: {  	_ =	swait.ge [sflag:s28], $0x2000  }
0x8c: {  	[sflag:s28] =	ssyncset.done $0x0  }
0x8d: {  	s31 =	simm.s32 $0x2680;
	[sflag:s28] =	ssyncadd.s32 $0xFFFFE000  }
0x8e: {  	[tilespmem:s16], [sflag:$0x2] =	stream.indirect.gather [hbm4b:s4+s14], $0x40, s31, s14, $0xb8;
	[tilespmem:$0x16F00] =	vst v63  }
0x8f: {  	_ =	swait.ge [sflag:s29], $0x2000  }
0x90: {  	s0 =	simm.s32 @!p0 $0x80;
	[sflag:s29] =	ssyncset.done $0x0  }
0x91: {  	s19 =	simm.s32 @!p0 $0x2700;
	s31 =	simm.s32 @!p0 $0x8F00;
	[sflag:s29] =	ssyncadd.s32 $0xFFFFE000  }
0x92: {  	[tilespmem:s31], [sflag:$0x3] =	stream.indirect.gather @!p0 [hbm4b:s4+s0], $0x40, s19, s0, $0xb8;
	[tilespmem:$0x16F00] =	vst v63  }
0x93: {  	_ =	swait.ge [sflag:s30], $0x2000  }
0x94: {  	[sflag:s30] =	ssyncset.done $0x0  }
0x95: {  	[sflag:s30] =	ssyncadd.s32 $0xFFFFE000  }
0x96: {  	_ =	swait.ge [sflag:s21], $0x2000  }
0x97: {  	[sflag:s21] =	ssyncset.done $0x0  }
0x98: {  	s19 =	simm.s32 $0x4D80;
	[sflag:s21] =	ssyncadd.s32 $0xFFFFE000  }
0x99: {  	[spmem:s1] =	stream.indirect.scatter.add.f32 [tilespmem:s15], [sflag:$0x9], $0x40, s19, s14, $0xb8;
	[tilespmem:$0x16F00] =	vst v63  }
0x9a: {  	_ =	swait.ge [sflag:s13], $0x2000  }
0x9b: {  	[sflag:s13] =	ssyncset.done $0x0  }
0x9c: {  	[sflag:s13] =	ssyncadd.s32 $0xFFFFE000  }
0x9d: {  	_ =	swait.ge [sflag:s22], $0x2000  }
0x9e: {  	[sflag:s22] =	ssyncset.done $0x0  }
0x9f: {  	[sflag:s22] =	ssyncadd.s32 $0xFFFFE000  }
0xa0: {  	[spmem:s1] =	stream.indirect.scatter.add.f32 [tilespmem:s16], [sflag:$0x9], $0x40, s2, s14, $0xb8;
	[tilespmem:$0x16F00] =	vst v63  }
0xa1: {  	_ =	swait.ge [sflag:s13], $0x2000  }
0xa2: {  	[sflag:s13] =	ssyncset.done $0x0  }
0xa3: {  	s19 =	simm.s32 @!p0 $0x3;
	[sflag:s13] =	ssyncadd.s32 $0xFFFFE000  }
0xa4: {  	_ =	swait.ge @!p0 [sflag:s19], $0x2000  }
0xa5: {  	[sflag:s19] =	ssyncset.done @!p0 $0x0  }
0xa6: {  	[sflag:s19] =	ssyncadd.s32 @!p0 $0xFFFFE000;
	s19 =	simm.s32 @!p0 $0x4E80  }
0xa7: {  	[spmem:s1] =	stream.indirect.scatter.add.f32 @!p0 [tilespmem:s31], [sflag:$0x9], $0x40, s19, s0, $0xb8;
	[tilespmem:$0x16F00] =	vst v63  }
0xa8: {  	s0 =	simm.s32 @!p0 $0x9  }
0xa9: {  	_ =	swait.ge @!p0 [sflag:s0], $0x2000  }
0xaa: {  	s17 =	sadd.s32 $0x1, s17;
	[sflag:s0] =	ssyncset.done @!p0 $0x0  }
0xab: {  	p1 =	sne.s32 s17, s11;
	[sflag:s0] =	ssyncadd.s32 @!p0 $0xFFFFE000  }
.Ltmp1:
0xac: {  	[bflag:$0x0] =	sbarrier.arrive $0xFFFF;
	(pc) =	sbr.rel @p1 .LBB2_1-.Ltmp1, $4  }
0xad: {  	[hbm:s24], [sflag:s6] =	dma.local [spmem:s12], $0x1400  }
0xae: {  	_ =	swait.ge [sflag:s13], $0x1400  }
0xaf: {  	[sflag:s13] =	ssyncset.done $0x0  }
0xb0: {  	[sflag:s13] =	ssyncadd.s32 $0xFFFFEC00  }
0xb1: {  	_ =	sfence.sel $0x180000  }
0xb2: {  	[bflag:$0x0] =	sbarrier.arrive $0xFFFF  }
0xb3: {  	_ =	strace $0x9000004A  }
0xb4: {  	s0 =	stileid.u32;
	[bflag:$0x2] =	sbarrier.arrive $0xFFFF  }
0xb5: {  	p0 =	sne.s32 s0, $0x0;
	s0 =	rddreg [dreg:$0x2]  }
0xb6: {  	s0 =	sadd.s32 @!p0 $0x100000, s0  }
0xb7: {  	[sflag:s0] =	ssyncadd.tile.s32 @!p0 $0x1;
	_ =	shalt  }
.Lfunc_end2:
_tile_overlayer_lowered:
.L_overlay_start_2:
0xb8: {  	(tag) =	ssettag $0x2  }
0xb9: {  	s0 =	rddreg [dreg:$0x0];
	s2 =	stileid.u32  }
0xba: {  	s1 =	rddreg [dreg:$0x1];
	p0 =	sne.s32 s2, $0x0  }
0xbb: {  	s3 =	rddreg [dreg:$0x2];
	[bflag:$0x3] =	sbarrier.arrive $0xFFFF;
	s2 =	simm.s32 @!p0 $0x1C09  }
0xbc: {  	[timem:s3], [sflag:s2] =	dma.local @!p0 [hbm:s0], s1  }
0xbd: {  	s0 =	simm.s32 @!p0 $0x9  }
0xbe: {  	_ =	swait.ge @!p0 [sflag:s0], s1  }
0xbf: {  	s1 =	ssub.s32 @!p0 $0x0, s1;
	[sflag:s0] =	ssyncset.done @!p0 $0x0  }
0xc0: {  	[sflag:s0] =	ssyncadd.s32 @!p0 s1  }
0xc1: {  	[bflag:$0x3] =	sbarrier.arrive $0xFFFF  }
0xc2: {  	_ =	shalt  }

// kernel: kernel.15.cloned.1.call-start
scs
__scs_entry_jumppad:
0x0: {  	(pc) =	sbr.rel $0x88, $3  }
0x1: {  	(tag) =	ssettag $0x0;
	lr =	simm.s32 $0x1  }
0x2: {  	[smem:$0x3F9B] =	sst lr;
	_ =	strace $0xD0000000  }
0x3: {  	_ = 	snop  }
0x4: {  	_ = 	snop  }
0x5: {  	_ = 	snop  }
0x6: {  	_ = 	snop  }
0x7: {  	_ = 	snop  }
__scs_overlays_trampoline_lowered:
0x8: {  	[smem:$0x3FAA] =	sst s0  }
0x9: {  	[smem:$0x3FAB] =	sst s1  }
0xa: {  	[smem:$0x3FAC] =	sst s2  }
0xb: {  	[smem:$0x3FAD] =	sst s3  }
0xc: {  	[smem:$0x3FAE] =	sst s4  }
0xd: {  	[smem:$0x3FAF] =	sst s5  }
0xe: {  	[smem:$0x3FB0] =	sst s6  }
0xf: {  	[smem:$0x3FB1] =	sst s7  }
0x10: {  	[smem:$0x3FB2] =	sst s8  }
0x11: {  	[smem:$0x3FB3] =	sst s9;
	s0 =	simm.s32 @!p0 $0x0  }
0x12: {  	s1 =	sld [smem:$0x3F99];
	s0 =	simm.s32 @p0 $0x1  }
0x13: {  	[smem:$0x3FB4] =	sst s0;
	s0 =	simm.s32 @!p1 $0x0  }
0x14: {  	s2 =	sld [smem:$0x3F98];
	s0 =	simm.s32 @p1 $0x1  }
0x15: {  	[smem:$0x3FB5] =	sst s0;
	s0 =	simm.s32 @!p2 $0x0  }
0x16: {  	s3 =	sld [smem:$0x3FDB];
	s0 =	simm.s32 @p2 $0x1  }
0x17: {  	s4 =	simm.s32 $0x1BF5;
	[smem:$0x3FB7] =	sst s0  }
0x18: {  	s0 =	sld [smem:$0x3F9A];
	_ =	swait.ge [sflag:s4], $0x0  }
0x19: {  	s7 =	sld [smem:$0x3F9B]  }
0x1a: {  	s8 =	sadd.s32 $0xFFFFE003, lr  }
0x1b: {  	s9 =	sadd.s32 $0xFFFFFEF7, lr;
	s5 =	simm.s32 $0xFFFFFFFF;
	p2 =	slt.u32 s8, $0xFFFFF086  }
0x1c: {  	p1 =	slt.u32 s9, $0xF7A;
	s5 =	simm.s32 @!p2 $0x0  }
0x1d: {  	s5 =	simm.s32 @p1 $0x1;
	p0 =	seq.s32 s7, s2  }
0x1e: {  	s7 =	smul.u32 @!p0 $0xF7A, s2;
	p2 =	seq.s32 @!p0 s5, $0x0  }
0x1f: {  	s9 =	smul.u32 $0xF7A, s1;
	s8 =	simm.s32 @!p0 $0x1BF5;
	p2 =	por !p2, p0  }
0x20: {  	[sflag:s8] =	ssyncset.s32 @!p0 $0xFFFFF086;
	s6 =	sadd.s32 @!p0 s3, s7;
	s7 =	simm.s32 @!p0 $0x108  }
0x21: {  	s3 =	sadd.s32 s3, s9;
	s6 =	sadd.s32 @!p0 $0x88, s6;
	s7 =	simm.s32 @p2 $0x1082  }
0x22: {  	[simem:s7], [sflag:s8] =	dma.local @!p0 [hbm:s6], $0xF7A  }
0x23: {  	s9 =	sor.u32 $0xD0000000, s2;
	s6 =	simm.s32 $0x108;
	_ =	swait.ge @!p0 [sflag:s8], $0x0  }
0x24: {  	s3 =	sadd.s32 $0x88, s3;
	s6 =	simm.s32 @!p1 $0x1082;
	[sflag:s4] =	ssyncset.s32 $0xFFFFF086  }
0x25: {  	[simem:s6], [sflag:s4] =	dma.local [hbm:s3], $0xF7A  }
0x26: {  	[smem:$0x3F9B] =	sst s1;
	(tag) =	ssettag s2;
	_ =	strace s9  }
0x27: {  	s1 =	sld [smem:$0x3FAB]  }
0x28: {  	s2 =	sld [smem:$0x3FAC]  }
0x29: {  	s4 =	sld [smem:$0x3FAE]  }
0x2a: {  	p0 =	seq.s32 s5, $0x0;
	s5 =	sld [smem:$0x3FAF]  }
0x2b: {  	s6 =	sld [smem:$0x3FB0]  }
0x2c: {  	s7 =	sld [smem:$0x3FB1]  }
0x2d: {  	s3 =	simm.s32 $0x108;
	s8 =	sld [smem:$0x3FB2]  }
0x2e: {  	s3 =	simm.s32 @!p0 $0x1082;
	s9 =	sld [smem:$0x3FB3]  }
0x2f: {  	lr =	sadd.s32 s0, s3;
	s0 =	sld [smem:$0x3FAA]  }
0x30: {  	s3 =	sld [smem:$0x3FAD]  }
0x31: {  	[smem:$0x3FB6] =	sst s10  }
0x32: {  	s10 =	sld [smem:$0x3FB4];
	_ =	sdelay $0x3  }
0x33: {  	p0 =	seq.s32 s10, $0x1;
	s10 =	sld [smem:$0x3FB6];
	_ =	sdelay $0x3  }
0x34: {  	[smem:$0x3FB6] =	sst s10  }
0x35: {  	s10 =	sld [smem:$0x3FB5];
	_ =	sdelay $0x3  }
0x36: {  	p1 =	seq.s32 s10, $0x1;
	s10 =	sld [smem:$0x3FB6];
	_ =	sdelay $0x3  }
0x37: {  	[smem:$0x3FB6] =	sst s10  }
0x38: {  	s10 =	sld [smem:$0x3FB7]  }
0x39: {  	_ = 	snop;
	(pc) =	sbr.ind lr, $3  }
0x3a: {  	_ = 	snop  }
0x3b: {  	_ = 	snop  }
0x3c: {  	p2 =	seq.s32 s10, $0x1;
	s10 =	sld [smem:$0x3FB6]  }
0x3d: {  	_ =	shalt  }
0x3e: {  	_ =	shalt  }
0x3f: {  	_ =	shalt  }
0x40: {  	_ =	shalt  }
0x41: {  	_ =	shalt  }
0x42: {  	_ =	shalt  }
0x43: {  	_ =	shalt  }
0x44: {  	_ =	shalt  }
0x45: {  	_ =	shalt  }
0x46: {  	_ =	shalt  }
0x47: {  	_ =	shalt  }
0x48: {  	_ =	shalt  }
0x49: {  	_ =	shalt  }
0x4a: {  	_ =	shalt  }
0x4b: {  	_ =	shalt  }
0x4c: {  	_ =	shalt  }
0x4d: {  	_ =	shalt  }
0x4e: {  	_ =	shalt  }
0x4f: {  	_ =	shalt  }
0x50: {  	_ =	shalt  }
0x51: {  	_ =	shalt  }
0x52: {  	_ =	shalt  }
0x53: {  	_ =	shalt  }
0x54: {  	_ =	shalt  }
0x55: {  	_ =	shalt  }
0x56: {  	_ =	shalt  }
0x57: {  	_ =	shalt  }
0x58: {  	_ =	shalt  }
0x59: {  	_ =	shalt  }
0x5a: {  	_ =	shalt  }
0x5b: {  	_ =	shalt  }
0x5c: {  	_ =	shalt  }
0x5d: {  	_ =	shalt  }
0x5e: {  	_ =	shalt  }
0x5f: {  	_ =	shalt  }
0x60: {  	_ =	shalt  }
0x61: {  	_ =	shalt  }
0x62: {  	_ =	shalt  }
0x63: {  	_ =	shalt  }
0x64: {  	_ =	shalt  }
0x65: {  	_ =	shalt  }
0x66: {  	_ =	shalt  }
0x67: {  	_ =	shalt  }
0x68: {  	_ =	shalt  }
0x69: {  	_ =	shalt  }
0x6a: {  	_ =	shalt  }
0x6b: {  	_ =	shalt  }
0x6c: {  	_ =	shalt  }
0x6d: {  	_ =	shalt  }
0x6e: {  	_ =	shalt  }
0x6f: {  	_ =	shalt  }
0x70: {  	_ =	shalt  }
0x71: {  	_ =	shalt  }
0x72: {  	_ =	shalt  }
0x73: {  	_ =	shalt  }
0x74: {  	_ =	shalt  }
0x75: {  	_ =	shalt  }
0x76: {  	_ =	shalt  }
0x77: {  	_ =	shalt  }
0x78: {  	_ =	shalt  }
0x79: {  	_ =	shalt  }
0x7a: {  	_ =	shalt  }
0x7b: {  	_ =	shalt  }
0x7c: {  	_ =	shalt  }
0x7d: {  	_ =	shalt  }
0x7e: {  	_ =	shalt  }
0x7f: {  	_ =	shalt  }
0x80: {  	_ =	shalt  }
0x81: {  	_ =	shalt  }
0x82: {  	_ =	shalt  }
0x83: {  	_ =	shalt  }
0x84: {  	_ =	shalt  }
0x85: {  	_ =	shalt  }
0x86: {  	_ =	shalt  }
0x87: {  	_ =	shalt  }
.Lfunc_end0:
.L_simem_size_0:
called_computation.2_lowered:
.L_overlay_start_0:
0x88: {  	s2 =	sld [smem:$0x3FD9]  }
0x89: {  	s3 =	sld [smem:$0x3FFE];
	_ =	sdelay $0x1  }
0x8a: {  	s1 =	srdreg.scid  }
0x8b: {  	s0 =	sand.u32 $0x1, s1  }
0x8c: {  	s16 =	sshll.u32 s0, $0xA;
	s2 =	sadd.s32 s3, s2  }
0x8d: {  	s2 =	sadd.s32 s2, s16  }
0x8e: {  	[smem:$0x3FC2] =	sst s2  }
0x8f: {  	_ = 	snop  }
0x90: {  	(tm) =	ssettm $0x1  }
0x91: {  	s17 =	sld [smem:$0x3FFB];
	_ =	sdelay $0x3  }
0x92: {  	_ =	strace s17  }
0x93: {  	s2 =	sld [smem:$0x3FFC];
	_ =	sdelay $0x3  }
0x94: {  	_ =	strace s2  }
0x95: {  	s2 =	sld [smem:$0x3FFD];
	_ =	sdelay $0x3  }
0x96: {  	_ =	strace s2  }
0x97: {  	_ =	strace $0x8FFFFFFF  }
0x98: {  	s18 =	sld [smem:$0x3FDB];
	_ =	sdelay $0x1  }
0x99: {  	s19 =	simm.s32 $_scs_section_size  }
0x9a: {  	s4 =	simm.s32 $_size__tile_overlayer_lowered;
	s5 =	simm.s32 $_tile_overlayer_lowered  }
0x9b: {  	s22 =	simm.s32 $0x1BFF;
	s21 =	sshll.u32 s5, $0x1;
	s2 =	sadd.s32 s19, s18  }
0x9c: {  	s6 =	simm.s32 $0x0;
	s20 =	sshll.u32 s4, $0x1;
	s4 =	sadd.s32 s21, s2  }
0x9d: {  	[timem:s6], [sflag:s22] =	dma.local [hbm:s4], s20  }
0x9e: {  	_ =	swait.ge [sflag:s22], s20  }
0x9f: {  	s3 =	ssub.s32 $0x0, s20;
	[sflag:s22] =	ssyncset.done $0x0  }
0xa0: {  	[sflag:s22] =	ssyncadd.s32 s3;
	_ =	sdelay $0x1  }
0xa1: {  	s23 =	simm.s32 $0x1B8B  }
0xa2: {  	_ =	swait.ge [sflag:s23], $0x1  }
0xa3: {  	[sflag:s23] =	ssyncset.done $0x0  }
0xa4: {  	s25 =	simm.s32 $0x1B8E;
	s24 =	sld [smem:$0x3FFE];
	[sflag:s23] =	ssyncadd.s32 $0xFFFFFFFF  }
0xa5: {  	s26 =	simm.s32 $execute0_lowered;
	[smem:$0x3FD2] =	sst s25  }
0xa6: {  	s4 =	sshll.u32 s26, $0x1;
	_ =	strace $0x8000004C;
	[dreg:$0x1] =	wrdreg $0xFFFFFFFF  }
0xa7: {  	s28 =	simm.s32 $_size_execute0_lowered;
	s2 =	sadd.s32 s2, s4;
	[dreg:$0x0] =	wrdreg $0x0  }
0xa8: {  	s4 =	sshll.u32 s28, $0x1;
	[dreg:$0x2] =	wrdreg s2  }
0xa9: {  	[dreg:$0x3] =	wrdreg s4  }
0xaa: {  	[dreg:$0x4] =	wrdreg $0xC0  }
0xab: {  	_ =	task [dreg:s6], $0x5FFFF  }
0xac: {  	[dreg:$0x1] =	wrdreg $0xFFFFFFFF  }
0xad: {  	[dreg:$0x0] =	wrdreg $0x60  }
0xae: {  	[dreg:$0x2] =	wrdreg s24  }
0xaf: {  	[dreg:$0x3] =	wrdreg $0x6F000  }
0xb0: {  	[dreg:$0x4] =	wrdreg $0x9  }
0xb1: {  	_ =	task.clear_ibuf [dreg:s6], $0x5FFFF;
	_ =	strace $0x9000004C  }
0xb2: {  	s29 =	simm.s32 $0x9;
	_ =	strace $0x8000004E  }
0xb3: {  	_ =	swait.ge [sflag:s29], $0x1  }
0xb4: {  	[sflag:s29] =	ssyncadd.s32 $0xFFFFFFFF  }
0xb5: {  	_ =	strace $0x9000004E  }
0xb6: {  	_ =	sfence  }
0xb7: {  	s30 =	sld [smem:$0x0];
	_ =	sdelay $0x2  }
0xb8: {  	s31 =	sshll.u32 s1, $0xD;
	s1 =	sshrl.u32 s1, $0x2  }
0xb9: {  	s3 =	sand.u32 $0x4000, s31;
	s1 =	sadd.s32 s1, s30  }
0xba: {  	s0 =	sor.u32 s3, s0;
	s1 =	sshll.u32 s1, $0x11  }
0xbb: {  	s0 =	sor.u32 s1, s0  }
0xbc: {  	s0 =	sadd.s32 $0x8F2B, s0  }
0xbd: {  	[sflag:s0] =	ssyncadd.remote.s32 $0x1  }
0xbe: {  	_ =	sfence.sel $0xFFFF  }
0xbf: {  	[dreg:$0x0] =	wrdreg $0xFFFFFFFF;
	(pc) =	sbr.abs _section_cstart, $3  }
0xc0: {  	[dreg:$0x1] =	wrdreg $0xFFFFFFFF  }
0xc1: {  	_ =	task.clear_ibuf [dreg:s6], $0x2FFFF;
	_ =	strace $0x9FFFFFFF  }
0xc2: {  	(tm) =	ssettm $0x7FFFFFFF  }
0xc3: {  	_ =	shalt  }
tec
execute0_lowered:
.L_overlay_start_1:
0x0: {  	(tag) =	ssettag $0x1  }
0x1: {  	s0 =	rddreg [dreg:$0x0]  }
0x2: {  	s1 =	rddreg [dreg:$0x1];
	s3 =	simm.s32 $0x0;
	s14 =	stileid.u32  }
0x3: {  	s2 =	srdreg.scid;
	s15 =	simm.s32 $0x4F00;
	s16 =	simm.s32 $0x5700  }
0x4: {  	s18 =	simm.s32 $0x5F00;
	s20 =	simm.s32 $0x6700;
	s21 =	simm.s32 $0x1  }
0x5: {  	s22 =	simm.s32 $0x2;
	s28 =	simm.s32 $0x6;
	s29 =	simm.s32 $0x7  }
0x6: {  	s30 =	simm.s32 $0x8;
	[smem:$0x7FF] =	sst s3;
	s4 =	sadd.s32 $0x6AC00, s0  }
0x7: {  	s5 =	smul.u32 $0x2800, s14;
	s2 =	sand.u32 $0x1, s2;
	s9 =	sadd.s32 $0x2000, s0  }
0x8: {  	s10 =	sadd.s32 $0xBE00, s0;
	s26 =	sshll.u32 s14, $0x6;
	_ =	strace $0x8000004D  }
0x9: {  	s6 =	sshll.u32 s2, $0x4;
	s7 =	smul.u32 $0x5000, s2;
	s2 =	ssub.s32 $0x2, s2  }
0xa: {  	s17 =	sshrl.u32 s5, $0x3;
	s12 =	sor.u32 s14, s6;
	s24 =	sshrl.u32 s2, $0x1  }
0xb: {  	s13 =	sadd.s32 s5, s1;
	s6 =	sor.u32 $0x1C09, s26;
	s14 =	simm.s32 $0x80  }
0xc: {  	s26 =	simm.s32 $0x5;
	s23 =	sadd.s32 s17, s0;
	s8 =	smul.u32 $0x4E, s12  }
0xd: {  	s0 =	sadd.s32 s7, s0;
	s11 =	smin.u32 s12, $0x4;
	s2 =	ssub.s32 s2, s24  }
0xe: {  	p0 =	sgt.u32 s12, $0x3;
	s12 =	sshrl.u32 s13, $0x3;
	s13 =	simm.s32 $0x9  }
0xf: {  	s5 =	sadd.s32 $0x15C00, s23;
	s0 =	sadd.s32 $0x6FC00, s0;
	s23 =	simm.s32 $0x3  }
0x10: {  	s25 =	sadd.s32 s11, s8;
	s11 =	smax.u32 s2, $0x1;
	s24 =	sadd.s32 s17, s0  }
0x11: {  	s2 =	simm.s32 $0x4E00;
	s17 =	simm.s32 $0x0;
	s8 =	sshll.u32 s25, $0x4  }
0x12: {  	s25 =	simm.s32 $0x4;
	s7 =	sadd.s32 s9, s8;
	s31 =	sadd.s32 $0x4E0, s8  }
0x13: {  	s8 =	sadd.s32 s10, s8;
	s9 =	sadd.s32 s9, s31;
	s10 =	sadd.s32 s10, s31  }
.LBB2_1:
0x14: {  	[spmem:s12], [sflag:s6] =	dma.local [hbm:s5], $0x500  }
0x15: {  	_ =	swait.ge [sflag:s13], $0x500  }
0x16: {  	[sflag:s13] =	ssyncset.done $0x0  }
0x17: {  	[sflag:s13] =	ssyncadd.s32 $0xFFFFFB00  }
0x18: {  	[tilespmem:s3], [sflag:$0x9] =	stream.linear.gather [hbm4b:s7+s3], $0x2700, $0x38;
	[tilespmem:$0x9700] =	vst v63  }
0x19: {  	_ =	swait.ge [sflag:s13], $0x2700  }
0x1a: {  	[sflag:s13] =	ssyncset.done $0x0  }
0x1b: {  	s19 =	simm.s32 @p0 $0x0;
	s31 =	simm.s32 @p0 $0x2780;
	[sflag:s13] =	ssyncadd.s32 $0xFFFFD900  }
0x1c: {  	[tilespmem:s31], [sflag:$0x9] =	stream.linear.gather @p0 [hbm4b:s8+s19], $0x2700, $0x38;
	[tilespmem:$0x9700] =	vst v63  }
0x1d: {  	s19 =	simm.s32 @p0 $0x9  }
0x1e: {  	_ =	swait.ge @p0 [sflag:s19], $0x2700  }
0x1f: {  	[sflag:s19] =	ssyncset.done @p0 $0x0  }
0x20: {  	s31 =	simm.s32 @!p0 $0x2700;
	[sflag:s19] =	ssyncadd.s32 @p0 $0xFFFFD900;
	s19 =	simm.s32 @!p0 $0x0  }
0x21: {  	[tilespmem:s31], [sflag:$0x9] =	stream.linear.gather @!p0 [hbm4b:s9+s19], $0x80, $0x38;
	[tilespmem:$0x9700] =	vst v63  }
0x22: {  	s31 =	simm.s32 @!p0 $0x9  }
0x23: {  	_ =	swait.ge @!p0 [sflag:s31], $0x80  }
0x24: {  	[sflag:s31] =	ssyncset.done @!p0 $0x0  }
0x25: {  	s0 =	simm.s32 @!p0 $0x2780;
	[sflag:s31] =	ssyncadd.s32 @!p0 $0xFFFFFF80  }
0x26: {  	[tilespmem:s0], [sflag:$0x9] =	stream.linear.gather @!p0 [hbm4b:s8+s19], $0x2700, $0x38;
	[tilespmem:$0x9700] =	vst v63  }
0x27: {  	_ =	swait.ge @!p0 [sflag:s31], $0x2700  }
0x28: {  	[sflag:s31] =	ssyncset.done @!p0 $0x0  }
0x29: {  	s0 =	simm.s32 @!p0 $0x4E80;
	[sflag:s31] =	ssyncadd.s32 @!p0 $0xFFFFD900  }
0x2a: {  	[tilespmem:s0], [sflag:$0x9] =	stream.linear.gather @!p0 [hbm4b:s10+s19], $0x80, $0x38;
	[tilespmem:$0x9700] =	vst v63  }
0x2b: {  	_ =	swait.ge @!p0 [sflag:s31], $0x80  }
0x2c: {  	[sflag:s31] =	ssyncset.done @!p0 $0x0  }
0x2d: {  	[sflag:s31] =	ssyncadd.s32 @!p0 $0xFFFFFF80  }
0x2e: {  	[bflag:$0x0] =	sbarrier.arrive $0xFFFF  }
0x2f: {  	[tilespmem:s15], [sflag:$0x1] =	stream.indirect.gather [hbm4b:s4+s14], $0x10, s3, s14, $0xb8;
	[tilespmem:$0x9700] =	vst v63  }
0x30: {  	_ = 	snop  }
0x31: {  	[tilespmem:s16], [sflag:$0x2] =	stream.indirect.gather [hbm4b:s4+s14], $0x10, s14, s14, $0xb8;
	[tilespmem:$0x9700] =	vst v63  }
0x32: {  	s19 =	simm.s32 $0x100  }
0x33: {  	[tilespmem:s18], [sflag:$0x3] =	stream.indirect.gather [hbm4b:s4+s14], $0x10, s19, s14, $0xb8;
	[tilespmem:$0x9700] =	vst v63  }
0x34: {  	s19 =	simm.s32 $0x180  }
0x35: {  	[tilespmem:s20], [sflag:$0x4] =	stream.indirect.gather [hbm4b:s4+s14], $0x10, s19, s14, $0xb8;
	[tilespmem:$0x9700] =	vst v63  }
0x36: {  	_ =	swait.ge [sflag:s21], $0x800  }
0x37: {  	[sflag:s21] =	ssyncset.done $0x0  }
0x38: {  	s19 =	simm.s32 $0x2780;
	[sflag:s21] =	ssyncadd.s32 $0xFFFFF800  }
0x39: {  	[spmem:s1] =	stream.indirect.scatter.add.f32 [tilespmem:s15], [sflag:$0x5], $0x10, s19, s14, $0xb8;
	[tilespmem:$0x9700] =	vst v63  }
0x3a: {  	_ =	swait.ge [sflag:s22], $0x800  }
0x3b: {  	[sflag:s22] =	ssyncset.done $0x0  }
0x3c: {  	s19 =	simm.s32 $0x2800;
	[sflag:s22] =	ssyncadd.s32 $0xFFFFF800  }
0x3d: {  	[spmem:s1] =	stream.indirect.scatter.add.f32 [tilespmem:s16], [sflag:$0x6], $0x10, s19, s14, $0xb8;
	[tilespmem:$0x9700] =	vst v63  }
0x3e: {  	_ =	swait.ge [sflag:s23], $0x800  }
0x3f: {  	[sflag:s23] =	ssyncset.done $0x0  }
0x40: {  	s19 =	simm.s32 $0x2880;
	[sflag:s23] =	ssyncadd.s32 $0xFFFFF800  }
0x41: {  	[spmem:s1] =	stream.indirect.scatter.add.f32 [tilespmem:s18], [sflag:$0x7], $0x10, s19, s14, $0xb8;
	[tilespmem:$0x9700] =	vst v63  }
0x42: {  	_ =	swait.ge [sflag:s25], $0x800  }
0x43: {  	[sflag:s25] =	ssyncset.done $0x0  }
0x44: {  	s19 =	simm.s32 $0x2900;
	[sflag:s25] =	ssyncadd.s32 $0xFFFFF800  }
0x45: {  	[spmem:s1] =	stream.indirect.scatter.add.f32 [tilespmem:s20], [sflag:$0x8], $0x10, s19, s14, $0xb8;
	[tilespmem:$0x9700] =	vst v63  }
0x46: {  	_ =	swait.ge [sflag:s26], $0x800  }
0x47: {  	[sflag:s26] =	ssyncset.done $0x0  }
0x48: {  	s19 =	simm.s32 $0x200;
	[sflag:s26] =	ssyncadd.s32 $0xFFFFF800  }
0x49: {  	[tilespmem:s15], [sflag:$0x1] =	stream.indirect.gather [hbm4b:s4+s14], $0x10, s19, s14, $0xb8;
	[tilespmem:$0x9700] =	vst v63  }
0x4a: {  	_ =	swait.ge [sflag:s28], $0x800  }
0x4b: {  	[sflag:s28] =	ssyncset.done $0x0  }
0x4c: {  	s19 =	simm.s32 $0x280;
	[sflag:s28] =	ssyncadd.s32 $0xFFFFF800  }
0x4d: {  	[tilespmem:s16], [sflag:$0x2] =	stream.indirect.gather [hbm4b:s4+s14], $0x10, s19, s14, $0xb8;
	[tilespmem:$0x9700] =	vst v63  }
0x4e: {  	_ =	swait.ge [sflag:s29], $0x800  }
0x4f: {  	[sflag:s29] =	ssyncset.done $0x0  }
0x50: {  	s19 =	simm.s32 $0x300;
	[sflag:s29] =	ssyncadd.s32 $0xFFFFF800  }
0x51: {  	[tilespmem:s18], [sflag:$0x3] =	stream.indirect.gather [hbm4b:s4+s14], $0x10, s19, s14, $0xb8;
	[tilespmem:$0x9700] =	vst v63  }
0x52: {  	_ =	swait.ge [sflag:s30], $0x800  }
0x53: {  	[sflag:s30] =	ssyncset.done $0x0  }
0x54: {  	s31 =	simm.s32 $0x380;
	s19 =	simm.s32 $0x800;
	[sflag:s30] =	ssyncadd.s32 $0xFFFFF800  }
.LBB2_2:
0x55: {  	[tilespmem:s20], [sflag:$0x4] =	stream.indirect.gather [hbm4b:s4+s14], $0x10, s31, s14, $0xb8;
	[tilespmem:$0x9700] =	vst v63  }
0x56: {  	s0 =	smov.u32 s19  }
0x57: {  	p1 =	sne.s32 s19, $0x8800;
	s19 =	sadd.s32 $0x800, s19;
	_ =	swait.ge [sflag:s21], $0x800  }
0x58: {  	s31 =	sshra.s32 s0, $0x2;
	[sflag:s21] =	ssyncset.done $0x0  }
0x59: {  	s0 =	sadd.s32 $0x2780, s31;
	[sflag:s21] =	ssyncadd.s32 $0xFFFFF800  }
0x5a: {  	[spmem:s1] =	stream.indirect.scatter.add.f32 [tilespmem:s15], [sflag:$0x5], $0x10, s0, s14, $0xb8;
	[tilespmem:$0x9700] =	vst v63  }
0x5b: {  	_ =	swait.ge [sflag:s22], $0x800  }
0x5c: {  	[sflag:s22] =	ssyncset.done $0x0  }
0x5d: {  	s0 =	sadd.s32 $0x2800, s31;
	[sflag:s22] =	ssyncadd.s32 $0xFFFFF800  }
0x5e: {  	[spmem:s1] =	stream.indirect.scatter.add.f32 [tilespmem:s16], [sflag:$0x6], $0x10, s0, s14, $0xb8;
	[tilespmem:$0x9700] =	vst v63  }
0x5f: {  	_ =	swait.ge [sflag:s23], $0x800  }
0x60: {  	[sflag:s23] =	ssyncset.done $0x0  }
0x61: {  	s0 =	sadd.s32 $0x2880, s31;
	[sflag:s23] =	ssyncadd.s32 $0xFFFFF800  }
0x62: {  	[spmem:s1] =	stream.indirect.scatter.add.f32 [tilespmem:s18], [sflag:$0x7], $0x10, s0, s14, $0xb8;
	[tilespmem:$0x9700] =	vst v63  }
0x63: {  	_ =	swait.ge [sflag:s25], $0x800  }
0x64: {  	[sflag:s25] =	ssyncset.done $0x0  }
0x65: {  	s0 =	sadd.s32 $0x2900, s31;
	[sflag:s25] =	ssyncadd.s32 $0xFFFFF800  }
0x66: {  	[spmem:s1] =	stream.indirect.scatter.add.f32 [tilespmem:s20], [sflag:$0x8], $0x10, s0, s14, $0xb8;
	[tilespmem:$0x9700] =	vst v63  }
0x67: {  	_ =	swait.ge [sflag:s26], $0x800  }
0x68: {  	[sflag:s26] =	ssyncset.done $0x0  }
0x69: {  	s0 =	sadd.s32 $0x200, s31;
	[sflag:s26] =	ssyncadd.s32 $0xFFFFF800  }
0x6a: {  	[tilespmem:s15], [sflag:$0x1] =	stream.indirect.gather [hbm4b:s4+s14], $0x10, s0, s14, $0xb8;
	[tilespmem:$0x9700] =	vst v63  }
0x6b: {  	_ =	swait.ge [sflag:s28], $0x800  }
0x6c: {  	[sflag:s28] =	ssyncset.done $0x0  }
0x6d: {  	s0 =	sadd.s32 $0x280, s31;
	[sflag:s28] =	ssyncadd.s32 $0xFFFFF800  }
0x6e: {  	[tilespmem:s16], [sflag:$0x2] =	stream.indirect.gather [hbm4b:s4+s14], $0x10, s0, s14, $0xb8;
	[tilespmem:$0x9700] =	vst v63  }
0x6f: {  	_ =	swait.ge [sflag:s29], $0x800  }
0x70: {  	[sflag:s29] =	ssyncset.done $0x0  }
.Ltmp0:
0x71: {  	s0 =	sadd.s32 $0x300, s31;
	[sflag:s29] =	ssyncadd.s32 $0xFFFFF800;
	(pc) =	sbr.rel @p1 .LBB2_2-.Ltmp0, $4  }
0x72: {  	[tilespmem:s18], [sflag:$0x3] =	stream.indirect.gather [hbm4b:s4+s14], $0x10, s0, s14, $0xb8;
	[tilespmem:$0x9700] =	vst v63  }
0x73: {  	_ =	swait.ge [sflag:s30], $0x800  }
0x74: {  	[sflag:s30] =	ssyncset.done $0x0  }
0x75: {  	s31 =	sadd.s32 $0x380, s31;
	[sflag:s30] =	ssyncadd.s32 $0xFFFFF800  }
0x76: {  	[tilespmem:s20], [sflag:$0x4] =	stream.indirect.gather [hbm4b:s4+s14], $0x10, s31, s14, $0xb8;
	[tilespmem:$0x9700] =	vst v63  }
0x77: {  	_ =	swait.ge [sflag:s21], $0x800  }
0x78: {  	[sflag:s21] =	ssyncset.done $0x0  }
0x79: {  	s0 =	simm.s32 $0x4B80;
	[sflag:s21] =	ssyncadd.s32 $0xFFFFF800  }
0x7a: {  	[spmem:s1] =	stream.indirect.scatter.add.f32 [tilespmem:s15], [sflag:$0x5], $0x10, s0, s14, $0xb8;
	[tilespmem:$0x9700] =	vst v63  }
0x7b: {  	_ =	swait.ge [sflag:s22], $0x800  }
0x7c: {  	[sflag:s22] =	ssyncset.done $0x0  }
0x7d: {  	s31 =	simm.s32 $0x4C00;
	[sflag:s22] =	ssyncadd.s32 $0xFFFFF800  }
0x7e: {  	[spmem:s1] =	stream.indirect.scatter.add.f32 [tilespmem:s16], [sflag:$0x6], $0x10, s31, s14, $0xb8;
	[tilespmem:$0x9700] =	vst v63  }
0x7f: {  	_ =	swait.ge [sflag:s23], $0x800  }
0x80: {  	[sflag:s23] =	ssyncset.done $0x0  }
0x81: {  	s19 =	simm.s32 $0x4C80;
	[sflag:s23] =	ssyncadd.s32 $0xFFFFF800  }
0x82: {  	[spmem:s1] =	stream.indirect.scatter.add.f32 [tilespmem:s18], [sflag:$0x7], $0x10, s19, s14, $0xb8;
	[tilespmem:$0x9700] =	vst v63  }
0x83: {  	_ =	swait.ge [sflag:s25], $0x800  }
0x84: {  	[sflag:s25] =	ssyncset.done $0x0  }
0x85: {  	s31 =	simm.s32 $0x4D00;
	[sflag:s25] =	ssyncadd.s32 $0xFFFFF800  }
0x86: {  	[spmem:s1] =	stream.indirect.scatter.add.f32 [tilespmem:s20], [sflag:$0x8], $0x10, s31, s14, $0xb8;
	[tilespmem:$0x9700] =	vst v63  }
0x87: {  	_ =	swait.ge [sflag:s26], $0x800  }
0x88: {  	[sflag:s26] =	ssyncset.done $0x0  }
0x89: {  	s19 =	simm.s32 $0x2600;
	[sflag:s26] =	ssyncadd.s32 $0xFFFFF800  }
0x8a: {  	[tilespmem:s15], [sflag:$0x1] =	stream.indirect.gather [hbm4b:s4+s14], $0x10, s19, s14, $0xb8;
	[tilespmem:$0x9700] =	vst v63  }
0x8b: {  	_ =	swait.ge [sflag:s28], $0x800  }
0x8c: {  	[sflag:s28] =	ssyncset.done $0x0  }
0x8d: {  	s31 =	simm.s32 $0x2680;
	[sflag:s28] =	ssyncadd.s32 $0xFFFFF800  }
0x8e: {  	[tilespmem:s16], [sflag:$0x2] =	stream.indirect.gather [hbm4b:s4+s14], $0x10, s31, s14, $0xb8;
	[tilespmem:$0x9700] =	vst v63  }
0x8f: {  	_ =	swait.ge [sflag:s29], $0x800  }
0x90: {  	s0 =	simm.s32 @!p0 $0x80;
	[sflag:s29] =	ssyncset.done $0x0  }
0x91: {  	s19 =	simm.s32 @!p0 $0x2700;
	s31 =	simm.s32 @!p0 $0x5F00;
	[sflag:s29] =	ssyncadd.s32 $0xFFFFF800  }
0x92: {  	[tilespmem:s31], [sflag:$0x3] =	stream.indirect.gather @!p0 [hbm4b:s4+s0], $0x10, s19, s0, $0xb8;
	[tilespmem:$0x9700] =	vst v63  }
0x93: {  	_ =	swait.ge [sflag:s30], $0x800  }
0x94: {  	[sflag:s30] =	ssyncset.done $0x0  }
0x95: {  	[sflag:s30] =	ssyncadd.s32 $0xFFFFF800  }
0x96: {  	_ =	swait.ge [sflag:s21], $0x800  }
0x97: {  	[sflag:s21] =	ssyncset.done $0x0  }
0x98: {  	s19 =	simm.s32 $0x4D80;
	[sflag:s21] =	ssyncadd.s32 $0xFFFFF800  }
0x99: {  	[spmem:s1] =	stream.indirect.scatter.add.f32 [tilespmem:s15], [sflag:$0x9], $0x10, s19, s14, $0xb8;
	[tilespmem:$0x9700] =	vst v63  }
0x9a: {  	_ =	swait.ge [sflag:s13], $0x800  }
0x9b: {  	[sflag:s13] =	ssyncset.done $0x0  }
0x9c: {  	[sflag:s13] =	ssyncadd.s32 $0xFFFFF800  }
0x9d: {  	_ =	swait.ge [sflag:s22], $0x800  }
0x9e: {  	[sflag:s22] =	ssyncset.done $0x0  }
0x9f: {  	[sflag:s22] =	ssyncadd.s32 $0xFFFFF800  }
0xa0: {  	[spmem:s1] =	stream.indirect.scatter.add.f32 [tilespmem:s16], [sflag:$0x9], $0x10, s2, s14, $0xb8;
	[tilespmem:$0x9700] =	vst v63  }
0xa1: {  	_ =	swait.ge [sflag:s13], $0x800  }
0xa2: {  	[sflag:s13] =	ssyncset.done $0x0  }
0xa3: {  	s19 =	simm.s32 @!p0 $0x3;
	[sflag:s13] =	ssyncadd.s32 $0xFFFFF800  }
0xa4: {  	_ =	swait.ge @!p0 [sflag:s19], $0x800  }
0xa5: {  	[sflag:s19] =	ssyncset.done @!p0 $0x0  }
0xa6: {  	[sflag:s19] =	ssyncadd.s32 @!p0 $0xFFFFF800;
	s19 =	simm.s32 @!p0 $0x4E80  }
0xa7: {  	[spmem:s1] =	stream.indirect.scatter.add.f32 @!p0 [tilespmem:s31], [sflag:$0x9], $0x10, s19, s0, $0xb8;
	[tilespmem:$0x9700] =	vst v63  }
0xa8: {  	s0 =	simm.s32 @!p0 $0x9  }
0xa9: {  	_ =	swait.ge @!p0 [sflag:s0], $0x800  }
0xaa: {  	s17 =	sadd.s32 $0x1, s17;
	[sflag:s0] =	ssyncset.done @!p0 $0x0  }
0xab: {  	p1 =	sne.s32 s17, s11;
	[sflag:s0] =	ssyncadd.s32 @!p0 $0xFFFFF800  }
.Ltmp1:
0xac: {  	[bflag:$0x0] =	sbarrier.arrive $0xFFFF;
	(pc) =	sbr.rel @p1 .LBB2_1-.Ltmp1, $4  }
0xad: {  	[hbm:s24], [sflag:s6] =	dma.local [spmem:s12], $0x500  }
0xae: {  	_ =	swait.ge [sflag:s13], $0x500  }
0xaf: {  	[sflag:s13] =	ssyncset.done $0x0  }
0xb0: {  	[sflag:s13] =	ssyncadd.s32 $0xFFFFFB00  }
0xb1: {  	_ =	sfence.sel $0x180000  }
0xb2: {  	[bflag:$0x0] =	sbarrier.arrive $0xFFFF  }
0xb3: {  	_ =	strace $0x9000004D  }
0xb4: {  	s0 =	stileid.u32;
	[bflag:$0x2] =	sbarrier.arrive $0xFFFF  }
0xb5: {  	p0 =	sne.s32 s0, $0x0;
	s0 =	rddreg [dreg:$0x2]  }
0xb6: {  	s0 =	sadd.s32 @!p0 $0x100000, s0  }
0xb7: {  	[sflag:s0] =	ssyncadd.tile.s32 @!p0 $0x1;
	_ =	shalt  }
.Lfunc_end2:
_tile_overlayer_lowered:
.L_overlay_start_2:
0xb8: {  	(tag) =	ssettag $0x2  }
0xb9: {  	s0 =	rddreg [dreg:$0x0];
	s2 =	stileid.u32  }
0xba: {  	s1 =	rddreg [dreg:$0x1];
	p0 =	sne.s32 s2, $0x0  }
0xbb: {  	s3 =	rddreg [dreg:$0x2];
	[bflag:$0x3] =	sbarrier.arrive $0xFFFF;
	s2 =	simm.s32 @!p0 $0x1C09  }
0xbc: {  	[timem:s3], [sflag:s2] =	dma.local @!p0 [hbm:s0], s1  }
0xbd: {  	s0 =	simm.s32 @!p0 $0x9  }
0xbe: {  	_ =	swait.ge @!p0 [sflag:s0], s1  }
0xbf: {  	s1 =	ssub.s32 @!p0 $0x0, s1;
	[sflag:s0] =	ssyncset.done @!p0 $0x0  }
0xc0: {  	[sflag:s0] =	ssyncadd.s32 @!p0 s1  }
0xc1: {  	[bflag:$0x3] =	sbarrier.arrive $0xFFFF  }
0xc2: {  	_ =	shalt  }

// kernel: kernel.9.cloned.1.call-start
scs
__scs_entry_jumppad:
0x0: {  	(pc) =	sbr.rel $0x88, $3  }
0x1: {  	(tag) =	ssettag $0x0;
	lr =	simm.s32 $0x1  }
0x2: {  	[smem:$0x3F9B] =	sst lr;
	_ =	strace $0xD0000000  }
0x3: {  	_ = 	snop  }
0x4: {  	_ = 	snop  }
0x5: {  	_ = 	snop  }
0x6: {  	_ = 	snop  }
0x7: {  	_ = 	snop  }
__scs_overlays_trampoline_lowered:
0x8: {  	[smem:$0x3FAA] =	sst s0  }
0x9: {  	[smem:$0x3FAB] =	sst s1  }
0xa: {  	[smem:$0x3FAC] =	sst s2  }
0xb: {  	[smem:$0x3FAD] =	sst s3  }
0xc: {  	[smem:$0x3FAE] =	sst s4  }
0xd: {  	[smem:$0x3FAF] =	sst s5  }
0xe: {  	[smem:$0x3FB0] =	sst s6  }
0xf: {  	[smem:$0x3FB1] =	sst s7  }
0x10: {  	[smem:$0x3FB2] =	sst s8  }
0x11: {  	[smem:$0x3FB3] =	sst s9;
	s0 =	simm.s32 @!p0 $0x0  }
0x12: {  	s1 =	sld [smem:$0x3F99];
	s0 =	simm.s32 @p0 $0x1  }
0x13: {  	[smem:$0x3FB4] =	sst s0;
	s0 =	simm.s32 @!p1 $0x0  }
0x14: {  	s2 =	sld [smem:$0x3F98];
	s0 =	simm.s32 @p1 $0x1  }
0x15: {  	[smem:$0x3FB5] =	sst s0;
	s0 =	simm.s32 @!p2 $0x0  }
0x16: {  	s3 =	sld [smem:$0x3FDB];
	s0 =	simm.s32 @p2 $0x1  }
0x17: {  	s4 =	simm.s32 $0x1BF5;
	[smem:$0x3FB7] =	sst s0  }
0x18: {  	s0 =	sld [smem:$0x3F9A];
	_ =	swait.ge [sflag:s4], $0x0  }
0x19: {  	s7 =	sld [smem:$0x3F9B]  }
0x1a: {  	s8 =	sadd.s32 $0xFFFFE003, lr  }
0x1b: {  	s9 =	sadd.s32 $0xFFFFFEF7, lr;
	s5 =	simm.s32 $0xFFFFFFFF;
	p2 =	slt.u32 s8, $0xFFFFF086  }
0x1c: {  	p1 =	slt.u32 s9, $0xF7A;
	s5 =	simm.s32 @!p2 $0x0  }
0x1d: {  	s5 =	simm.s32 @p1 $0x1;
	p0 =	seq.s32 s7, s2  }
0x1e: {  	s7 =	smul.u32 @!p0 $0xF7A, s2;
	p2 =	seq.s32 @!p0 s5, $0x0  }
0x1f: {  	s9 =	smul.u32 $0xF7A, s1;
	s8 =	simm.s32 @!p0 $0x1BF5;
	p2 =	por !p2, p0  }
0x20: {  	[sflag:s8] =	ssyncset.s32 @!p0 $0xFFFFF086;
	s6 =	sadd.s32 @!p0 s3, s7;
	s7 =	simm.s32 @!p0 $0x108  }
0x21: {  	s3 =	sadd.s32 s3, s9;
	s6 =	sadd.s32 @!p0 $0x88, s6;
	s7 =	simm.s32 @p2 $0x1082  }
0x22: {  	[simem:s7], [sflag:s8] =	dma.local @!p0 [hbm:s6], $0xF7A  }
0x23: {  	s9 =	sor.u32 $0xD0000000, s2;
	s6 =	simm.s32 $0x108;
	_ =	swait.ge @!p0 [sflag:s8], $0x0  }
0x24: {  	s3 =	sadd.s32 $0x88, s3;
	s6 =	simm.s32 @!p1 $0x1082;
	[sflag:s4] =	ssyncset.s32 $0xFFFFF086  }
0x25: {  	[simem:s6], [sflag:s4] =	dma.local [hbm:s3], $0xF7A  }
0x26: {  	[smem:$0x3F9B] =	sst s1;
	(tag) =	ssettag s2;
	_ =	strace s9  }
0x27: {  	s1 =	sld [smem:$0x3FAB]  }
0x28: {  	s2 =	sld [smem:$0x3FAC]  }
0x29: {  	s4 =	sld [smem:$0x3FAE]  }
0x2a: {  	p0 =	seq.s32 s5, $0x0;
	s5 =	sld [smem:$0x3FAF]  }
0x2b: {  	s6 =	sld [smem:$0x3FB0]  }
0x2c: {  	s7 =	sld [smem:$0x3FB1]  }
0x2d: {  	s3 =	simm.s32 $0x108;
	s8 =	sld [smem:$0x3FB2]  }
0x2e: {  	s3 =	simm.s32 @!p0 $0x1082;
	s9 =	sld [smem:$0x3FB3]  }
0x2f: {  	lr =	sadd.s32 s0, s3;
	s0 =	sld [smem:$0x3FAA]  }
0x30: {  	s3 =	sld [smem:$0x3FAD]  }
0x31: {  	[smem:$0x3FB6] =	sst s10  }
0x32: {  	s10 =	sld [smem:$0x3FB4];
	_ =	sdelay $0x3  }
0x33: {  	p0 =	seq.s32 s10, $0x1;
	s10 =	sld [smem:$0x3FB6];
	_ =	sdelay $0x3  }
0x34: {  	[smem:$0x3FB6] =	sst s10  }
0x35: {  	s10 =	sld [smem:$0x3FB5];
	_ =	sdelay $0x3  }
0x36: {  	p1 =	seq.s32 s10, $0x1;
	s10 =	sld [smem:$0x3FB6];
	_ =	sdelay $0x3  }
0x37: {  	[smem:$0x3FB6] =	sst s10  }
0x38: {  	s10 =	sld [smem:$0x3FB7]  }
0x39: {  	_ = 	snop;
	(pc) =	sbr.ind lr, $3  }
0x3a: {  	_ = 	snop  }
0x3b: {  	_ = 	snop  }
0x3c: {  	p2 =	seq.s32 s10, $0x1;
	s10 =	sld [smem:$0x3FB6]  }
0x3d: {  	_ =	shalt  }
0x3e: {  	_ =	shalt  }
0x3f: {  	_ =	shalt  }
0x40: {  	_ =	shalt  }
0x41: {  	_ =	shalt  }
0x42: {  	_ =	shalt  }
0x43: {  	_ =	shalt  }
0x44: {  	_ =	shalt  }
0x45: {  	_ =	shalt  }
0x46: {  	_ =	shalt  }
0x47: {  	_ =	shalt  }
0x48: {  	_ =	shalt  }
0x49: {  	_ =	shalt  }
0x4a: {  	_ =	shalt  }
0x4b: {  	_ =	shalt  }
0x4c: {  	_ =	shalt  }
0x4d: {  	_ =	shalt  }
0x4e: {  	_ =	shalt  }
0x4f: {  	_ =	shalt  }
0x50: {  	_ =	shalt  }
0x51: {  	_ =	shalt  }
0x52: {  	_ =	shalt  }
0x53: {  	_ =	shalt  }
0x54: {  	_ =	shalt  }
0x55: {  	_ =	shalt  }
0x56: {  	_ =	shalt  }
0x57: {  	_ =	shalt  }
0x58: {  	_ =	shalt  }
0x59: {  	_ =	shalt  }
0x5a: {  	_ =	shalt  }
0x5b: {  	_ =	shalt  }
0x5c: {  	_ =	shalt  }
0x5d: {  	_ =	shalt  }
0x5e: {  	_ =	shalt  }
0x5f: {  	_ =	shalt  }
0x60: {  	_ =	shalt  }
0x61: {  	_ =	shalt  }
0x62: {  	_ =	shalt  }
0x63: {  	_ =	shalt  }
0x64: {  	_ =	shalt  }
0x65: {  	_ =	shalt  }
0x66: {  	_ =	shalt  }
0x67: {  	_ =	shalt  }
0x68: {  	_ =	shalt  }
0x69: {  	_ =	shalt  }
0x6a: {  	_ =	shalt  }
0x6b: {  	_ =	shalt  }
0x6c: {  	_ =	shalt  }
0x6d: {  	_ =	shalt  }
0x6e: {  	_ =	shalt  }
0x6f: {  	_ =	shalt  }
0x70: {  	_ =	shalt  }
0x71: {  	_ =	shalt  }
0x72: {  	_ =	shalt  }
0x73: {  	_ =	shalt  }
0x74: {  	_ =	shalt  }
0x75: {  	_ =	shalt  }
0x76: {  	_ =	shalt  }
0x77: {  	_ =	shalt  }
0x78: {  	_ =	shalt  }
0x79: {  	_ =	shalt  }
0x7a: {  	_ =	shalt  }
0x7b: {  	_ =	shalt  }
0x7c: {  	_ =	shalt  }
0x7d: {  	_ =	shalt  }
0x7e: {  	_ =	shalt  }
0x7f: {  	_ =	shalt  }
0x80: {  	_ =	shalt  }
0x81: {  	_ =	shalt  }
0x82: {  	_ =	shalt  }
0x83: {  	_ =	shalt  }
0x84: {  	_ =	shalt  }
0x85: {  	_ =	shalt  }
0x86: {  	_ =	shalt  }
0x87: {  	_ =	shalt  }
.Lfunc_end0:
.L_simem_size_0:
called_computation_lowered:
.L_overlay_start_0:
0x88: {  	s2 =	sld [smem:$0x3FD9]  }
0x89: {  	s3 =	sld [smem:$0x3FFE];
	_ =	sdelay $0x1  }
0x8a: {  	s1 =	srdreg.scid  }
0x8b: {  	s0 =	sand.u32 $0x1, s1  }
0x8c: {  	s17 =	sshll.u32 s0, $0xA;
	s2 =	sadd.s32 s3, s2  }
0x8d: {  	s2 =	sadd.s32 s2, s17  }
0x8e: {  	[smem:$0x3FC2] =	sst s2  }
0x8f: {  	_ = 	snop  }
0x90: {  	s2 =	sld [smem:$0x3FD0];
	(tm) =	ssettm $0x1  }
0x91: {  	s18 =	sld [smem:$0x3FFB];
	_ =	sdelay $0x3  }
0x92: {  	_ =	strace s18  }
0x93: {  	s3 =	sld [smem:$0x3FFC];
	_ =	sdelay $0x3  }
0x94: {  	_ =	strace s3  }
0x95: {  	s3 =	sld [smem:$0x3FFD];
	_ =	sdelay $0x3  }
0x96: {  	_ =	strace s3  }
0x97: {  	_ =	strace $0x8FFFFFFF  }
0x98: {  	s19 =	sld [smem:$0x3FDB];
	_ =	sdelay $0x1  }
0x99: {  	s4 =	simm.s32 $_scs_section_size  }
0x9a: {  	s5 =	simm.s32 $_size__tile_overlayer_lowered;
	s6 =	simm.s32 $_tile_overlayer_lowered  }
0x9b: {  	s22 =	simm.s32 $0x1BFF;
	s21 =	sshll.u32 s6, $0x1;
	s3 =	sadd.s32 s4, s19  }
0x9c: {  	s7 =	simm.s32 $0x0;
	s20 =	sshll.u32 s5, $0x1;
	s5 =	sadd.s32 s21, s3  }
0x9d: {  	[timem:s7], [sflag:s22] =	dma.local [hbm:s5], s20  }
0x9e: {  	_ =	swait.ge [sflag:s22], s20  }
0x9f: {  	s4 =	ssub.s32 $0x0, s20;
	[sflag:s22] =	ssyncset.done $0x0  }
0xa0: {  	[sflag:s22] =	ssyncadd.s32 s4;
	_ =	sdelay $0x1  }
0xa1: {  	s23 =	simm.s32 $0x1B8B  }
0xa2: {  	_ =	swait.ge [sflag:s23], $0x1  }
0xa3: {  	[sflag:s23] =	ssyncset.done $0x0  }
0xa4: {  	s25 =	simm.s32 $0x1B8E;
	s24 =	sld [smem:$0x3FFE];
	[sflag:s23] =	ssyncadd.s32 $0xFFFFFFFF  }
0xa5: {  	s26 =	simm.s32 $execute0_lowered;
	[smem:$0x3FD2] =	sst s25  }
0xa6: {  	s5 =	sshll.u32 s26, $0x1;
	_ =	strace $0x80000046;
	[dreg:$0x1] =	wrdreg $0xFFFFFFFF  }
0xa7: {  	s28 =	simm.s32 $_size_execute0_lowered;
	s3 =	sadd.s32 s3, s5;
	[dreg:$0x0] =	wrdreg $0x0  }
0xa8: {  	s5 =	sshll.u32 s28, $0x1;
	[dreg:$0x2] =	wrdreg s3  }
0xa9: {  	[dreg:$0x3] =	wrdreg s5  }
0xaa: {  	[dreg:$0x4] =	wrdreg $0xC0  }
0xab: {  	_ =	task [dreg:s7], $0x5FFFF  }
0xac: {  	[dreg:$0x1] =	wrdreg $0xFFFFFFFF  }
0xad: {  	[dreg:$0x0] =	wrdreg $0x60  }
0xae: {  	[dreg:$0x2] =	wrdreg s24  }
0xaf: {  	[dreg:$0x3] =	wrdreg s2  }
0xb0: {  	[dreg:$0x4] =	wrdreg $0x2F800  }
0xb1: {  	[dreg:$0x5] =	wrdreg $0x9  }
0xb2: {  	_ =	task.clear_ibuf [dreg:s7], $0x6FFFF;
	_ =	strace $0x90000046  }
0xb3: {  	s29 =	simm.s32 $0x9;
	_ =	strace $0x80000048  }
0xb4: {  	_ =	swait.ge [sflag:s29], $0x1  }
0xb5: {  	[sflag:s29] =	ssyncadd.s32 $0xFFFFFFFF  }
0xb6: {  	_ =	strace $0x90000048  }
0xb7: {  	_ =	sfence  }
0xb8: {  	s30 =	sld [smem:$0x0];
	_ =	sdelay $0x2  }
0xb9: {  	s31 =	sshll.u32 s1, $0xD;
	s1 =	sshrl.u32 s1, $0x2  }
0xba: {  	s3 =	sand.u32 $0x4000, s31;
	s1 =	sadd.s32 s1, s30  }
0xbb: {  	s0 =	sor.u32 s3, s0;
	s1 =	sshll.u32 s1, $0x11  }
0xbc: {  	s0 =	sor.u32 s1, s0  }
0xbd: {  	s0 =	sadd.s32 $0x8F2B, s0  }
0xbe: {  	[sflag:s0] =	ssyncadd.remote.s32 $0x1  }
0xbf: {  	_ =	sfence.sel $0xFFFF  }
0xc0: {  	[dreg:$0x0] =	wrdreg $0xFFFFFFFF;
	(pc) =	sbr.abs _section_cstart, $3  }
0xc1: {  	[dreg:$0x1] =	wrdreg $0xFFFFFFFF  }
0xc2: {  	_ =	task.clear_ibuf [dreg:s7], $0x2FFFF;
	_ =	strace $0x9FFFFFFF  }
0xc3: {  	(tm) =	ssettm $0x7FFFFFFF  }
tec
execute0_lowered:
.L_overlay_start_1:
0x0: {  	(tag) =	ssettag $0x1  }
0x1: {  	s6 =	rddreg [dreg:$0x0]  }
0x2: {  	s2 =	rddreg [dreg:$0x1]  }
0x3: {  	s0 =	srdreg.scid;
	s3 =	rddreg [dreg:$0x2]  }
0x4: {  	s4 =	simm.s32 $0x0;
	s5 =	sand.u32 $0x1, s0;
	s0 =	stileid.u32  }
0x5: {  	[smem:$0x7FF] =	sst s4;
	s28 =	smul.u32 $0x2800, s0  }
0x6: {  	s1 =	sshll.u32 s5, $0x4;
	s9 =	smul.u32 $0x5000, s5;
	s5 =	ssub.s32 $0x2, s5  }
0x7: {  	s31 =	sshll.u32 s0, $0x6;
	s11 =	sor.u32 s0, s1;
	s1 =	rddreg [dreg:$0x3]  }
0x8: {  	_ =	strace $0x80000047;
	s30 =	sshrl.u32 s5, $0x1;
	s7 =	smul.u32 $0x4E, s11  }
0x9: {  	s8 =	smin.u32 s11, $0x4;
	s14 =	sshrl.u32 s28, $0x3;
	s12 =	sadd.s32 s9, s6  }
0xa: {  	s13 =	ssub.s32 s5, s30;
	p0 =	slt.u32 s11, $0x4;
	s5 =	simm.s32 $0x4F  }
0xb: {  	s15 =	sadd.s32 s28, s3;
	s29 =	sadd.s32 s14, s6;
	s5 =	simm.s32 @!p0 $0x4E  }
0xc: {  	s16 =	sadd.s32 $0x1AC00, s12;
	p0 =	sgt.u32 s11, $0x3;
	s7 =	sadd.s32 s8, s7  }
0xd: {  	s11 =	sshrl.u32 s15, $0x3;
	s12 =	simm.s32 $0x2;
	s7 =	sshll.u32 s7, $0x4  }
0xe: {  	s15 =	simm.s32 $0x0;
	s14 =	sadd.s32 s14, s16;
	s10 =	sadd.s32 s7, s6  }
0xf: {  	s6 =	sadd.s32 $0x15C00, s29;
	s7 =	sor.u32 $0x1C02, s31;
	s8 =	sadd.s32 $0xBE00, s10  }
0x10: {  	s9 =	sadd.s32 $0xC2E0, s10;
	s10 =	smax.u32 s13, $0x1;
	s13 =	simm.s32 $0x2780  }
.LBB2_1:
0x11: {  	[spmem:s11], [sflag:s7] =	dma.local [hbm:s6], $0x500  }
0x12: {  	_ =	swait.ge [sflag:s12], $0x500  }
0x13: {  	[sflag:s12] =	ssyncset.done $0x0  }
0x14: {  	[sflag:s12] =	ssyncadd.s32 $0xFFFFFB00  }
0x15: {  	[tilespmem:s13], [sflag:$0x2] =	stream.linear.gather [hbm4b:s2+s4], $0x800, $0x38;
	[tilespmem:$0x5780] =	vst v63  }
0x16: {  	_ =	swait.ge [sflag:s12], $0x800  }
0x17: {  	[sflag:s12] =	ssyncset.done $0x0  }
0x18: {  	[sflag:s12] =	ssyncadd.s32 $0xFFFFF800  }
0x19: {  	[tilespmem:s4], [sflag:$0x2] =	stream.linear.gather [hbm4b:s8+s4], $0x2700, $0x38;
	[tilespmem:$0x5780] =	vst v63  }
0x1a: {  	_ =	swait.ge [sflag:s12], $0x2700  }
0x1b: {  	[sflag:s12] =	ssyncset.done $0x0  }
0x1c: {  	s16 =	simm.s32 @!p0 $0x0;
	s17 =	simm.s32 @!p0 $0x2700;
	[sflag:s12] =	ssyncadd.s32 $0xFFFFD900  }
0x1d: {  	[tilespmem:s17], [sflag:$0x2] =	stream.linear.gather @!p0 [hbm4b:s9+s16], $0x80, $0x38;
	[tilespmem:$0x5780] =	vst v63  }
0x1e: {  	s16 =	simm.s32 @!p0 $0x2  }
0x1f: {  	_ =	swait.ge @!p0 [sflag:s16], $0x80  }
0x20: {  	[sflag:s16] =	ssyncset.done @!p0 $0x0  }
0x21: {  	[sflag:s16] =	ssyncadd.s32 @!p0 $0xFFFFFF80  }
0x22: {  	s17 =	simm.s32 $0x0;
	s16 =	simm.s32 $0x0;
	[bflag:$0x0] =	sbarrier.arrive $0xFFFF  }
.LBB2_2:
0x23: {  	p1 =	sge.u32 s17, s5  }
0x24: {  	s17 =	sadd.s32 $0x1, s17;
	s18 =	simm.s32 @!p1 $0x80;
	s19 =	simm.s32 @!p1 $0x2780  }
0x25: {  	[spmem:s3] =	stream.indirect.scatter.add.f32 @!p1 [tilespmem:s19], [sflag:$0x1], $0x10, s16, s18, $0xb8;
	[tilespmem:$0x5780] =	vst v63  }
0x26: {  	p1 =	sne.s32 s17, $0x4F  }
.Ltmp0:
0x27: {  	_ = 	snop;
	(pc) =	sbr.rel @p1 .LBB2_2-.Ltmp0, $2  }
0x28: {  	_ =	sdelay $0x2  }
0x29: {  	s16 =	sadd.s32 $0x80, s16  }
0x2a: {  	p1 =	sle.u32 s5, $0x0  }
0x2b: {  	s17 =	simm.s32 @!p1 $0x1  }
0x2c: {  	_ =	swait.ge @!p1 [sflag:s17], $0x800  }
0x2d: {  	s16 =	simm.s32 $0x1;
	[sflag:s17] =	ssyncset.done @!p1 $0x0  }
.LBB2_4:
0x2e: {  	[sflag:s17] =	ssyncadd.s32 @!p1 $0xFFFFF800;
	s17 =	smov.u32 s16;
	s16 =	sadd.s32 $0x1, s16  }
0x2f: {  	p2 =	sne.s32 s16, $0x4F  }
.Ltmp1:
0x30: {  	(pc) =	sbr.rel @p2 .LBB2_4-.Ltmp1, $4  }
0x31: {  	p1 =	sge.u32 s17, s5  }
0x32: {  	s17 =	simm.s32 @!p1 $0x1  }
0x33: {  	_ =	swait.ge @!p1 [sflag:s17], $0x800  }
0x34: {  	[sflag:s17] =	ssyncset.done @!p1 $0x0  }
0x35: {  	s15 =	sadd.s32 $0x1, s15  }
0x36: {  	[sflag:s17] =	ssyncadd.s32 @!p1 $0xFFFFF800;
	p1 =	sne.s32 s15, s10  }
.Ltmp2:
0x37: {  	[bflag:$0x0] =	sbarrier.arrive $0xFFFF;
	(pc) =	sbr.rel @p1 .LBB2_1-.Ltmp2, $4  }
0x38: {  	[hbm:s14], [sflag:s7] =	dma.local [spmem:s11], $0x500  }
0x39: {  	_ =	swait.ge [sflag:s12], $0x500  }
0x3a: {  	[sflag:s12] =	ssyncset.done $0x0  }
0x3b: {  	[sflag:s12] =	ssyncadd.s32 $0xFFFFFB00  }
0x3c: {  	_ =	sfence.sel $0x180000  }
0x3d: {  	[bflag:$0x0] =	sbarrier.arrive $0xFFFF  }
0x3e: {  	p0 =	sne.s32 s0, $0x0;
	_ =	strace $0x90000047  }
0x3f: {  	s0 =	sadd.s32 @!p0 $0x100000, s1;
	[bflag:$0x2] =	sbarrier.arrive $0xFFFF  }
0x40: {  	[sflag:s0] =	ssyncadd.tile.s32 @!p0 $0x1;
	_ =	shalt  }
.Lfunc_end2:
_tile_overlayer_lowered:
.L_overlay_start_2:
0x41: {  	(tag) =	ssettag $0x2  }
0x42: {  	s0 =	rddreg [dreg:$0x0];
	s2 =	stileid.u32  }
0x43: {  	s1 =	rddreg [dreg:$0x1];
	p0 =	sne.s32 s2, $0x0  }
0x44: {  	s3 =	rddreg [dreg:$0x2];
	[bflag:$0x3] =	sbarrier.arrive $0xFFFF;
	s2 =	simm.s32 @!p0 $0x1C02  }
0x45: {  	[timem:s3], [sflag:s2] =	dma.local @!p0 [hbm:s0], s1  }
0x46: {  	s0 =	simm.s32 @!p0 $0x2  }
0x47: {  	_ =	swait.ge @!p0 [sflag:s0], s1  }
0x48: {  	s1 =	ssub.s32 @!p0 $0x0, s1;
	[sflag:s0] =	ssyncset.done @!p0 $0x0  }
0x49: {  	[sflag:s0] =	ssyncadd.s32 @!p0 s1  }
0x4a: {  	[bflag:$0x3] =	sbarrier.arrive $0xFFFF  }
0x4b: {  	_ =	shalt  }

</sc_bundles>
